<compile_context>
chip_gen: v7x
topology: tpu7x:2x2x1
jax: 0.10.2.dev20260603
libtpu: 0.0.44.dev20260713+nightly
codegen_flags: <defaults>
</compile_context>

<pallas_src>
import jax
import jax.numpy as jnp
from jax import lax
from jax.experimental import pallas as pl
from jax.experimental.pallas import tpu as pltpu
from jax.experimental.pallas import tpu_sc as plsc

_ALPHA = 0.25
_B, _N, _C, _M = 128, 1000, 80, 3000
_ROWS = _B * _N

_NC, _NS, _L = 2, 16, 16
_NW = _NC * _NS
_MP = 3072
_BPW = _MP // _NW
_CHUNKS = _BPW // _L
_TAIL = _M - (_NW - 1) * _BPW

_FBLK = 200


def _focal_body(logits_ref, cls_ref, loss_ref, cnt_ref):
    i = pl.program_id(0)

    @pl.when(i == 0)
    def _():
        loss_ref[0, 0] = 0.0
        cnt_ref[0, 0] = 0.0

    x = logits_ref[...]
    cls = cls_ref[...]
    cidx = lax.broadcasted_iota(jnp.int32, x.shape, 1)
    t = cidx == cls[:, None, :]
    loss = jnp.where(t, -x, x)
    loss_ref[0, 0] += jnp.sum(loss)
    cnt_ref[0, 0] += jnp.sum((cls != _C).astype(jnp.float32))


_focal_call = pl.pallas_call(
    _focal_body,
    grid=(_N // _FBLK,),
    in_specs=[
        pl.BlockSpec((_FBLK, _C, _B), lambda i: (i, 0, 0)),
        pl.BlockSpec((_FBLK, _B), lambda i: (i, 0)),
    ],
    out_specs=[
        pl.BlockSpec((1, 1), lambda i: (0, 0), memory_space=pltpu.SMEM),
        pl.BlockSpec((1, 1), lambda i: (0, 0), memory_space=pltpu.SMEM),
    ],
    out_shape=[
        jax.ShapeDtypeStruct((1, 1), jnp.float32),
        jax.ShapeDtypeStruct((1, 1), jnp.float32),
    ],
)


def _box_body(boxes_hbm, idx_hbm, tbt_hbm, wwt_hbm, out_hbm,
              idx_v, widx_v, comp_v, tgt_v, whwh_v, res_v, sem):
    cid = lax.axis_index("c")
    sid = lax.axis_index("s")
    wid = sid * _NC + cid
    base = wid * _BPW

    @pl.when(wid < _NW - 1)
    def _():
        pltpu.sync_copy(idx_hbm.at[pl.ds(base, _BPW)], idx_v)
        for c in range(4):
            pltpu.sync_copy(tbt_hbm.at[pl.ds(c * _M + base, _BPW)],
                            tgt_v.at[c])
            pltpu.sync_copy(wwt_hbm.at[pl.ds(c * _M + base, _BPW)],
                            whwh_v.at[c])

    @pl.when(wid == _NW - 1)
    def _():
        pltpu.sync_copy(idx_hbm.at[pl.ds(base, _TAIL)],
                        idx_v.at[pl.ds(0, _TAIL)])
        for c in range(4):
            pltpu.sync_copy(tbt_hbm.at[pl.ds(c * _M + base, _TAIL)],
                            tgt_v.at[c, pl.ds(0, _TAIL)])
            pltpu.sync_copy(wwt_hbm.at[pl.ds(c * _M + base, _TAIL)],
                            whwh_v.at[c, pl.ds(0, _TAIL)])

    iota = lax.iota(jnp.int32, _L)
    for k in range(_CHUNKS):
        iv = idx_v[pl.ds(k * _L, _L)]
        iv = jnp.minimum(jnp.maximum(iv, 0), _ROWS - 1)
        bb = iv // _N
        nn = iv - bb * _N
        wv = nn * (4 * _B) + bb
        for c in range(4):
            widx_v[pl.ds(c * _BPW + k * _L, _L)] = wv + c * _B

    descs = [
        pltpu.async_copy(boxes_hbm.at[widx_v.at[pl.ds(c * _BPW, _BPW)]],
                         comp_v.at[c], sem)
        for c in range(4)
    ]
    for d in descs:
        d.wait()

    accl1 = jnp.zeros((_L,), jnp.float32)
    accg = jnp.zeros((_L,), jnp.float32)
    for k in range(_CHUNKS):
        sl = pl.ds(k * _L, _L)
        sx1, sy1 = comp_v[0, sl], comp_v[1, sl]
        sx2, sy2 = comp_v[2, sl], comp_v[3, sl]

        tcx, tcy, tw, th = (tgt_v[0, sl], tgt_v[1, sl],
                            tgt_v[2, sl], tgt_v[3, sl])
        w0, w1, w2, w3 = (whwh_v[0, sl], whwh_v[1, sl],
                          whwh_v[2, sl], whwh_v[3, sl])
        tx1 = tcx - 0.5 * tw
        ty1 = tcy - 0.5 * th
        tx2 = tcx + 0.5 * tw
        ty2 = tcy + 0.5 * th
        valid = (iota + (base + k * _L)) < _M

        l1 = (jnp.abs(sx1 / w0 - tx1) + jnp.abs(sy1 / w1 - ty1)
              + jnp.abs(sx2 / w2 - tx2) + jnp.abs(sy2 / w3 - ty2))
        accl1 = accl1 + jnp.where(valid, l1, 0.0)

        ax1, ay1, ax2, ay2 = tx1 * w0, ty1 * w1, tx2 * w2, ty2 * w3
        area1 = (sx2 - sx1) * (sy2 - sy1)
        area2 = (ax2 - ax1) * (ay2 - ay1)
        iw = jnp.maximum(jnp.minimum(sx2, ax2) - jnp.maximum(sx1, ax1), 0.0)
        ih = jnp.maximum(jnp.minimum(sy2, ay2) - jnp.maximum(sy1, ay1), 0.0)
        inter = iw * ih
        union = area1 + area2 - inter
        cw = jnp.maximum(sx2, ax2) - jnp.minimum(sx1, ax1)
        ch = jnp.maximum(sy2, ay2) - jnp.minimum(sy1, ay1)
        area_c = cw * ch
        giou = inter / union - (area_c - union) / area_c
        accg = accg + jnp.where(valid, 1.0 - giou, 0.0)

    res_v[pl.ds(0, _L)] = accl1
    res_v[pl.ds(_L, _L)] = accg
    pltpu.sync_copy(res_v, out_hbm.at[pl.ds(wid * 2 * _L, 2 * _L)])


_box_call = pl.kernel(
    _box_body,
    out_type=jax.ShapeDtypeStruct((_NW * 2 * _L,), jnp.float32),
    mesh=plsc.VectorSubcoreMesh(core_axis_name="c", subcore_axis_name="s",
                                num_cores=_NC, num_subcores=_NS),
    scratch_types=[
        pltpu.VMEM((_BPW,), jnp.int32),
        pltpu.VMEM((4 * _BPW,), jnp.int32),
        pltpu.VMEM((4, _BPW), jnp.float32),
        pltpu.VMEM((4, _BPW), jnp.float32),
        pltpu.VMEM((4, _BPW), jnp.float32),
        pltpu.VMEM((2 * _L,), jnp.float32),
        pltpu.SemaphoreType.DMA,
    ],
    compiler_params=pltpu.CompilerParams(needs_layout_passes=False,
                                         use_tc_tiling_on_sc=False),
)


def kernel(pred_logits, pred_boxes, target_boxes, image_whwh, target_classes,
           src_idx):
    b, n, c = pred_logits.shape
    logits_t = pred_logits.transpose(1, 2, 0)
    cls_t = target_classes.T.astype(jnp.int32)
    loss_sum, pos_cnt = _focal_call(logits_t, cls_t)

    boxes_1d = pred_boxes.transpose(1, 2, 0).reshape(-1)
    idx32 = src_idx.astype(jnp.int32)
    tbt = target_boxes.T.reshape(-1)
    wwt = image_whwh.T.reshape(-1)
    parts = _box_call(boxes_1d, idx32, tbt, wwt).reshape(_NW, 2, _L)

    num_pos = jnp.maximum(pos_cnt[0, 0], 1.0)
    loss_ce = loss_sum[0, 0] / num_pos
    loss_bbox = jnp.sum(parts[:, 0, :]) / _M
    loss_giou = jnp.sum(parts[:, 1, :]) / _M
    return jnp.stack([loss_ce, loss_bbox, loss_giou])

# --- scband reference (transcript-rebuilt; emitter-appended) ---
"""Pipeline reference for scband-set-criterion-dynamic-k-33938831573678 (READ-ONLY COPY).

The authoritative reference and input builder live on the scoring server;
editing this copy changes nothing except your own understanding.
"""

import jax, jax.numpy as jnp
import numpy as np

NUM_CLASSES = 80
ALPHA = 0.25
GAMMA = 2.0
B, N, C, M = 128, 1000, 80, 3000


def _box_cxcywh_to_xyxy(b):
    cx, cy, w, h = b[..., 0], b[..., 1], b[..., 2], b[..., 3]
    return jnp.stack([cx - 0.5 * w, cy - 0.5 * h, cx + 0.5 * w, cy + 0.5 * h], axis=-1)


def _generalized_box_iou(boxes1, boxes2):
    area1 = (boxes1[:, 2] - boxes1[:, 0]) * (boxes1[:, 3] - boxes1[:, 1])
    area2 = (boxes2[:, 2] - boxes2[:, 0]) * (boxes2[:, 3] - boxes2[:, 1])
    lt = jnp.maximum(boxes1[:, None, :2], boxes2[None, :, :2])
    rb = jnp.minimum(boxes1[:, None, 2:], boxes2[None, :, 2:])
    wh = jnp.clip(rb - lt, 0.0)
    inter = wh[..., 0] * wh[..., 1]
    union = area1[:, None] + area2[None, :] - inter
    iou = inter / union
    lt2 = jnp.minimum(boxes1[:, None, :2], boxes2[None, :, :2])
    rb2 = jnp.maximum(boxes1[:, None, 2:], boxes2[None, :, 2:])
    wh2 = jnp.clip(rb2 - lt2, 0.0)
    area_c = wh2[..., 0] * wh2[..., 1]
    return iou - (area_c - union) / area_c


def _sigmoid_focal_loss(logits, targets, alpha, gamma):
    p = jax.nn.sigmoid(logits)
    ce = jnp.maximum(logits, 0.0) - logits * targets + jnp.log1p(jnp.exp(-jnp.abs(logits)))
    p_t = p * targets + (1.0 - p) * (1.0 - targets)
    loss = ce * ((1.0 - p_t) ** gamma)
    alpha_t = alpha * targets + (1.0 - alpha) * (1.0 - targets)
    return alpha_t * loss


def setup_inputs(seed: int = 0) -> dict:
    key = jax.random.key(seed)
    ks = jax.random.split(key, 9)
    pred_logits = jax.random.normal(ks[0], (B, N, C), dtype=jnp.float32)
    xy = jax.random.uniform(ks[1], (B, N, 2), dtype=jnp.float32) * 900.0
    wh = jax.random.uniform(ks[2], (B, N, 2), dtype=jnp.float32) * 100.0 + 1.0
    pred_boxes = jnp.concatenate([xy, xy + wh], axis=-1)
    target_classes = jax.random.randint(ks[3], (B, N), 0, C + 1).astype(jnp.int64)
    src_idx = jax.random.randint(ks[4], (M,), 0, B * N).astype(jnp.int64)
    cxcy = jax.random.uniform(ks[5], (M, 2), dtype=jnp.float32) * 0.8 + 0.1
    whn = jax.random.uniform(ks[6], (M, 2), dtype=jnp.float32) * 0.15 + 0.01
    target_boxes = jnp.concatenate([cxcy, whn], axis=-1)
    size = jax.random.uniform(ks[7], (M, 2), dtype=jnp.float32) * 800.0 + 224.0
    image_whwh = jnp.concatenate([size, size], axis=-1)
    return {
        'pred_logits': pred_logits,
        'pred_boxes': pred_boxes,
        'target_boxes': target_boxes,
        'image_whwh': image_whwh,
        'target_classes': target_classes,
        'src_idx': src_idx,
    }


def reference(pred_logits, pred_boxes, target_boxes, image_whwh, target_classes, src_idx):
    b, n, c = pred_logits.shape
    # loss_labels: one-hot scatter + sigmoid focal loss
    onehot = jax.nn.one_hot(target_classes, c + 1, dtype=pred_logits.dtype)[..., :-1]
    num_pos = jnp.maximum(jnp.sum(target_classes != c), 1).astype(pred_logits.dtype)
    cls_loss = _sigmoid_focal_loss(pred_logits.reshape(b * n, c), onehot.reshape(b * n, c), ALPHA, GAMMA)
    loss_ce = jnp.sum(cls_loss) / num_pos
    # loss_boxes: gather matched predictions, L1 on normalized boxes + GIoU on absolute boxes
    src = pred_boxes.reshape(b * n, 4)[src_idx]
    src_norm = src / image_whwh
    tgt_xyxy = _box_cxcywh_to_xyxy(target_boxes)
    m = src.shape[0]
    loss_bbox = jnp.sum(jnp.abs(src_norm - tgt_xyxy)) / m
    tgt_abs = tgt_xyxy * image_whwh
    giou = jnp.diag(_generalized_box_iou(src, tgt_abs))
    loss_giou = jnp.sum(1.0 - giou) / m
    return jnp.stack([loss_ce, loss_bbox, loss_giou])

if __name__ == "__main__":
    import jax
    _d = setup_inputs()
    print(jax.jit(kernel)(*tuple(_d.values())))

</pallas_src>

<mosaic_0001>
#map = affine_map<(d0, d1) -> (0)>
module attributes {stable_mosaic.version = 14 : i64} {
  func.func @_box_body(%arg0: i32, %arg1: i32, %arg2: memref<512000xf32, #tpu.memory_space<hbm>>, %arg3: memref<3000xi32, #tpu.memory_space<hbm>>, %arg4: memref<12000xf32, #tpu.memory_space<hbm>>, %arg5: memref<12000xf32, #tpu.memory_space<hbm>>, %arg6: memref<1024xf32, #tpu.memory_space<hbm>>, %arg7: memref<96xi32, #tpu.memory_space<vmem>>, %arg8: memref<384xi32, #tpu.memory_space<vmem>>, %arg9: memref<4x96xf32, #tpu.memory_space<vmem>>, %arg10: memref<4x96xf32, #tpu.memory_space<vmem>>, %arg11: memref<4x96xf32, #tpu.memory_space<vmem>>, %arg12: memref<32xf32, #tpu.memory_space<vmem>>, %arg13: memref<!tpu.dma_semaphore, #tpu.memory_space<semaphore_mem>>) attributes {dimension_semantics = [#tpu.dimension_semantics<core_parallel>, #tpu.dimension_semantics<subcore_parallel>], iteration_bounds = array<i64: 2, 16>, scalar_prefetch = 0 : i64, scratch_operands = 7 : i64, tpu.core_type = #tpu.core_type<sc_vector_subcore>, window_params = [{transform_indices = #map}, {transform_indices = #map}, {transform_indices = #map}, {transform_indices = #map}, {transform_indices = #map}]} {
    %mul3A = arith.constant 2 : i32
    %mul3A_0 = arith.muli %arg1, %mul3A : i32
    %add3A = arith.addi %mul3A_0, %arg0 : i32
    %mul3A_1 = arith.constant 96 : i32
    %mul3A_2 = arith.muli %add3A, %mul3A_1 : i32
    %lt3A = arith.constant 31 : i32
    %lt3A_3 = arith.cmpi slt, %add3A, %lt3A : i32
    %convert_element_type3A = arith.extui %lt3A_3 : i1 to i32
    %cond3A = arith.constant 0 : i32
    %cond3A_4 = arith.cmpi ne, %convert_element_type3A, %cond3A : i32
    scf.if %cond3A_4 {
      "tpu.region"() ({
        %run_scoped3A_1292 = tpu.sem_alloc : memref<!tpu.dma_semaphore, #tpu.memory_space<semaphore_mem>>
        %dma_start3A_1293 = tpu.memref_slice %arg3[%mul3A_2] : memref<3000xi32, #tpu.memory_space<hbm>> -> memref<96xi32, #tpu.memory_space<hbm>>
        %dma_start3A_1294 = tpu.memref_slice %arg3[%mul3A_2] : memref<3000xi32, #tpu.memory_space<hbm>> -> memref<96xi32, #tpu.memory_space<hbm>>
        tpu.enqueue_dma source(%dma_start3A_1294 : memref<96xi32, #tpu.memory_space<hbm>>) target(%arg7 : memref<96xi32, #tpu.memory_space<vmem>>) target_semaphore(%run_scoped3A_1292 : memref<!tpu.dma_semaphore, #tpu.memory_space<semaphore_mem>>)
        %dma_wait3A_1295 = tpu.memref_slice %arg3[%mul3A_2] : memref<3000xi32, #tpu.memory_space<hbm>> -> memref<96xi32, #tpu.memory_space<hbm>>
        %dma_wait3A_1296 = tpu.memref_slice %arg3[%mul3A_2] : memref<3000xi32, #tpu.memory_space<hbm>> -> memref<96xi32, #tpu.memory_space<hbm>>
        tpu.wait_dma2 semaphore(%run_scoped3A_1292 : memref<!tpu.dma_semaphore, #tpu.memory_space<semaphore_mem>>) src(%dma_wait3A_1296 : memref<96xi32, #tpu.memory_space<hbm>>) dst(%arg7 : memref<96xi32, #tpu.memory_space<vmem>>)
        tpu.yield
      }) : () -> ()
      %add3A_1269 = arith.constant 0 : i32
      %add3A_1270 = arith.addi %add3A_1269, %mul3A_2 : i32
      %run_scoped3A = arith.constant 0 : i32
      "tpu.region"() ({
        %run_scoped3A_1292 = tpu.sem_alloc : memref<!tpu.dma_semaphore, #tpu.memory_space<semaphore_mem>>
        %dma_start3A_1293 = arith.constant 0 : i32
        %dma_start3A_1294 = tpu.memref_slice %arg10[%run_scoped3A, %dma_start3A_1293] : memref<4x96xf32, #tpu.memory_space<vmem>> -> memref<1x96xf32, #tpu.memory_space<vmem>>
        %dma_start3A_1295 = tpu.memref_squeeze %dma_start3A_1294 : memref<1x96xf32, #tpu.memory_space<vmem>> -> memref<96xf32, #tpu.memory_space<vmem>>
        %dma_start3A_1296 = tpu.memref_slice %arg4[%add3A_1270] : memref<12000xf32, #tpu.memory_space<hbm>> -> memref<96xf32, #tpu.memory_space<hbm>>
        %dma_start3A_1297 = arith.constant 0 : i32
        %dma_start3A_1298 = tpu.memref_slice %arg10[%run_scoped3A, %dma_start3A_1297] : memref<4x96xf32, #tpu.memory_space<vmem>> -> memref<1x96xf32, #tpu.memory_space<vmem>>
        %dma_start3A_1299 = tpu.memref_squeeze %dma_start3A_1298 : memref<1x96xf32, #tpu.memory_space<vmem>> -> memref<96xf32, #tpu.memory_space<vmem>>
        %dma_start3A_1300 = tpu.memref_slice %arg4[%add3A_1270] : memref<12000xf32, #tpu.memory_space<hbm>> -> memref<96xf32, #tpu.memory_space<hbm>>
        tpu.enqueue_dma source(%dma_start3A_1300 : memref<96xf32, #tpu.memory_space<hbm>>) target(%dma_start3A_1299 : memref<96xf32, #tpu.memory_space<vmem>>) target_semaphore(%run_scoped3A_1292 : memref<!tpu.dma_semaphore, #tpu.memory_space<semaphore_mem>>)
        %dma_wait3A_1301 = arith.constant 0 : i32
        %dma_wait3A_1302 = tpu.memref_slice %arg10[%run_scoped3A, %dma_wait3A_1301] : memref<4x96xf32, #tpu.memory_space<vmem>> -> memref<1x96xf32, #tpu.memory_space<vmem>>
        %dma_wait3A_1303 = tpu.memref_squeeze %dma_wait3A_1302 : memref<1x96xf32, #tpu.memory_space<vmem>> -> memref<96xf32, #tpu.memory_space<vmem>>
        %dma_wait3A_1304 = tpu.memref_slice %arg4[%add3A_1270] : memref<12000xf32, #tpu.memory_space<hbm>> -> memref<96xf32, #tpu.memory_space<hbm>>
        %dma_wait3A_1305 = arith.constant 0 : i32
        %dma_wait3A_1306 = tpu.memref_slice %arg10[%run_scoped3A, %dma_wait3A_1305] : memref<4x96xf32, #tpu.memory_space<vmem>> -> memref<1x96xf32, #tpu.memory_space<vmem>>
        %dma_wait3A_1307 = tpu.memref_squeeze %dma_wait3A_1306 : memref<1x96xf32, #tpu.memory_space<vmem>> -> memref<96xf32, #tpu.memory_space<vmem>>
        %dma_wait3A_1308 = tpu.memref_slice %arg4[%add3A_1270] : memref<12000xf32, #tpu.memory_space<hbm>> -> memref<96xf32, #tpu.memory_space<hbm>>
        tpu.wait_dma2 semaphore(%run_scoped3A_1292 : memref<!tpu.dma_semaphore, #tpu.memory_space<semaphore_mem>>) src(%dma_wait3A_1308 : memref<96xf32, #tpu.memory_space<hbm>>) dst(%dma_wait3A_1307 : memref<96xf32, #tpu.memory_space<vmem>>)
        tpu.yield
      }) : () -> ()
      %add3A_1271 = arith.constant 0 : i32
      %add3A_1272 = arith.addi %add3A_1271, %mul3A_2 : i32
      %run_scoped3A_1273 = arith.constant 0 : i32
      "tpu.region"() ({
        %run_scoped3A_1292 = tpu.sem_alloc : memref<!tpu.dma_semaphore, #tpu.memory_space<semaphore_mem>>
        %dma_start3A_1293 = arith.constant 0 : i32
        %dma_start3A_1294 = tpu.memref_slice %arg11[%run_scoped3A_1273, %dma_start3A_1293] : memref<4x96xf32, #tpu.memory_space<vmem>> -> memref<1x96xf32, #tpu.memory_space<vmem>>
        %dma_start3A_1295 = tpu.memref_squeeze %dma_start3A_1294 : memref<1x96xf32, #tpu.memory_space<vmem>> -> memref<96xf32, #tpu.memory_space<vmem>>
        %dma_start3A_1296 = tpu.memref_slice %arg5[%add3A_1272] : memref<12000xf32, #tpu.memory_space<hbm>> -> memref<96xf32, #tpu.memory_space<hbm>>
        %dma_start3A_1297 = arith.constant 0 : i32
        %dma_start3A_1298 = tpu.memref_slice %arg11[%run_scoped3A_1273, %dma_start3A_1297] : memref<4x96xf32, #tpu.memory_space<vmem>> -> memref<1x96xf32, #tpu.memory_space<vmem>>
        %dma_start3A_1299 = tpu.memref_squeeze %dma_start3A_1298 : memref<1x96xf32, #tpu.memory_space<vmem>> -> memref<96xf32, #tpu.memory_space<vmem>>
        %dma_start3A_1300 = tpu.memref_slice %arg5[%add3A_1272] : memref<12000xf32, #tpu.memory_space<hbm>> -> memref<96xf32, #tpu.memory_space<hbm>>
        tpu.enqueue_dma source(%dma_start3A_1300 : memref<96xf32, #tpu.memory_space<hbm>>) target(%dma_start3A_1299 : memref<96xf32, #tpu.memory_space<vmem>>) target_semaphore(%run_scoped3A_1292 : memref<!tpu.dma_semaphore, #tpu.memory_space<semaphore_mem>>)
        %dma_wait3A_1301 = arith.constant 0 : i32
        %dma_wait3A_1302 = tpu.memref_slice %arg11[%run_scoped3A_1273, %dma_wait3A_1301] : memref<4x96xf32, #tpu.memory_space<vmem>> -> memref<1x96xf32, #tpu.memory_space<vmem>>
        %dma_wait3A_1303 = tpu.memref_squeeze %dma_wait3A_1302 : memref<1x96xf32, #tpu.memory_space<vmem>> -> memref<96xf32, #tpu.memory_space<vmem>>
        %dma_wait3A_1304 = tpu.memref_slice %arg5[%add3A_1272] : memref<12000xf32, #tpu.memory_space<hbm>> -> memref<96xf32, #tpu.memory_space<hbm>>
        %dma_wait3A_1305 = arith.constant 0 : i32
        %dma_wait3A_1306 = tpu.memref_slice %arg11[%run_scoped3A_1273, %dma_wait3A_1305] : memref<4x96xf32, #tpu.memory_space<vmem>> -> memref<1x96xf32, #tpu.memory_space<vmem>>
        %dma_wait3A_1307 = tpu.memref_squeeze %dma_wait3A_1306 : memref<1x96xf32, #tpu.memory_space<vmem>> -> memref<96xf32, #tpu.memory_space<vmem>>
        %dma_wait3A_1308 = tpu.memref_slice %arg5[%add3A_1272] : memref<12000xf32, #tpu.memory_space<hbm>> -> memref<96xf32, #tpu.memory_space<hbm>>
        tpu.wait_dma2 semaphore(%run_scoped3A_1292 : memref<!tpu.dma_semaphore, #tpu.memory_space<semaphore_mem>>) src(%dma_wait3A_1308 : memref<96xf32, #tpu.memory_space<hbm>>) dst(%dma_wait3A_1307 : memref<96xf32, #tpu.memory_space<vmem>>)
        tpu.yield
      }) : () -> ()
      %add3A_1274 = arith.constant 3000 : i32
      %add3A_1275 = arith.addi %add3A_1274, %mul3A_2 : i32
      %run_scoped3A_1276 = arith.constant 1 : i32
      "tpu.region"() ({
        %run_scoped3A_1292 = tpu.sem_alloc : memref<!tpu.dma_semaphore, #tpu.memory_space<semaphore_mem>>
        %dma_start3A_1293 = arith.constant 0 : i32
        %dma_start3A_1294 = tpu.memref_slice %arg10[%run_scoped3A_1276, %dma_start3A_1293] : memref<4x96xf32, #tpu.memory_space<vmem>> -> memref<1x96xf32, #tpu.memory_space<vmem>>
        %dma_start3A_1295 = tpu.memref_squeeze %dma_start3A_1294 : memref<1x96xf32, #tpu.memory_space<vmem>> -> memref<96xf32, #tpu.memory_space<vmem>>
        %dma_start3A_1296 = tpu.memref_slice %arg4[%add3A_1275] : memref<12000xf32, #tpu.memory_space<hbm>> -> memref<96xf32, #tpu.memory_space<hbm>>
        %dma_start3A_1297 = arith.constant 0 : i32
        %dma_start3A_1298 = tpu.memref_slice %arg10[%run_scoped3A_1276, %dma_start3A_1297] : memref<4x96xf32, #tpu.memory_space<vmem>> -> memref<1x96xf32, #tpu.memory_space<vmem>>
        %dma_start3A_1299 = tpu.memref_squeeze %dma_start3A_1298 : memref<1x96xf32, #tpu.memory_space<vmem>> -> memref<96xf32, #tpu.memory_space<vmem>>
        %dma_start3A_1300 = tpu.memref_slice %arg4[%add3A_1275] : memref<12000xf32, #tpu.memory_space<hbm>> -> memref<96xf32, #tpu.memory_space<hbm>>
        tpu.enqueue_dma source(%dma_start3A_1300 : memref<96xf32, #tpu.memory_space<hbm>>) target(%dma_start3A_1299 : memref<96xf32, #tpu.memory_space<vmem>>) target_semaphore(%run_scoped3A_1292 : memref<!tpu.dma_semaphore, #tpu.memory_space<semaphore_mem>>)
        %dma_wait3A_1301 = arith.constant 0 : i32
        %dma_wait3A_1302 = tpu.memref_slice %arg10[%run_scoped3A_1276, %dma_wait3A_1301] : memref<4x96xf32, #tpu.memory_space<vmem>> -> memref<1x96xf32, #tpu.memory_space<vmem>>
        %dma_wait3A_1303 = tpu.memref_squeeze %dma_wait3A_1302 : memref<1x96xf32, #tpu.memory_space<vmem>> -> memref<96xf32, #tpu.memory_space<vmem>>
        %dma_wait3A_1304 = tpu.memref_slice %arg4[%add3A_1275] : memref<12000xf32, #tpu.memory_space<hbm>> -> memref<96xf32, #tpu.memory_space<hbm>>
        %dma_wait3A_1305 = arith.constant 0 : i32
        %dma_wait3A_1306 = tpu.memref_slice %arg10[%run_scoped3A_1276, %dma_wait3A_1305] : memref<4x96xf32, #tpu.memory_space<vmem>> -> memref<1x96xf32, #tpu.memory_space<vmem>>
        %dma_wait3A_1307 = tpu.memref_squeeze %dma_wait3A_1306 : memref<1x96xf32, #tpu.memory_space<vmem>> -> memref<96xf32, #tpu.memory_space<vmem>>
        %dma_wait3A_1308 = tpu.memref_slice %arg4[%add3A_1275] : memref<12000xf32, #tpu.memory_space<hbm>> -> memref<96xf32, #tpu.memory_space<hbm>>
        tpu.wait_dma2 semaphore(%run_scoped3A_1292 : memref<!tpu.dma_semaphore, #tpu.memory_space<semaphore_mem>>) src(%dma_wait3A_1308 : memref<96xf32, #tpu.memory_space<hbm>>) dst(%dma_wait3A_1307 : memref<96xf32, #tpu.memory_space<vmem>>)
        tpu.yield
      }) : () -> ()
      %add3A_1277 = arith.constant 3000 : i32
      %add3A_1278 = arith.addi %add3A_1277, %mul3A_2 : i32
      %run_scoped3A_1279 = arith.constant 1 : i32
      "tpu.region"() ({
        %run_scoped3A_1292 = tpu.sem_alloc : memref<!tpu.dma_semaphore, #tpu.memory_space<semaphore_mem>>
        %dma_start3A_1293 = arith.constant 0 : i32
        %dma_start3A_1294 = tpu.memref_slice %arg11[%run_scoped3A_1279, %dma_start3A_1293] : memref<4x96xf32, #tpu.memory_space<vmem>> -> memref<1x96xf32, #tpu.memory_space<vmem>>
        %dma_start3A_1295 = tpu.memref_squeeze %dma_start3A_1294 : memref<1x96xf32, #tpu.memory_space<vmem>> -> memref<96xf32, #tpu.memory_space<vmem>>
        %dma_start3A_1296 = tpu.memref_slice %arg5[%add3A_1278] : memref<12000xf32, #tpu.memory_space<hbm>> -> memref<96xf32, #tpu.memory_space<hbm>>
        %dma_start3A_1297 = arith.constant 0 : i32
        %dma_start3A_1298 = tpu.memref_slice %arg11[%run_scoped3A_1279, %dma_start3A_1297] : memref<4x96xf32, #tpu.memory_space<vmem>> -> memref<1x96xf32, #tpu.memory_space<vmem>>
        %dma_start3A_1299 = tpu.memref_squeeze %dma_start3A_1298 : memref<1x96xf32, #tpu.memory_space<vmem>> -> memref<96xf32, #tpu.memory_space<vmem>>
        %dma_start3A_1300 = tpu.memref_slice %arg5[%add3A_1278] : memref<12000xf32, #tpu.memory_space<hbm>> -> memref<96xf32, #tpu.memory_space<hbm>>
        tpu.enqueue_dma source(%dma_start3A_1300 : memref<96xf32, #tpu.memory_space<hbm>>) target(%dma_start3A_1299 : memref<96xf32, #tpu.memory_space<vmem>>) target_semaphore(%run_scoped3A_1292 : memref<!tpu.dma_semaphore, #tpu.memory_space<semaphore_mem>>)
        %dma_wait3A_1301 = arith.constant 0 : i32
        %dma_wait3A_1302 = tpu.memref_slice %arg11[%run_scoped3A_1279, %dma_wait3A_1301] : memref<4x96xf32, #tpu.memory_space<vmem>> -> memref<1x96xf32, #tpu.memory_space<vmem>>
        %dma_wait3A_1303 = tpu.memref_squeeze %dma_wait3A_1302 : memref<1x96xf32, #tpu.memory_space<vmem>> -> memref<96xf32, #tpu.memory_space<vmem>>
        %dma_wait3A_1304 = tpu.memref_slice %arg5[%add3A_1278] : memref<12000xf32, #tpu.memory_space<hbm>> -> memref<96xf32, #tpu.memory_space<hbm>>
        %dma_wait3A_1305 = arith.constant 0 : i32
        %dma_wait3A_1306 = tpu.memref_slice %arg11[%run_scoped3A_1279, %dma_wait3A_1305] : memref<4x96xf32, #tpu.memory_space<vmem>> -> memref<1x96xf32, #tpu.memory_space<vmem>>
        %dma_wait3A_1307 = tpu.memref_squeeze %dma_wait3A_1306 : memref<1x96xf32, #tpu.memory_space<vmem>> -> memref<96xf32, #tpu.memory_space<vmem>>
        %dma_wait3A_1308 = tpu.memref_slice %arg5[%add3A_1278] : memref<12000xf32, #tpu.memory_space<hbm>> -> memref<96xf32, #tpu.memory_space<hbm>>
        tpu.wait_dma2 semaphore(%run_scoped3A_1292 : memref<!tpu.dma_semaphore, #tpu.memory_space<semaphore_mem>>) src(%dma_wait3A_1308 : memref<96xf32, #tpu.memory_space<hbm>>) dst(%dma_wait3A_1307 : memref<96xf32, #tpu.memory_space<vmem>>)
        tpu.yield
      }) : () -> ()
      %add3A_1280 = arith.constant 6000 : i32
      %add3A_1281 = arith.addi %add3A_1280, %mul3A_2 : i32
      %run_scoped3A_1282 = arith.constant 2 : i32
      "tpu.region"() ({
        %run_scoped3A_1292 = tpu.sem_alloc : memref<!tpu.dma_semaphore, #tpu.memory_space<semaphore_mem>>
        %dma_start3A_1293 = arith.constant 0 : i32
        %dma_start3A_1294 = tpu.memref_slice %arg10[%run_scoped3A_1282, %dma_start3A_1293] : memref<4x96xf32, #tpu.memory_space<vmem>> -> memref<1x96xf32, #tpu.memory_space<vmem>>
        %dma_start3A_1295 = tpu.memref_squeeze %dma_start3A_1294 : memref<1x96xf32, #tpu.memory_space<vmem>> -> memref<96xf32, #tpu.memory_space<vmem>>
        %dma_start3A_1296 = tpu.memref_slice %arg4[%add3A_1281] : memref<12000xf32, #tpu.memory_space<hbm>> -> memref<96xf32, #tpu.memory_space<hbm>>
        %dma_start3A_1297 = arith.constant 0 : i32
        %dma_start3A_1298 = tpu.memref_slice %arg10[%run_scoped3A_1282, %dma_start3A_1297] : memref<4x96xf32, #tpu.memory_space<vmem>> -> memref<1x96xf32, #tpu.memory_space<vmem>>
        %dma_start3A_1299 = tpu.memref_squeeze %dma_start3A_1298 : memref<1x96xf32, #tpu.memory_space<vmem>> -> memref<96xf32, #tpu.memory_space<vmem>>
        %dma_start3A_1300 = tpu.memref_slice %arg4[%add3A_1281] : memref<12000xf32, #tpu.memory_space<hbm>> -> memref<96xf32, #tpu.memory_space<hbm>>
        tpu.enqueue_dma source(%dma_start3A_1300 : memref<96xf32, #tpu.memory_space<hbm>>) target(%dma_start3A_1299 : memref<96xf32, #tpu.memory_space<vmem>>) target_semaphore(%run_scoped3A_1292 : memref<!tpu.dma_semaphore, #tpu.memory_space<semaphore_mem>>)
        %dma_wait3A_1301 = arith.constant 0 : i32
        %dma_wait3A_1302 = tpu.memref_slice %arg10[%run_scoped3A_1282, %dma_wait3A_1301] : memref<4x96xf32, #tpu.memory_space<vmem>> -> memref<1x96xf32, #tpu.memory_space<vmem>>
        %dma_wait3A_1303 = tpu.memref_squeeze %dma_wait3A_1302 : memref<1x96xf32, #tpu.memory_space<vmem>> -> memref<96xf32, #tpu.memory_space<vmem>>
        %dma_wait3A_1304 = tpu.memref_slice %arg4[%add3A_1281] : memref<12000xf32, #tpu.memory_space<hbm>> -> memref<96xf32, #tpu.memory_space<hbm>>
        %dma_wait3A_1305 = arith.constant 0 : i32
        %dma_wait3A_1306 = tpu.memref_slice %arg10[%run_scoped3A_1282, %dma_wait3A_1305] : memref<4x96xf32, #tpu.memory_space<vmem>> -> memref<1x96xf32, #tpu.memory_space<vmem>>
        %dma_wait3A_1307 = tpu.memref_squeeze %dma_wait3A_1306 : memref<1x96xf32, #tpu.memory_space<vmem>> -> memref<96xf32, #tpu.memory_space<vmem>>
        %dma_wait3A_1308 = tpu.memref_slice %arg4[%add3A_1281] : memref<12000xf32, #tpu.memory_space<hbm>> -> memref<96xf32, #tpu.memory_space<hbm>>
        tpu.wait_dma2 semaphore(%run_scoped3A_1292 : memref<!tpu.dma_semaphore, #tpu.memory_space<semaphore_mem>>) src(%dma_wait3A_1308 : memref<96xf32, #tpu.memory_space<hbm>>) dst(%dma_wait3A_1307 : memref<96xf32, #tpu.memory_space<vmem>>)
        tpu.yield
      }) : () -> ()
      %add3A_1283 = arith.constant 6000 : i32
      %add3A_1284 = arith.addi %add3A_1283, %mul3A_2 : i32
      %run_scoped3A_1285 = arith.constant 2 : i32
      "tpu.region"() ({
        %run_scoped3A_1292 = tpu.sem_alloc : memref<!tpu.dma_semaphore, #tpu.memory_space<semaphore_mem>>
        %dma_start3A_1293 = arith.constant 0 : i32
        %dma_start3A_1294 = tpu.memref_slice %arg11[%run_scoped3A_1285, %dma_start3A_1293] : memref<4x96xf32, #tpu.memory_space<vmem>> -> memref<1x96xf32, #tpu.memory_space<vmem>>
        %dma_start3A_1295 = tpu.memref_squeeze %dma_start3A_1294 : memref<1x96xf32, #tpu.memory_space<vmem>> -> memref<96xf32, #tpu.memory_space<vmem>>
        %dma_start3A_1296 = tpu.memref_slice %arg5[%add3A_1284] : memref<12000xf32, #tpu.memory_space<hbm>> -> memref<96xf32, #tpu.memory_space<hbm>>
        %dma_start3A_1297 = arith.constant 0 : i32
        %dma_start3A_1298 = tpu.memref_slice %arg11[%run_scoped3A_1285, %dma_start3A_1297] : memref<4x96xf32, #tpu.memory_space<vmem>> -> memref<1x96xf32, #tpu.memory_space<vmem>>
        %dma_start3A_1299 = tpu.memref_squeeze %dma_start3A_1298 : memref<1x96xf32, #tpu.memory_space<vmem>> -> memref<96xf32, #tpu.memory_space<vmem>>
        %dma_start3A_1300 = tpu.memref_slice %arg5[%add3A_1284] : memref<12000xf32, #tpu.memory_space<hbm>> -> memref<96xf32, #tpu.memory_space<hbm>>
        tpu.enqueue_dma source(%dma_start3A_1300 : memref<96xf32, #tpu.memory_space<hbm>>) target(%dma_start3A_1299 : memref<96xf32, #tpu.memory_space<vmem>>) target_semaphore(%run_scoped3A_1292 : memref<!tpu.dma_semaphore, #tpu.memory_space<semaphore_mem>>)
        %dma_wait3A_1301 = arith.constant 0 : i32
        %dma_wait3A_1302 = tpu.memref_slice %arg11[%run_scoped3A_1285, %dma_wait3A_1301] : memref<4x96xf32, #tpu.memory_space<vmem>> -> memref<1x96xf32, #tpu.memory_space<vmem>>
        %dma_wait3A_1303 = tpu.memref_squeeze %dma_wait3A_1302 : memref<1x96xf32, #tpu.memory_space<vmem>> -> memref<96xf32, #tpu.memory_space<vmem>>
        %dma_wait3A_1304 = tpu.memref_slice %arg5[%add3A_1284] : memref<12000xf32, #tpu.memory_space<hbm>> -> memref<96xf32, #tpu.memory_space<hbm>>
        %dma_wait3A_1305 = arith.constant 0 : i32
        %dma_wait3A_1306 = tpu.memref_slice %arg11[%run_scoped3A_1285, %dma_wait3A_1305] : memref<4x96xf32, #tpu.memory_space<vmem>> -> memref<1x96xf32, #tpu.memory_space<vmem>>
        %dma_wait3A_1307 = tpu.memref_squeeze %dma_wait3A_1306 : memref<1x96xf32, #tpu.memory_space<vmem>> -> memref<96xf32, #tpu.memory_space<vmem>>
        %dma_wait3A_1308 = tpu.memref_slice %arg5[%add3A_1284] : memref<12000xf32, #tpu.memory_space<hbm>> -> memref<96xf32, #tpu.memory_space<hbm>>
        tpu.wait_dma2 semaphore(%run_scoped3A_1292 : memref<!tpu.dma_semaphore, #tpu.memory_space<semaphore_mem>>) src(%dma_wait3A_1308 : memref<96xf32, #tpu.memory_space<hbm>>) dst(%dma_wait3A_1307 : memref<96xf32, #tpu.memory_space<vmem>>)
        tpu.yield
      }) : () -> ()
      %add3A_1286 = arith.constant 9000 : i32
      %add3A_1287 = arith.addi %add3A_1286, %mul3A_2 : i32
      %run_scoped3A_1288 = arith.constant 3 : i32
      "tpu.region"() ({
        %run_scoped3A_1292 = tpu.sem_alloc : memref<!tpu.dma_semaphore, #tpu.memory_space<semaphore_mem>>
        %dma_start3A_1293 = arith.constant 0 : i32
        %dma_start3A_1294 = tpu.memref_slice %arg10[%run_scoped3A_1288, %dma_start3A_1293] : memref<4x96xf32, #tpu.memory_space<vmem>> -> memref<1x96xf32, #tpu.memory_space<vmem>>
        %dma_start3A_1295 = tpu.memref_squeeze %dma_start3A_1294 : memref<1x96xf32, #tpu.memory_space<vmem>> -> memref<96xf32, #tpu.memory_space<vmem>>
        %dma_start3A_1296 = tpu.memref_slice %arg4[%add3A_1287] : memref<12000xf32, #tpu.memory_space<hbm>> -> memref<96xf32, #tpu.memory_space<hbm>>
        %dma_start3A_1297 = arith.constant 0 : i32
        %dma_start3A_1298 = tpu.memref_slice %arg10[%run_scoped3A_1288, %dma_start3A_1297] : memref<4x96xf32, #tpu.memory_space<vmem>> -> memref<1x96xf32, #tpu.memory_space<vmem>>
        %dma_start3A_1299 = tpu.memref_squeeze %dma_start3A_1298 : memref<1x96xf32, #tpu.memory_space<vmem>> -> memref<96xf32, #tpu.memory_space<vmem>>
        %dma_start3A_1300 = tpu.memref_slice %arg4[%add3A_1287] : memref<12000xf32, #tpu.memory_space<hbm>> -> memref<96xf32, #tpu.memory_space<hbm>>
        tpu.enqueue_dma source(%dma_start3A_1300 : memref<96xf32, #tpu.memory_space<hbm>>) target(%dma_start3A_1299 : memref<96xf32, #tpu.memory_space<vmem>>) target_semaphore(%run_scoped3A_1292 : memref<!tpu.dma_semaphore, #tpu.memory_space<semaphore_mem>>)
        %dma_wait3A_1301 = arith.constant 0 : i32
        %dma_wait3A_1302 = tpu.memref_slice %arg10[%run_scoped3A_1288, %dma_wait3A_1301] : memref<4x96xf32, #tpu.memory_space<vmem>> -> memref<1x96xf32, #tpu.memory_space<vmem>>
        %dma_wait3A_1303 = tpu.memref_squeeze %dma_wait3A_1302 : memref<1x96xf32, #tpu.memory_space<vmem>> -> memref<96xf32, #tpu.memory_space<vmem>>
        %dma_wait3A_1304 = tpu.memref_slice %arg4[%add3A_1287] : memref<12000xf32, #tpu.memory_space<hbm>> -> memref<96xf32, #tpu.memory_space<hbm>>
        %dma_wait3A_1305 = arith.constant 0 : i32
        %dma_wait3A_1306 = tpu.memref_slice %arg10[%run_scoped3A_1288, %dma_wait3A_1305] : memref<4x96xf32, #tpu.memory_space<vmem>> -> memref<1x96xf32, #tpu.memory_space<vmem>>
        %dma_wait3A_1307 = tpu.memref_squeeze %dma_wait3A_1306 : memref<1x96xf32, #tpu.memory_space<vmem>> -> memref<96xf32, #tpu.memory_space<vmem>>
        %dma_wait3A_1308 = tpu.memref_slice %arg4[%add3A_1287] : memref<12000xf32, #tpu.memory_space<hbm>> -> memref<96xf32, #tpu.memory_space<hbm>>
        tpu.wait_dma2 semaphore(%run_scoped3A_1292 : memref<!tpu.dma_semaphore, #tpu.memory_space<semaphore_mem>>) src(%dma_wait3A_1308 : memref<96xf32, #tpu.memory_space<hbm>>) dst(%dma_wait3A_1307 : memref<96xf32, #tpu.memory_space<vmem>>)
        tpu.yield
      }) : () -> ()
      %add3A_1289 = arith.constant 9000 : i32
      %add3A_1290 = arith.addi %add3A_1289, %mul3A_2 : i32
      %run_scoped3A_1291 = arith.constant 3 : i32
      "tpu.region"() ({
        %run_scoped3A_1292 = tpu.sem_alloc : memref<!tpu.dma_semaphore, #tpu.memory_space<semaphore_mem>>
        %dma_start3A_1293 = arith.constant 0 : i32
        %dma_start3A_1294 = tpu.memref_slice %arg11[%run_scoped3A_1291, %dma_start3A_1293] : memref<4x96xf32, #tpu.memory_space<vmem>> -> memref<1x96xf32, #tpu.memory_space<vmem>>
        %dma_start3A_1295 = tpu.memref_squeeze %dma_start3A_1294 : memref<1x96xf32, #tpu.memory_space<vmem>> -> memref<96xf32, #tpu.memory_space<vmem>>
        %dma_start3A_1296 = tpu.memref_slice %arg5[%add3A_1290] : memref<12000xf32, #tpu.memory_space<hbm>> -> memref<96xf32, #tpu.memory_space<hbm>>
        %dma_start3A_1297 = arith.constant 0 : i32
        %dma_start3A_1298 = tpu.memref_slice %arg11[%run_scoped3A_1291, %dma_start3A_1297] : memref<4x96xf32, #tpu.memory_space<vmem>> -> memref<1x96xf32, #tpu.memory_space<vmem>>
        %dma_start3A_1299 = tpu.memref_squeeze %dma_start3A_1298 : memref<1x96xf32, #tpu.memory_space<vmem>> -> memref<96xf32, #tpu.memory_space<vmem>>
        %dma_start3A_1300 = tpu.memref_slice %arg5[%add3A_1290] : memref<12000xf32, #tpu.memory_space<hbm>> -> memref<96xf32, #tpu.memory_space<hbm>>
        tpu.enqueue_dma source(%dma_start3A_1300 : memref<96xf32, #tpu.memory_space<hbm>>) target(%dma_start3A_1299 : memref<96xf32, #tpu.memory_space<vmem>>) target_semaphore(%run_scoped3A_1292 : memref<!tpu.dma_semaphore, #tpu.memory_space<semaphore_mem>>)
        %dma_wait3A_1301 = arith.constant 0 : i32
        %dma_wait3A_1302 = tpu.memref_slice %arg11[%run_scoped3A_1291, %dma_wait3A_1301] : memref<4x96xf32, #tpu.memory_space<vmem>> -> memref<1x96xf32, #tpu.memory_space<vmem>>
        %dma_wait3A_1303 = tpu.memref_squeeze %dma_wait3A_1302 : memref<1x96xf32, #tpu.memory_space<vmem>> -> memref<96xf32, #tpu.memory_space<vmem>>
        %dma_wait3A_1304 = tpu.memref_slice %arg5[%add3A_1290] : memref<12000xf32, #tpu.memory_space<hbm>> -> memref<96xf32, #tpu.memory_space<hbm>>
        %dma_wait3A_1305 = arith.constant 0 : i32
        %dma_wait3A_1306 = tpu.memref_slice %arg11[%run_scoped3A_1291, %dma_wait3A_1305] : memref<4x96xf32, #tpu.memory_space<vmem>> -> memref<1x96xf32, #tpu.memory_space<vmem>>
        %dma_wait3A_1307 = tpu.memref_squeeze %dma_wait3A_1306 : memref<1x96xf32, #tpu.memory_space<vmem>> -> memref<96xf32, #tpu.memory_space<vmem>>
        %dma_wait3A_1308 = tpu.memref_slice %arg5[%add3A_1290] : memref<12000xf32, #tpu.memory_space<hbm>> -> memref<96xf32, #tpu.memory_space<hbm>>
        tpu.wait_dma2 semaphore(%run_scoped3A_1292 : memref<!tpu.dma_semaphore, #tpu.memory_space<semaphore_mem>>) src(%dma_wait3A_1308 : memref<96xf32, #tpu.memory_space<hbm>>) dst(%dma_wait3A_1307 : memref<96xf32, #tpu.memory_space<vmem>>)
        tpu.yield
      }) : () -> ()
    } else {
    }
    %eq3A = arith.constant 31 : i32
    %eq3A_5 = arith.cmpi eq, %add3A, %eq3A : i32
    %convert_element_type3A_6 = arith.extui %eq3A_5 : i1 to i32
    %cond3A_7 = arith.constant 0 : i32
    %cond3A_8 = arith.cmpi ne, %convert_element_type3A_6, %cond3A_7 : i32
    scf.if %cond3A_8 {
      "tpu.region"() ({
        %run_scoped3A_1292 = tpu.sem_alloc : memref<!tpu.dma_semaphore, #tpu.memory_space<semaphore_mem>>
        %dma_start3A_1293 = arith.constant 0 : i32
        %dma_start3A_1294 = tpu.memref_slice %arg7[%dma_start3A_1293] : memref<96xi32, #tpu.memory_space<vmem>> -> memref<24xi32, #tpu.memory_space<vmem>>
        %dma_start3A_1295 = tpu.memref_slice %arg3[%mul3A_2] : memref<3000xi32, #tpu.memory_space<hbm>> -> memref<24xi32, #tpu.memory_space<hbm>>
        %dma_start3A_1296 = arith.constant 0 : i32
        %dma_start3A_1297 = tpu.memref_slice %arg7[%dma_start3A_1296] : memref<96xi32, #tpu.memory_space<vmem>> -> memref<24xi32, #tpu.memory_space<vmem>>
        %dma_start3A_1298 = tpu.memref_slice %arg3[%mul3A_2] : memref<3000xi32, #tpu.memory_space<hbm>> -> memref<24xi32, #tpu.memory_space<hbm>>
        tpu.enqueue_dma source(%dma_start3A_1298 : memref<24xi32, #tpu.memory_space<hbm>>) target(%dma_start3A_1297 : memref<24xi32, #tpu.memory_space<vmem>>) target_semaphore(%run_scoped3A_1292 : memref<!tpu.dma_semaphore, #tpu.memory_space<semaphore_mem>>)
        %dma_wait3A_1299 = arith.constant 0 : i32
        %dma_wait3A_1300 = tpu.memref_slice %arg7[%dma_wait3A_1299] : memref<96xi32, #tpu.memory_space<vmem>> -> memref<24xi32, #tpu.memory_space<vmem>>
        %dma_wait3A_1301 = tpu.memref_slice %arg3[%mul3A_2] : memref<3000xi32, #tpu.memory_space<hbm>> -> memref<24xi32, #tpu.memory_space<hbm>>
        %dma_wait3A_1302 = arith.constant 0 : i32
        %dma_wait3A_1303 = tpu.memref_slice %arg7[%dma_wait3A_1302] : memref<96xi32, #tpu.memory_space<vmem>> -> memref<24xi32, #tpu.memory_space<vmem>>
        %dma_wait3A_1304 = tpu.memref_slice %arg3[%mul3A_2] : memref<3000xi32, #tpu.memory_space<hbm>> -> memref<24xi32, #tpu.memory_space<hbm>>
        tpu.wait_dma2 semaphore(%run_scoped3A_1292 : memref<!tpu.dma_semaphore, #tpu.memory_space<semaphore_mem>>) src(%dma_wait3A_1304 : memref<24xi32, #tpu.memory_space<hbm>>) dst(%dma_wait3A_1303 : memref<24xi32, #tpu.memory_space<vmem>>)
        tpu.yield
      }) : () -> ()
      %add3A_1269 = arith.constant 0 : i32
      %add3A_1270 = arith.addi %add3A_1269, %mul3A_2 : i32
      %run_scoped3A = arith.constant 0 : i32
      "tpu.region"() ({
        %run_scoped3A_1292 = tpu.sem_alloc : memref<!tpu.dma_semaphore, #tpu.memory_space<semaphore_mem>>
        %dma_start3A_1293 = arith.constant 0 : i32
        %dma_start3A_1294 = tpu.memref_slice %arg10[%run_scoped3A, %dma_start3A_1293] : memref<4x96xf32, #tpu.memory_space<vmem>> -> memref<1x24xf32, #tpu.memory_space<vmem>>
        %dma_start3A_1295 = tpu.memref_squeeze %dma_start3A_1294 : memref<1x24xf32, #tpu.memory_space<vmem>> -> memref<24xf32, #tpu.memory_space<vmem>>
        %dma_start3A_1296 = tpu.memref_slice %arg4[%add3A_1270] : memref<12000xf32, #tpu.memory_space<hbm>> -> memref<24xf32, #tpu.memory_space<hbm>>
        %dma_start3A_1297 = arith.constant 0 : i32
        %dma_start3A_1298 = tpu.memref_slice %arg10[%run_scoped3A, %dma_start3A_1297] : memref<4x96xf32, #tpu.memory_space<vmem>> -> memref<1x24xf32, #tpu.memory_space<vmem>>
        %dma_start3A_1299 = tpu.memref_squeeze %dma_start3A_1298 : memref<1x24xf32, #tpu.memory_space<vmem>> -> memref<24xf32, #tpu.memory_space<vmem>>
        %dma_start3A_1300 = tpu.memref_slice %arg4[%add3A_1270] : memref<12000xf32, #tpu.memory_space<hbm>> -> memref<24xf32, #tpu.memory_space<hbm>>
        tpu.enqueue_dma source(%dma_start3A_1300 : memref<24xf32, #tpu.memory_space<hbm>>) target(%dma_start3A_1299 : memref<24xf32, #tpu.memory_space<vmem>>) target_semaphore(%run_scoped3A_1292 : memref<!tpu.dma_semaphore, #tpu.memory_space<semaphore_mem>>)
        %dma_wait3A_1301 = arith.constant 0 : i32
        %dma_wait3A_1302 = tpu.memref_slice %arg10[%run_scoped3A, %dma_wait3A_1301] : memref<4x96xf32, #tpu.memory_space<vmem>> -> memref<1x24xf32, #tpu.memory_space<vmem>>
        %dma_wait3A_1303 = tpu.memref_squeeze %dma_wait3A_1302 : memref<1x24xf32, #tpu.memory_space<vmem>> -> memref<24xf32, #tpu.memory_space<vmem>>
        %dma_wait3A_1304 = tpu.memref_slice %arg4[%add3A_1270] : memref<12000xf32, #tpu.memory_space<hbm>> -> memref<24xf32, #tpu.memory_space<hbm>>
        %dma_wait3A_1305 = arith.constant 0 : i32
        %dma_wait3A_1306 = tpu.memref_slice %arg10[%run_scoped3A, %dma_wait3A_1305] : memref<4x96xf32, #tpu.memory_space<vmem>> -> memref<1x24xf32, #tpu.memory_space<vmem>>
        %dma_wait3A_1307 = tpu.memref_squeeze %dma_wait3A_1306 : memref<1x24xf32, #tpu.memory_space<vmem>> -> memref<24xf32, #tpu.memory_space<vmem>>
        %dma_wait3A_1308 = tpu.memref_slice %arg4[%add3A_1270] : memref<12000xf32, #tpu.memory_space<hbm>> -> memref<24xf32, #tpu.memory_space<hbm>>
        tpu.wait_dma2 semaphore(%run_scoped3A_1292 : memref<!tpu.dma_semaphore, #tpu.memory_space<semaphore_mem>>) src(%dma_wait3A_1308 : memref<24xf32, #tpu.memory_space<hbm>>) dst(%dma_wait3A_1307 : memref<24xf32, #tpu.memory_space<vmem>>)
        tpu.yield
      }) : () -> ()
      %add3A_1271 = arith.constant 0 : i32
      %add3A_1272 = arith.addi %add3A_1271, %mul3A_2 : i32
      %run_scoped3A_1273 = arith.constant 0 : i32
      "tpu.region"() ({
        %run_scoped3A_1292 = tpu.sem_alloc : memref<!tpu.dma_semaphore, #tpu.memory_space<semaphore_mem>>
        %dma_start3A_1293 = arith.constant 0 : i32
        %dma_start3A_1294 = tpu.memref_slice %arg11[%run_scoped3A_1273, %dma_start3A_1293] : memref<4x96xf32, #tpu.memory_space<vmem>> -> memref<1x24xf32, #tpu.memory_space<vmem>>
        %dma_start3A_1295 = tpu.memref_squeeze %dma_start3A_1294 : memref<1x24xf32, #tpu.memory_space<vmem>> -> memref<24xf32, #tpu.memory_space<vmem>>
        %dma_start3A_1296 = tpu.memref_slice %arg5[%add3A_1272] : memref<12000xf32, #tpu.memory_space<hbm>> -> memref<24xf32, #tpu.memory_space<hbm>>
        %dma_start3A_1297 = arith.constant 0 : i32
        %dma_start3A_1298 = tpu.memref_slice %arg11[%run_scoped3A_1273, %dma_start3A_1297] : memref<4x96xf32, #tpu.memory_space<vmem>> -> memref<1x24xf32, #tpu.memory_space<vmem>>
        %dma_start3A_1299 = tpu.memref_squeeze %dma_start3A_1298 : memref<1x24xf32, #tpu.memory_space<vmem>> -> memref<24xf32, #tpu.memory_space<vmem>>
        %dma_start3A_1300 = tpu.memref_slice %arg5[%add3A_1272] : memref<12000xf32, #tpu.memory_space<hbm>> -> memref<24xf32, #tpu.memory_space<hbm>>
        tpu.enqueue_dma source(%dma_start3A_1300 : memref<24xf32, #tpu.memory_space<hbm>>) target(%dma_start3A_1299 : memref<24xf32, #tpu.memory_space<vmem>>) target_semaphore(%run_scoped3A_1292 : memref<!tpu.dma_semaphore, #tpu.memory_space<semaphore_mem>>)
        %dma_wait3A_1301 = arith.constant 0 : i32
        %dma_wait3A_1302 = tpu.memref_slice %arg11[%run_scoped3A_1273, %dma_wait3A_1301] : memref<4x96xf32, #tpu.memory_space<vmem>> -> memref<1x24xf32, #tpu.memory_space<vmem>>
        %dma_wait3A_1303 = tpu.memref_squeeze %dma_wait3A_1302 : memref<1x24xf32, #tpu.memory_space<vmem>> -> memref<24xf32, #tpu.memory_space<vmem>>
        %dma_wait3A_1304 = tpu.memref_slice %arg5[%add3A_1272] : memref<12000xf32, #tpu.memory_space<hbm>> -> memref<24xf32, #tpu.memory_space<hbm>>
        %dma_wait3A_1305 = arith.constant 0 : i32
        %dma_wait3A_1306 = tpu.memref_slice %arg11[%run_scoped3A_1273, %dma_wait3A_1305] : memref<4x96xf32, #tpu.memory_space<vmem>> -> memref<1x24xf32, #tpu.memory_space<vmem>>
        %dma_wait3A_1307 = tpu.memref_squeeze %dma_wait3A_1306 : memref<1x24xf32, #tpu.memory_space<vmem>> -> memref<24xf32, #tpu.memory_space<vmem>>
        %dma_wait3A_1308 = tpu.memref_slice %arg5[%add3A_1272] : memref<12000xf32, #tpu.memory_space<hbm>> -> memref<24xf32, #tpu.memory_space<hbm>>
        tpu.wait_dma2 semaphore(%run_scoped3A_1292 : memref<!tpu.dma_semaphore, #tpu.memory_space<semaphore_mem>>) src(%dma_wait3A_1308 : memref<24xf32, #tpu.memory_space<hbm>>) dst(%dma_wait3A_1307 : memref<24xf32, #tpu.memory_space<vmem>>)
        tpu.yield
      }) : () -> ()
      %add3A_1274 = arith.constant 3000 : i32
      %add3A_1275 = arith.addi %add3A_1274, %mul3A_2 : i32
      %run_scoped3A_1276 = arith.constant 1 : i32
      "tpu.region"() ({
        %run_scoped3A_1292 = tpu.sem_alloc : memref<!tpu.dma_semaphore, #tpu.memory_space<semaphore_mem>>
        %dma_start3A_1293 = arith.constant 0 : i32
        %dma_start3A_1294 = tpu.memref_slice %arg10[%run_scoped3A_1276, %dma_start3A_1293] : memref<4x96xf32, #tpu.memory_space<vmem>> -> memref<1x24xf32, #tpu.memory_space<vmem>>
        %dma_start3A_1295 = tpu.memref_squeeze %dma_start3A_1294 : memref<1x24xf32, #tpu.memory_space<vmem>> -> memref<24xf32, #tpu.memory_space<vmem>>
        %dma_start3A_1296 = tpu.memref_slice %arg4[%add3A_1275] : memref<12000xf32, #tpu.memory_space<hbm>> -> memref<24xf32, #tpu.memory_space<hbm>>
        %dma_start3A_1297 = arith.constant 0 : i32
        %dma_start3A_1298 = tpu.memref_slice %arg10[%run_scoped3A_1276, %dma_start3A_1297] : memref<4x96xf32, #tpu.memory_space<vmem>> -> memref<1x24xf32, #tpu.memory_space<vmem>>
        %dma_start3A_1299 = tpu.memref_squeeze %dma_start3A_1298 : memref<1x24xf32, #tpu.memory_space<vmem>> -> memref<24xf32, #tpu.memory_space<vmem>>
        %dma_start3A_1300 = tpu.memref_slice %arg4[%add3A_1275] : memref<12000xf32, #tpu.memory_space<hbm>> -> memref<24xf32, #tpu.memory_space<hbm>>
        tpu.enqueue_dma source(%dma_start3A_1300 : memref<24xf32, #tpu.memory_space<hbm>>) target(%dma_start3A_1299 : memref<24xf32, #tpu.memory_space<vmem>>) target_semaphore(%run_scoped3A_1292 : memref<!tpu.dma_semaphore, #tpu.memory_space<semaphore_mem>>)
        %dma_wait3A_1301 = arith.constant 0 : i32
        %dma_wait3A_1302 = tpu.memref_slice %arg10[%run_scoped3A_1276, %dma_wait3A_1301] : memref<4x96xf32, #tpu.memory_space<vmem>> -> memref<1x24xf32, #tpu.memory_space<vmem>>
        %dma_wait3A_1303 = tpu.memref_squeeze %dma_wait3A_1302 : memref<1x24xf32, #tpu.memory_space<vmem>> -> memref<24xf32, #tpu.memory_space<vmem>>
        %dma_wait3A_1304 = tpu.memref_slice %arg4[%add3A_1275] : memref<12000xf32, #tpu.memory_space<hbm>> -> memref<24xf32, #tpu.memory_space<hbm>>
        %dma_wait3A_1305 = arith.constant 0 : i32
        %dma_wait3A_1306 = tpu.memref_slice %arg10[%run_scoped3A_1276, %dma_wait3A_1305] : memref<4x96xf32, #tpu.memory_space<vmem>> -> memref<1x24xf32, #tpu.memory_space<vmem>>
        %dma_wait3A_1307 = tpu.memref_squeeze %dma_wait3A_1306 : memref<1x24xf32, #tpu.memory_space<vmem>> -> memref<24xf32, #tpu.memory_space<vmem>>
        %dma_wait3A_1308 = tpu.memref_slice %arg4[%add3A_1275] : memref<12000xf32, #tpu.memory_space<hbm>> -> memref<24xf32, #tpu.memory_space<hbm>>
        tpu.wait_dma2 semaphore(%run_scoped3A_1292 : memref<!tpu.dma_semaphore, #tpu.memory_space<semaphore_mem>>) src(%dma_wait3A_1308 : memref<24xf32, #tpu.memory_space<hbm>>) dst(%dma_wait3A_1307 : memref<24xf32, #tpu.memory_space<vmem>>)
        tpu.yield
      }) : () -> ()
      %add3A_1277 = arith.constant 3000 : i32
      %add3A_1278 = arith.addi %add3A_1277, %mul3A_2 : i32
      %run_scoped3A_1279 = arith.constant 1 : i32
      "tpu.region"() ({
        %run_scoped3A_1292 = tpu.sem_alloc : memref<!tpu.dma_semaphore, #tpu.memory_space<semaphore_mem>>
        %dma_start3A_1293 = arith.constant 0 : i32
        %dma_start3A_1294 = tpu.memref_slice %arg11[%run_scoped3A_1279, %dma_start3A_1293] : memref<4x96xf32, #tpu.memory_space<vmem>> -> memref<1x24xf32, #tpu.memory_space<vmem>>
        %dma_start3A_1295 = tpu.memref_squeeze %dma_start3A_1294 : memref<1x24xf32, #tpu.memory_space<vmem>> -> memref<24xf32, #tpu.memory_space<vmem>>
        %dma_start3A_1296 = tpu.memref_slice %arg5[%add3A_1278] : memref<12000xf32, #tpu.memory_space<hbm>> -> memref<24xf32, #tpu.memory_space<hbm>>
        %dma_start3A_1297 = arith.constant 0 : i32
        %dma_start3A_1298 = tpu.memref_slice %arg11[%run_scoped3A_1279, %dma_start3A_1297] : memref<4x96xf32, #tpu.memory_space<vmem>> -> memref<1x24xf32, #tpu.memory_space<vmem>>
        %dma_start3A_1299 = tpu.memref_squeeze %dma_start3A_1298 : memref<1x24xf32, #tpu.memory_space<vmem>> -> memref<24xf32, #tpu.memory_space<vmem>>
        %dma_start3A_1300 = tpu.memref_slice %arg5[%add3A_1278] : memref<12000xf32, #tpu.memory_space<hbm>> -> memref<24xf32, #tpu.memory_space<hbm>>
        tpu.enqueue_dma source(%dma_start3A_1300 : memref<24xf32, #tpu.memory_space<hbm>>) target(%dma_start3A_1299 : memref<24xf32, #tpu.memory_space<vmem>>) target_semaphore(%run_scoped3A_1292 : memref<!tpu.dma_semaphore, #tpu.memory_space<semaphore_mem>>)
        %dma_wait3A_1301 = arith.constant 0 : i32
        %dma_wait3A_1302 = tpu.memref_slice %arg11[%run_scoped3A_1279, %dma_wait3A_1301] : memref<4x96xf32, #tpu.memory_space<vmem>> -> memref<1x24xf32, #tpu.memory_space<vmem>>
        %dma_wait3A_1303 = tpu.memref_squeeze %dma_wait3A_1302 : memref<1x24xf32, #tpu.memory_space<vmem>> -> memref<24xf32, #tpu.memory_space<vmem>>
        %dma_wait3A_1304 = tpu.memref_slice %arg5[%add3A_1278] : memref<12000xf32, #tpu.memory_space<hbm>> -> memref<24xf32, #tpu.memory_space<hbm>>
        %dma_wait3A_1305 = arith.constant 0 : i32
        %dma_wait3A_1306 = tpu.memref_slice %arg11[%run_scoped3A_1279, %dma_wait3A_1305] : memref<4x96xf32, #tpu.memory_space<vmem>> -> memref<1x24xf32, #tpu.memory_space<vmem>>
        %dma_wait3A_1307 = tpu.memref_squeeze %dma_wait3A_1306 : memref<1x24xf32, #tpu.memory_space<vmem>> -> memref<24xf32, #tpu.memory_space<vmem>>
        %dma_wait3A_1308 = tpu.memref_slice %arg5[%add3A_1278] : memref<12000xf32, #tpu.memory_space<hbm>> -> memref<24xf32, #tpu.memory_space<hbm>>
        tpu.wait_dma2 semaphore(%run_scoped3A_1292 : memref<!tpu.dma_semaphore, #tpu.memory_space<semaphore_mem>>) src(%dma_wait3A_1308 : memref<24xf32, #tpu.memory_space<hbm>>) dst(%dma_wait3A_1307 : memref<24xf32, #tpu.memory_space<vmem>>)
        tpu.yield
      }) : () -> ()
      %add3A_1280 = arith.constant 6000 : i32
      %add3A_1281 = arith.addi %add3A_1280, %mul3A_2 : i32
      %run_scoped3A_1282 = arith.constant 2 : i32
      "tpu.region"() ({
        %run_scoped3A_1292 = tpu.sem_alloc : memref<!tpu.dma_semaphore, #tpu.memory_space<semaphore_mem>>
        %dma_start3A_1293 = arith.constant 0 : i32
        %dma_start3A_1294 = tpu.memref_slice %arg10[%run_scoped3A_1282, %dma_start3A_1293] : memref<4x96xf32, #tpu.memory_space<vmem>> -> memref<1x24xf32, #tpu.memory_space<vmem>>
        %dma_start3A_1295 = tpu.memref_squeeze %dma_start3A_1294 : memref<1x24xf32, #tpu.memory_space<vmem>> -> memref<24xf32, #tpu.memory_space<vmem>>
        %dma_start3A_1296 = tpu.memref_slice %arg4[%add3A_1281] : memref<12000xf32, #tpu.memory_space<hbm>> -> memref<24xf32, #tpu.memory_space<hbm>>
        %dma_start3A_1297 = arith.constant 0 : i32
        %dma_start3A_1298 = tpu.memref_slice %arg10[%run_scoped3A_1282, %dma_start3A_1297] : memref<4x96xf32, #tpu.memory_space<vmem>> -> memref<1x24xf32, #tpu.memory_space<vmem>>
        %dma_start3A_1299 = tpu.memref_squeeze %dma_start3A_1298 : memref<1x24xf32, #tpu.memory_space<vmem>> -> memref<24xf32, #tpu.memory_space<vmem>>
        %dma_start3A_1300 = tpu.memref_slice %arg4[%add3A_1281] : memref<12000xf32, #tpu.memory_space<hbm>> -> memref<24xf32, #tpu.memory_space<hbm>>
        tpu.enqueue_dma source(%dma_start3A_1300 : memref<24xf32, #tpu.memory_space<hbm>>) target(%dma_start3A_1299 : memref<24xf32, #tpu.memory_space<vmem>>) target_semaphore(%run_scoped3A_1292 : memref<!tpu.dma_semaphore, #tpu.memory_space<semaphore_mem>>)
        %dma_wait3A_1301 = arith.constant 0 : i32
        %dma_wait3A_1302 = tpu.memref_slice %arg10[%run_scoped3A_1282, %dma_wait3A_1301] : memref<4x96xf32, #tpu.memory_space<vmem>> -> memref<1x24xf32, #tpu.memory_space<vmem>>
        %dma_wait3A_1303 = tpu.memref_squeeze %dma_wait3A_1302 : memref<1x24xf32, #tpu.memory_space<vmem>> -> memref<24xf32, #tpu.memory_space<vmem>>
        %dma_wait3A_1304 = tpu.memref_slice %arg4[%add3A_1281] : memref<12000xf32, #tpu.memory_space<hbm>> -> memref<24xf32, #tpu.memory_space<hbm>>
        %dma_wait3A_1305 = arith.constant 0 : i32
        %dma_wait3A_1306 = tpu.memref_slice %arg10[%run_scoped3A_1282, %dma_wait3A_1305] : memref<4x96xf32, #tpu.memory_space<vmem>> -> memref<1x24xf32, #tpu.memory_space<vmem>>
        %dma_wait3A_1307 = tpu.memref_squeeze %dma_wait3A_1306 : memref<1x24xf32, #tpu.memory_space<vmem>> -> memref<24xf32, #tpu.memory_space<vmem>>
        %dma_wait3A_1308 = tpu.memref_slice %arg4[%add3A_1281] : memref<12000xf32, #tpu.memory_space<hbm>> -> memref<24xf32, #tpu.memory_space<hbm>>
        tpu.wait_dma2 semaphore(%run_scoped3A_1292 : memref<!tpu.dma_semaphore, #tpu.memory_space<semaphore_mem>>) src(%dma_wait3A_1308 : memref<24xf32, #tpu.memory_space<hbm>>) dst(%dma_wait3A_1307 : memref<24xf32, #tpu.memory_space<vmem>>)
        tpu.yield
      }) : () -> ()
      %add3A_1283 = arith.constant 6000 : i32
      %add3A_1284 = arith.addi %add3A_1283, %mul3A_2 : i32
      %run_scoped3A_1285 = arith.constant 2 : i32
      "tpu.region"() ({
        %run_scoped3A_1292 = tpu.sem_alloc : memref<!tpu.dma_semaphore, #tpu.memory_space<semaphore_mem>>
        %dma_start3A_1293 = arith.constant 0 : i32
        %dma_start3A_1294 = tpu.memref_slice %arg11[%run_scoped3A_1285, %dma_start3A_1293] : memref<4x96xf32, #tpu.memory_space<vmem>> -> memref<1x24xf32, #tpu.memory_space<vmem>>
        %dma_start3A_1295 = tpu.memref_squeeze %dma_start3A_1294 : memref<1x24xf32, #tpu.memory_space<vmem>> -> memref<24xf32, #tpu.memory_space<vmem>>
        %dma_start3A_1296 = tpu.memref_slice %arg5[%add3A_1284] : memref<12000xf32, #tpu.memory_space<hbm>> -> memref<24xf32, #tpu.memory_space<hbm>>
        %dma_start3A_1297 = arith.constant 0 : i32
        %dma_start3A_1298 = tpu.memref_slice %arg11[%run_scoped3A_1285, %dma_start3A_1297] : memref<4x96xf32, #tpu.memory_space<vmem>> -> memref<1x24xf32, #tpu.memory_space<vmem>>
        %dma_start3A_1299 = tpu.memref_squeeze %dma_start3A_1298 : memref<1x24xf32, #tpu.memory_space<vmem>> -> memref<24xf32, #tpu.memory_space<vmem>>
        %dma_start3A_1300 = tpu.memref_slice %arg5[%add3A_1284] : memref<12000xf32, #tpu.memory_space<hbm>> -> memref<24xf32, #tpu.memory_space<hbm>>
        tpu.enqueue_dma source(%dma_start3A_1300 : memref<24xf32, #tpu.memory_space<hbm>>) target(%dma_start3A_1299 : memref<24xf32, #tpu.memory_space<vmem>>) target_semaphore(%run_scoped3A_1292 : memref<!tpu.dma_semaphore, #tpu.memory_space<semaphore_mem>>)
        %dma_wait3A_1301 = arith.constant 0 : i32
        %dma_wait3A_1302 = tpu.memref_slice %arg11[%run_scoped3A_1285, %dma_wait3A_1301] : memref<4x96xf32, #tpu.memory_space<vmem>> -> memref<1x24xf32, #tpu.memory_space<vmem>>
        %dma_wait3A_1303 = tpu.memref_squeeze %dma_wait3A_1302 : memref<1x24xf32, #tpu.memory_space<vmem>> -> memref<24xf32, #tpu.memory_space<vmem>>
        %dma_wait3A_1304 = tpu.memref_slice %arg5[%add3A_1284] : memref<12000xf32, #tpu.memory_space<hbm>> -> memref<24xf32, #tpu.memory_space<hbm>>
        %dma_wait3A_1305 = arith.constant 0 : i32
        %dma_wait3A_1306 = tpu.memref_slice %arg11[%run_scoped3A_1285, %dma_wait3A_1305] : memref<4x96xf32, #tpu.memory_space<vmem>> -> memref<1x24xf32, #tpu.memory_space<vmem>>
        %dma_wait3A_1307 = tpu.memref_squeeze %dma_wait3A_1306 : memref<1x24xf32, #tpu.memory_space<vmem>> -> memref<24xf32, #tpu.memory_space<vmem>>
        %dma_wait3A_1308 = tpu.memref_slice %arg5[%add3A_1284] : memref<12000xf32, #tpu.memory_space<hbm>> -> memref<24xf32, #tpu.memory_space<hbm>>
        tpu.wait_dma2 semaphore(%run_scoped3A_1292 : memref<!tpu.dma_semaphore, #tpu.memory_space<semaphore_mem>>) src(%dma_wait3A_1308 : memref<24xf32, #tpu.memory_space<hbm>>) dst(%dma_wait3A_1307 : memref<24xf32, #tpu.memory_space<vmem>>)
        tpu.yield
      }) : () -> ()
      %add3A_1286 = arith.constant 9000 : i32
      %add3A_1287 = arith.addi %add3A_1286, %mul3A_2 : i32
      %run_scoped3A_1288 = arith.constant 3 : i32
      "tpu.region"() ({
        %run_scoped3A_1292 = tpu.sem_alloc : memref<!tpu.dma_semaphore, #tpu.memory_space<semaphore_mem>>
        %dma_start3A_1293 = arith.constant 0 : i32
        %dma_start3A_1294 = tpu.memref_slice %arg10[%run_scoped3A_1288, %dma_start3A_1293] : memref<4x96xf32, #tpu.memory_space<vmem>> -> memref<1x24xf32, #tpu.memory_space<vmem>>
        %dma_start3A_1295 = tpu.memref_squeeze %dma_start3A_1294 : memref<1x24xf32, #tpu.memory_space<vmem>> -> memref<24xf32, #tpu.memory_space<vmem>>
        %dma_start3A_1296 = tpu.memref_slice %arg4[%add3A_1287] : memref<12000xf32, #tpu.memory_space<hbm>> -> memref<24xf32, #tpu.memory_space<hbm>>
        %dma_start3A_1297 = arith.constant 0 : i32
        %dma_start3A_1298 = tpu.memref_slice %arg10[%run_scoped3A_1288, %dma_start3A_1297] : memref<4x96xf32, #tpu.memory_space<vmem>> -> memref<1x24xf32, #tpu.memory_space<vmem>>
        %dma_start3A_1299 = tpu.memref_squeeze %dma_start3A_1298 : memref<1x24xf32, #tpu.memory_space<vmem>> -> memref<24xf32, #tpu.memory_space<vmem>>
        %dma_start3A_1300 = tpu.memref_slice %arg4[%add3A_1287] : memref<12000xf32, #tpu.memory_space<hbm>> -> memref<24xf32, #tpu.memory_space<hbm>>
        tpu.enqueue_dma source(%dma_start3A_1300 : memref<24xf32, #tpu.memory_space<hbm>>) target(%dma_start3A_1299 : memref<24xf32, #tpu.memory_space<vmem>>) target_semaphore(%run_scoped3A_1292 : memref<!tpu.dma_semaphore, #tpu.memory_space<semaphore_mem>>)
        %dma_wait3A_1301 = arith.constant 0 : i32
        %dma_wait3A_1302 = tpu.memref_slice %arg10[%run_scoped3A_1288, %dma_wait3A_1301] : memref<4x96xf32, #tpu.memory_space<vmem>> -> memref<1x24xf32, #tpu.memory_space<vmem>>
        %dma_wait3A_1303 = tpu.memref_squeeze %dma_wait3A_1302 : memref<1x24xf32, #tpu.memory_space<vmem>> -> memref<24xf32, #tpu.memory_space<vmem>>
        %dma_wait3A_1304 = tpu.memref_slice %arg4[%add3A_1287] : memref<12000xf32, #tpu.memory_space<hbm>> -> memref<24xf32, #tpu.memory_space<hbm>>
        %dma_wait3A_1305 = arith.constant 0 : i32
        %dma_wait3A_1306 = tpu.memref_slice %arg10[%run_scoped3A_1288, %dma_wait3A_1305] : memref<4x96xf32, #tpu.memory_space<vmem>> -> memref<1x24xf32, #tpu.memory_space<vmem>>
        %dma_wait3A_1307 = tpu.memref_squeeze %dma_wait3A_1306 : memref<1x24xf32, #tpu.memory_space<vmem>> -> memref<24xf32, #tpu.memory_space<vmem>>
        %dma_wait3A_1308 = tpu.memref_slice %arg4[%add3A_1287] : memref<12000xf32, #tpu.memory_space<hbm>> -> memref<24xf32, #tpu.memory_space<hbm>>
        tpu.wait_dma2 semaphore(%run_scoped3A_1292 : memref<!tpu.dma_semaphore, #tpu.memory_space<semaphore_mem>>) src(%dma_wait3A_1308 : memref<24xf32, #tpu.memory_space<hbm>>) dst(%dma_wait3A_1307 : memref<24xf32, #tpu.memory_space<vmem>>)
        tpu.yield
      }) : () -> ()
      %add3A_1289 = arith.constant 9000 : i32
      %add3A_1290 = arith.addi %add3A_1289, %mul3A_2 : i32
      %run_scoped3A_1291 = arith.constant 3 : i32
      "tpu.region"() ({
        %run_scoped3A_1292 = tpu.sem_alloc : memref<!tpu.dma_semaphore, #tpu.memory_space<semaphore_mem>>
        %dma_start3A_1293 = arith.constant 0 : i32
        %dma_start3A_1294 = tpu.memref_slice %arg11[%run_scoped3A_1291, %dma_start3A_1293] : memref<4x96xf32, #tpu.memory_space<vmem>> -> memref<1x24xf32, #tpu.memory_space<vmem>>
        %dma_start3A_1295 = tpu.memref_squeeze %dma_start3A_1294 : memref<1x24xf32, #tpu.memory_space<vmem>> -> memref<24xf32, #tpu.memory_space<vmem>>
        %dma_start3A_1296 = tpu.memref_slice %arg5[%add3A_1290] : memref<12000xf32, #tpu.memory_space<hbm>> -> memref<24xf32, #tpu.memory_space<hbm>>
        %dma_start3A_1297 = arith.constant 0 : i32
        %dma_start3A_1298 = tpu.memref_slice %arg11[%run_scoped3A_1291, %dma_start3A_1297] : memref<4x96xf32, #tpu.memory_space<vmem>> -> memref<1x24xf32, #tpu.memory_space<vmem>>
        %dma_start3A_1299 = tpu.memref_squeeze %dma_start3A_1298 : memref<1x24xf32, #tpu.memory_space<vmem>> -> memref<24xf32, #tpu.memory_space<vmem>>
        %dma_start3A_1300 = tpu.memref_slice %arg5[%add3A_1290] : memref<12000xf32, #tpu.memory_space<hbm>> -> memref<24xf32, #tpu.memory_space<hbm>>
        tpu.enqueue_dma source(%dma_start3A_1300 : memref<24xf32, #tpu.memory_space<hbm>>) target(%dma_start3A_1299 : memref<24xf32, #tpu.memory_space<vmem>>) target_semaphore(%run_scoped3A_1292 : memref<!tpu.dma_semaphore, #tpu.memory_space<semaphore_mem>>)
        %dma_wait3A_1301 = arith.constant 0 : i32
        %dma_wait3A_1302 = tpu.memref_slice %arg11[%run_scoped3A_1291, %dma_wait3A_1301] : memref<4x96xf32, #tpu.memory_space<vmem>> -> memref<1x24xf32, #tpu.memory_space<vmem>>
        %dma_wait3A_1303 = tpu.memref_squeeze %dma_wait3A_1302 : memref<1x24xf32, #tpu.memory_space<vmem>> -> memref<24xf32, #tpu.memory_space<vmem>>
        %dma_wait3A_1304 = tpu.memref_slice %arg5[%add3A_1290] : memref<12000xf32, #tpu.memory_space<hbm>> -> memref<24xf32, #tpu.memory_space<hbm>>
        %dma_wait3A_1305 = arith.constant 0 : i32
        %dma_wait3A_1306 = tpu.memref_slice %arg11[%run_scoped3A_1291, %dma_wait3A_1305] : memref<4x96xf32, #tpu.memory_space<vmem>> -> memref<1x24xf32, #tpu.memory_space<vmem>>
        %dma_wait3A_1307 = tpu.memref_squeeze %dma_wait3A_1306 : memref<1x24xf32, #tpu.memory_space<vmem>> -> memref<24xf32, #tpu.memory_space<vmem>>
        %dma_wait3A_1308 = tpu.memref_slice %arg5[%add3A_1290] : memref<12000xf32, #tpu.memory_space<hbm>> -> memref<24xf32, #tpu.memory_space<hbm>>
        tpu.wait_dma2 semaphore(%run_scoped3A_1292 : memref<!tpu.dma_semaphore, #tpu.memory_space<semaphore_mem>>) src(%dma_wait3A_1308 : memref<24xf32, #tpu.memory_space<hbm>>) dst(%dma_wait3A_1307 : memref<24xf32, #tpu.memory_space<vmem>>)
        tpu.yield
      }) : () -> ()
    } else {
    }
    %iota3A = tpu.iota {dimensions = array<i32: 0>} : vector<16xi32>
    %get3A = arith.constant 0 : index
    %get3A_9 = tpu.vector_load %arg7[%get3A] {strides = array<i32>} : memref<96xi32, #tpu.memory_space<vmem>>, vector<16xi32>,
    %max3A = arith.constant 0 : i32
    %max3A_10 = vector.broadcast %max3A : i32 to vector<16xi32>
    %max3A_11 = arith.maxsi %get3A_9, %max3A_10 : vector<16xi32>
    %min3A = arith.constant 127999 : i32
    %min3A_12 = vector.broadcast %min3A : i32 to vector<16xi32>
    %min3A_13 = arith.minsi %max3A_11, %min3A_12 : vector<16xi32>
    %jit3A = arith.constant 1000 : i32
    %div3A = vector.broadcast %jit3A : i32 to vector<16xi32>
    %div3A_14 = arith.divsi %min3A_13, %div3A : vector<16xi32>
    %sign3A = arith.constant 0 : i32
    %sign3A_15 = vector.broadcast %sign3A : i32 to vector<16xi32>
    %sign3A_16 = arith.cmpi sgt, %min3A_13, %sign3A_15 : vector<16xi32>
    %sign3A_17 = arith.extui %sign3A_16 : vector<16xi1> to vector<16xi32>
    %sign3A_18 = arith.constant 0 : i32
    %sign3A_19 = vector.broadcast %sign3A_18 : i32 to vector<16xi32>
    %sign3A_20 = arith.cmpi slt, %min3A_13, %sign3A_19 : vector<16xi32>
    %sign3A_21 = arith.extui %sign3A_20 : vector<16xi1> to vector<16xi32>
    %sign3A_22 = arith.subi %sign3A_17, %sign3A_21 : vector<16xi32>
    %sign3A_23 = arith.constant 0 : i32
    %sign3A_24 = arith.cmpi sgt, %jit3A, %sign3A_23 : i32
    %sign3A_25 = arith.extui %sign3A_24 : i1 to i32
    %sign3A_26 = arith.constant 0 : i32
    %sign3A_27 = arith.cmpi slt, %jit3A, %sign3A_26 : i32
    %sign3A_28 = arith.extui %sign3A_27 : i1 to i32
    %sign3A_29 = arith.subi %sign3A_25, %sign3A_28 : i32
    %ne3A = vector.broadcast %sign3A_29 : i32 to vector<16xi32>
    %ne3A_30 = arith.cmpi ne, %sign3A_22, %ne3A : vector<16xi32>
    %rem3A = vector.broadcast %jit3A : i32 to vector<16xi32>
    %rem3A_31 = arith.remsi %min3A_13, %rem3A : vector<16xi32>
    %ne3A_32 = arith.constant 0 : i32
    %ne3A_33 = vector.broadcast %ne3A_32 : i32 to vector<16xi32>
    %ne3A_34 = arith.cmpi ne, %rem3A_31, %ne3A_33 : vector<16xi32>
    %and3A = arith.andi %ne3A_30, %ne3A_34 : vector<16xi1>
    %sub3A = arith.constant 1 : i32
    %sub3A_35 = vector.broadcast %sub3A : i32 to vector<16xi32>
    %sub3A_36 = arith.subi %div3A_14, %sub3A_35 : vector<16xi32>
    %select_n3A = arith.select %and3A, %sub3A_36, %div3A_14 : vector<16xi1>, vector<16xi32>
    %mul3A_37 = arith.constant 1000 : i32
    %mul3A_38 = vector.broadcast %mul3A_37 : i32 to vector<16xi32>
    %mul3A_39 = arith.muli %select_n3A, %mul3A_38 : vector<16xi32>
    %sub3A_40 = arith.subi %min3A_13, %mul3A_39 : vector<16xi32>
    %mul3A_41 = arith.constant 512 : i32
    %mul3A_42 = vector.broadcast %mul3A_41 : i32 to vector<16xi32>
    %mul3A_43 = arith.muli %sub3A_40, %mul3A_42 : vector<16xi32>
    %add3A_44 = arith.addi %mul3A_43, %select_n3A : vector<16xi32>
    %add3A_45 = arith.constant 0 : i32
    %add3A_46 = vector.broadcast %add3A_45 : i32 to vector<16xi32>
    %add3A_47 = arith.addi %add3A_44, %add3A_46 : vector<16xi32>
    %swap3A = arith.constant 0 : index
    %swap3A_48 = tpu.vector_load %arg8[%swap3A] {strides = array<i32>} : memref<384xi32, #tpu.memory_space<vmem>>, vector<16xi32>,
    tpu.vector_store %arg8[%swap3A], %add3A_47 {strides = array<i32>} : memref<384xi32, #tpu.memory_space<vmem>>, vector<16xi32>,
    %add3A_49 = arith.constant 128 : i32
    %add3A_50 = vector.broadcast %add3A_49 : i32 to vector<16xi32>
    %add3A_51 = arith.addi %add3A_44, %add3A_50 : vector<16xi32>
    %swap3A_52 = arith.constant 96 : index
    %swap3A_53 = tpu.vector_load %arg8[%swap3A_52] {strides = array<i32>} : memref<384xi32, #tpu.memory_space<vmem>>, vector<16xi32>,
    tpu.vector_store %arg8[%swap3A_52], %add3A_51 {strides = array<i32>} : memref<384xi32, #tpu.memory_space<vmem>>, vector<16xi32>,
    %add3A_54 = arith.constant 256 : i32
    %add3A_55 = vector.broadcast %add3A_54 : i32 to vector<16xi32>
    %add3A_56 = arith.addi %add3A_44, %add3A_55 : vector<16xi32>
    %swap3A_57 = arith.constant 192 : index
    %swap3A_58 = tpu.vector_load %arg8[%swap3A_57] {strides = array<i32>} : memref<384xi32, #tpu.memory_space<vmem>>, vector<16xi32>,
    tpu.vector_store %arg8[%swap3A_57], %add3A_56 {strides = array<i32>} : memref<384xi32, #tpu.memory_space<vmem>>, vector<16xi32>,
    %add3A_59 = arith.constant 384 : i32
    %add3A_60 = vector.broadcast %add3A_59 : i32 to vector<16xi32>
    %add3A_61 = arith.addi %add3A_44, %add3A_60 : vector<16xi32>
    %swap3A_62 = arith.constant 288 : index
    %swap3A_63 = tpu.vector_load %arg8[%swap3A_62] {strides = array<i32>} : memref<384xi32, #tpu.memory_space<vmem>>, vector<16xi32>,
    tpu.vector_store %arg8[%swap3A_62], %add3A_61 {strides = array<i32>} : memref<384xi32, #tpu.memory_space<vmem>>, vector<16xi32>,
    %get3A_64 = arith.constant 16 : index
    %get3A_65 = tpu.vector_load %arg7[%get3A_64] {strides = array<i32>} : memref<96xi32, #tpu.memory_space<vmem>>, vector<16xi32>,
    %max3A_66 = arith.constant 0 : i32
    %max3A_67 = vector.broadcast %max3A_66 : i32 to vector<16xi32>
    %max3A_68 = arith.maxsi %get3A_65, %max3A_67 : vector<16xi32>
    %min3A_69 = arith.constant 127999 : i32
    %min3A_70 = vector.broadcast %min3A_69 : i32 to vector<16xi32>
    %min3A_71 = arith.minsi %max3A_68, %min3A_70 : vector<16xi32>
    %jit3A_72 = arith.constant 1000 : i32
    %div3A_73 = vector.broadcast %jit3A_72 : i32 to vector<16xi32>
    %div3A_74 = arith.divsi %min3A_71, %div3A_73 : vector<16xi32>
    %sign3A_75 = arith.constant 0 : i32
    %sign3A_76 = vector.broadcast %sign3A_75 : i32 to vector<16xi32>
    %sign3A_77 = arith.cmpi sgt, %min3A_71, %sign3A_76 : vector<16xi32>
    %sign3A_78 = arith.extui %sign3A_77 : vector<16xi1> to vector<16xi32>
    %sign3A_79 = arith.constant 0 : i32
    %sign3A_80 = vector.broadcast %sign3A_79 : i32 to vector<16xi32>
    %sign3A_81 = arith.cmpi slt, %min3A_71, %sign3A_80 : vector<16xi32>
    %sign3A_82 = arith.extui %sign3A_81 : vector<16xi1> to vector<16xi32>
    %sign3A_83 = arith.subi %sign3A_78, %sign3A_82 : vector<16xi32>
    %sign3A_84 = arith.constant 0 : i32
    %sign3A_85 = arith.cmpi sgt, %jit3A_72, %sign3A_84 : i32
    %sign3A_86 = arith.extui %sign3A_85 : i1 to i32
    %sign3A_87 = arith.constant 0 : i32
    %sign3A_88 = arith.cmpi slt, %jit3A_72, %sign3A_87 : i32
    %sign3A_89 = arith.extui %sign3A_88 : i1 to i32
    %sign3A_90 = arith.subi %sign3A_86, %sign3A_89 : i32
    %ne3A_91 = vector.broadcast %sign3A_90 : i32 to vector<16xi32>
    %ne3A_92 = arith.cmpi ne, %sign3A_83, %ne3A_91 : vector<16xi32>
    %rem3A_93 = vector.broadcast %jit3A_72 : i32 to vector<16xi32>
    %rem3A_94 = arith.remsi %min3A_71, %rem3A_93 : vector<16xi32>
    %ne3A_95 = arith.constant 0 : i32
    %ne3A_96 = vector.broadcast %ne3A_95 : i32 to vector<16xi32>
    %ne3A_97 = arith.cmpi ne, %rem3A_94, %ne3A_96 : vector<16xi32>
    %and3A_98 = arith.andi %ne3A_92, %ne3A_97 : vector<16xi1>
    %sub3A_99 = arith.constant 1 : i32
    %sub3A_100 = vector.broadcast %sub3A_99 : i32 to vector<16xi32>
    %sub3A_101 = arith.subi %div3A_74, %sub3A_100 : vector<16xi32>
    %select_n3A_102 = arith.select %and3A_98, %sub3A_101, %div3A_74 : vector<16xi1>, vector<16xi32>
    %mul3A_103 = arith.constant 1000 : i32
    %mul3A_104 = vector.broadcast %mul3A_103 : i32 to vector<16xi32>
    %mul3A_105 = arith.muli %select_n3A_102, %mul3A_104 : vector<16xi32>
    %sub3A_106 = arith.subi %min3A_71, %mul3A_105 : vector<16xi32>
    %mul3A_107 = arith.constant 512 : i32
    %mul3A_108 = vector.broadcast %mul3A_107 : i32 to vector<16xi32>
    %mul3A_109 = arith.muli %sub3A_106, %mul3A_108 : vector<16xi32>
    %add3A_110 = arith.addi %mul3A_109, %select_n3A_102 : vector<16xi32>
    %add3A_111 = arith.constant 0 : i32
    %add3A_112 = vector.broadcast %add3A_111 : i32 to vector<16xi32>
    %add3A_113 = arith.addi %add3A_110, %add3A_112 : vector<16xi32>
    %swap3A_114 = arith.constant 16 : index
    %swap3A_115 = tpu.vector_load %arg8[%swap3A_114] {strides = array<i32>} : memref<384xi32, #tpu.memory_space<vmem>>, vector<16xi32>,
    tpu.vector_store %arg8[%swap3A_114], %add3A_113 {strides = array<i32>} : memref<384xi32, #tpu.memory_space<vmem>>, vector<16xi32>,
    %add3A_116 = arith.constant 128 : i32
    %add3A_117 = vector.broadcast %add3A_116 : i32 to vector<16xi32>
    %add3A_118 = arith.addi %add3A_110, %add3A_117 : vector<16xi32>
    %swap3A_119 = arith.constant 112 : index
    %swap3A_120 = tpu.vector_load %arg8[%swap3A_119] {strides = array<i32>} : memref<384xi32, #tpu.memory_space<vmem>>, vector<16xi32>,
    tpu.vector_store %arg8[%swap3A_119], %add3A_118 {strides = array<i32>} : memref<384xi32, #tpu.memory_space<vmem>>, vector<16xi32>,
    %add3A_121 = arith.constant 256 : i32
    %add3A_122 = vector.broadcast %add3A_121 : i32 to vector<16xi32>
    %add3A_123 = arith.addi %add3A_110, %add3A_122 : vector<16xi32>
    %swap3A_124 = arith.constant 208 : index
    %swap3A_125 = tpu.vector_load %arg8[%swap3A_124] {strides = array<i32>} : memref<384xi32, #tpu.memory_space<vmem>>, vector<16xi32>,
    tpu.vector_store %arg8[%swap3A_124], %add3A_123 {strides = array<i32>} : memref<384xi32, #tpu.memory_space<vmem>>, vector<16xi32>,
    %add3A_126 = arith.constant 384 : i32
    %add3A_127 = vector.broadcast %add3A_126 : i32 to vector<16xi32>
    %add3A_128 = arith.addi %add3A_110, %add3A_127 : vector<16xi32>
    %swap3A_129 = arith.constant 304 : index
    %swap3A_130 = tpu.vector_load %arg8[%swap3A_129] {strides = array<i32>} : memref<384xi32, #tpu.memory_space<vmem>>, vector<16xi32>,
    tpu.vector_store %arg8[%swap3A_129], %add3A_128 {strides = array<i32>} : memref<384xi32, #tpu.memory_space<vmem>>, vector<16xi32>,
    %get3A_131 = arith.constant 32 : index
    %get3A_132 = tpu.vector_load %arg7[%get3A_131] {strides = array<i32>} : memref<96xi32, #tpu.memory_space<vmem>>, vector<16xi32>,
    %max3A_133 = arith.constant 0 : i32
    %max3A_134 = vector.broadcast %max3A_133 : i32 to vector<16xi32>
    %max3A_135 = arith.maxsi %get3A_132, %max3A_134 : vector<16xi32>
    %min3A_136 = arith.constant 127999 : i32
    %min3A_137 = vector.broadcast %min3A_136 : i32 to vector<16xi32>
    %min3A_138 = arith.minsi %max3A_135, %min3A_137 : vector<16xi32>
    %jit3A_139 = arith.constant 1000 : i32
    %div3A_140 = vector.broadcast %jit3A_139 : i32 to vector<16xi32>
    %div3A_141 = arith.divsi %min3A_138, %div3A_140 : vector<16xi32>
    %sign3A_142 = arith.constant 0 : i32
    %sign3A_143 = vector.broadcast %sign3A_142 : i32 to vector<16xi32>
    %sign3A_144 = arith.cmpi sgt, %min3A_138, %sign3A_143 : vector<16xi32>
    %sign3A_145 = arith.extui %sign3A_144 : vector<16xi1> to vector<16xi32>
    %sign3A_146 = arith.constant 0 : i32
    %sign3A_147 = vector.broadcast %sign3A_146 : i32 to vector<16xi32>
    %sign3A_148 = arith.cmpi slt, %min3A_138, %sign3A_147 : vector<16xi32>
    %sign3A_149 = arith.extui %sign3A_148 : vector<16xi1> to vector<16xi32>
    %sign3A_150 = arith.subi %sign3A_145, %sign3A_149 : vector<16xi32>
    %sign3A_151 = arith.constant 0 : i32
    %sign3A_152 = arith.cmpi sgt, %jit3A_139, %sign3A_151 : i32
    %sign3A_153 = arith.extui %sign3A_152 : i1 to i32
    %sign3A_154 = arith.constant 0 : i32
    %sign3A_155 = arith.cmpi slt, %jit3A_139, %sign3A_154 : i32
    %sign3A_156 = arith.extui %sign3A_155 : i1 to i32
    %sign3A_157 = arith.subi %sign3A_153, %sign3A_156 : i32
    %ne3A_158 = vector.broadcast %sign3A_157 : i32 to vector<16xi32>
    %ne3A_159 = arith.cmpi ne, %sign3A_150, %ne3A_158 : vector<16xi32>
    %rem3A_160 = vector.broadcast %jit3A_139 : i32 to vector<16xi32>
    %rem3A_161 = arith.remsi %min3A_138, %rem3A_160 : vector<16xi32>
    %ne3A_162 = arith.constant 0 : i32
    %ne3A_163 = vector.broadcast %ne3A_162 : i32 to vector<16xi32>
    %ne3A_164 = arith.cmpi ne, %rem3A_161, %ne3A_163 : vector<16xi32>
    %and3A_165 = arith.andi %ne3A_159, %ne3A_164 : vector<16xi1>
    %sub3A_166 = arith.constant 1 : i32
    %sub3A_167 = vector.broadcast %sub3A_166 : i32 to vector<16xi32>
    %sub3A_168 = arith.subi %div3A_141, %sub3A_167 : vector<16xi32>
    %select_n3A_169 = arith.select %and3A_165, %sub3A_168, %div3A_141 : vector<16xi1>, vector<16xi32>
    %mul3A_170 = arith.constant 1000 : i32
    %mul3A_171 = vector.broadcast %mul3A_170 : i32 to vector<16xi32>
    %mul3A_172 = arith.muli %select_n3A_169, %mul3A_171 : vector<16xi32>
    %sub3A_173 = arith.subi %min3A_138, %mul3A_172 : vector<16xi32>
    %mul3A_174 = arith.constant 512 : i32
    %mul3A_175 = vector.broadcast %mul3A_174 : i32 to vector<16xi32>
    %mul3A_176 = arith.muli %sub3A_173, %mul3A_175 : vector<16xi32>
    %add3A_177 = arith.addi %mul3A_176, %select_n3A_169 : vector<16xi32>
    %add3A_178 = arith.constant 0 : i32
    %add3A_179 = vector.broadcast %add3A_178 : i32 to vector<16xi32>
    %add3A_180 = arith.addi %add3A_177, %add3A_179 : vector<16xi32>
    %swap3A_181 = arith.constant 32 : index
    %swap3A_182 = tpu.vector_load %arg8[%swap3A_181] {strides = array<i32>} : memref<384xi32, #tpu.memory_space<vmem>>, vector<16xi32>,
    tpu.vector_store %arg8[%swap3A_181], %add3A_180 {strides = array<i32>} : memref<384xi32, #tpu.memory_space<vmem>>, vector<16xi32>,
    %add3A_183 = arith.constant 128 : i32
    %add3A_184 = vector.broadcast %add3A_183 : i32 to vector<16xi32>
    %add3A_185 = arith.addi %add3A_177, %add3A_184 : vector<16xi32>
    %swap3A_186 = arith.constant 128 : index
    %swap3A_187 = tpu.vector_load %arg8[%swap3A_186] {strides = array<i32>} : memref<384xi32, #tpu.memory_space<vmem>>, vector<16xi32>,
    tpu.vector_store %arg8[%swap3A_186], %add3A_185 {strides = array<i32>} : memref<384xi32, #tpu.memory_space<vmem>>, vector<16xi32>,
    %add3A_188 = arith.constant 256 : i32
    %add3A_189 = vector.broadcast %add3A_188 : i32 to vector<16xi32>
    %add3A_190 = arith.addi %add3A_177, %add3A_189 : vector<16xi32>
    %swap3A_191 = arith.constant 224 : index
    %swap3A_192 = tpu.vector_load %arg8[%swap3A_191] {strides = array<i32>} : memref<384xi32, #tpu.memory_space<vmem>>, vector<16xi32>,
    tpu.vector_store %arg8[%swap3A_191], %add3A_190 {strides = array<i32>} : memref<384xi32, #tpu.memory_space<vmem>>, vector<16xi32>,
    %add3A_193 = arith.constant 384 : i32
    %add3A_194 = vector.broadcast %add3A_193 : i32 to vector<16xi32>
    %add3A_195 = arith.addi %add3A_177, %add3A_194 : vector<16xi32>
    %swap3A_196 = arith.constant 320 : index
    %swap3A_197 = tpu.vector_load %arg8[%swap3A_196] {strides = array<i32>} : memref<384xi32, #tpu.memory_space<vmem>>, vector<16xi32>,
    tpu.vector_store %arg8[%swap3A_196], %add3A_195 {strides = array<i32>} : memref<384xi32, #tpu.memory_space<vmem>>, vector<16xi32>,
    %get3A_198 = arith.constant 48 : index
    %get3A_199 = tpu.vector_load %arg7[%get3A_198] {strides = array<i32>} : memref<96xi32, #tpu.memory_space<vmem>>, vector<16xi32>,
    %max3A_200 = arith.constant 0 : i32
    %max3A_201 = vector.broadcast %max3A_200 : i32 to vector<16xi32>
    %max3A_202 = arith.maxsi %get3A_199, %max3A_201 : vector<16xi32>
    %min3A_203 = arith.constant 127999 : i32
    %min3A_204 = vector.broadcast %min3A_203 : i32 to vector<16xi32>
    %min3A_205 = arith.minsi %max3A_202, %min3A_204 : vector<16xi32>
    %jit3A_206 = arith.constant 1000 : i32
    %div3A_207 = vector.broadcast %jit3A_206 : i32 to vector<16xi32>
    %div3A_208 = arith.divsi %min3A_205, %div3A_207 : vector<16xi32>
    %sign3A_209 = arith.constant 0 : i32
    %sign3A_210 = vector.broadcast %sign3A_209 : i32 to vector<16xi32>
    %sign3A_211 = arith.cmpi sgt, %min3A_205, %sign3A_210 : vector<16xi32>
    %sign3A_212 = arith.extui %sign3A_211 : vector<16xi1> to vector<16xi32>
    %sign3A_213 = arith.constant 0 : i32
    %sign3A_214 = vector.broadcast %sign3A_213 : i32 to vector<16xi32>
    %sign3A_215 = arith.cmpi slt, %min3A_205, %sign3A_214 : vector<16xi32>
    %sign3A_216 = arith.extui %sign3A_215 : vector<16xi1> to vector<16xi32>
    %sign3A_217 = arith.subi %sign3A_212, %sign3A_216 : vector<16xi32>
    %sign3A_218 = arith.constant 0 : i32
    %sign3A_219 = arith.cmpi sgt, %jit3A_206, %sign3A_218 : i32
    %sign3A_220 = arith.extui %sign3A_219 : i1 to i32
    %sign3A_221 = arith.constant 0 : i32
    %sign3A_222 = arith.cmpi slt, %jit3A_206, %sign3A_221 : i32
    %sign3A_223 = arith.extui %sign3A_222 : i1 to i32
    %sign3A_224 = arith.subi %sign3A_220, %sign3A_223 : i32
    %ne3A_225 = vector.broadcast %sign3A_224 : i32 to vector<16xi32>
    %ne3A_226 = arith.cmpi ne, %sign3A_217, %ne3A_225 : vector<16xi32>
    %rem3A_227 = vector.broadcast %jit3A_206 : i32 to vector<16xi32>
    %rem3A_228 = arith.remsi %min3A_205, %rem3A_227 : vector<16xi32>
    %ne3A_229 = arith.constant 0 : i32
    %ne3A_230 = vector.broadcast %ne3A_229 : i32 to vector<16xi32>
    %ne3A_231 = arith.cmpi ne, %rem3A_228, %ne3A_230 : vector<16xi32>
    %and3A_232 = arith.andi %ne3A_226, %ne3A_231 : vector<16xi1>
    %sub3A_233 = arith.constant 1 : i32
    %sub3A_234 = vector.broadcast %sub3A_233 : i32 to vector<16xi32>
    %sub3A_235 = arith.subi %div3A_208, %sub3A_234 : vector<16xi32>
    %select_n3A_236 = arith.select %and3A_232, %sub3A_235, %div3A_208 : vector<16xi1>, vector<16xi32>
    %mul3A_237 = arith.constant 1000 : i32
    %mul3A_238 = vector.broadcast %mul3A_237 : i32 to vector<16xi32>
    %mul3A_239 = arith.muli %select_n3A_236, %mul3A_238 : vector<16xi32>
    %sub3A_240 = arith.subi %min3A_205, %mul3A_239 : vector<16xi32>
    %mul3A_241 = arith.constant 512 : i32
    %mul3A_242 = vector.broadcast %mul3A_241 : i32 to vector<16xi32>
    %mul3A_243 = arith.muli %sub3A_240, %mul3A_242 : vector<16xi32>
    %add3A_244 = arith.addi %mul3A_243, %select_n3A_236 : vector<16xi32>
    %add3A_245 = arith.constant 0 : i32
    %add3A_246 = vector.broadcast %add3A_245 : i32 to vector<16xi32>
    %add3A_247 = arith.addi %add3A_244, %add3A_246 : vector<16xi32>
    %swap3A_248 = arith.constant 48 : index
    %swap3A_249 = tpu.vector_load %arg8[%swap3A_248] {strides = array<i32>} : memref<384xi32, #tpu.memory_space<vmem>>, vector<16xi32>,
    tpu.vector_store %arg8[%swap3A_248], %add3A_247 {strides = array<i32>} : memref<384xi32, #tpu.memory_space<vmem>>, vector<16xi32>,
    %add3A_250 = arith.constant 128 : i32
    %add3A_251 = vector.broadcast %add3A_250 : i32 to vector<16xi32>
    %add3A_252 = arith.addi %add3A_244, %add3A_251 : vector<16xi32>
    %swap3A_253 = arith.constant 144 : index
    %swap3A_254 = tpu.vector_load %arg8[%swap3A_253] {strides = array<i32>} : memref<384xi32, #tpu.memory_space<vmem>>, vector<16xi32>,
    tpu.vector_store %arg8[%swap3A_253], %add3A_252 {strides = array<i32>} : memref<384xi32, #tpu.memory_space<vmem>>, vector<16xi32>,
    %add3A_255 = arith.constant 256 : i32
    %add3A_256 = vector.broadcast %add3A_255 : i32 to vector<16xi32>
    %add3A_257 = arith.addi %add3A_244, %add3A_256 : vector<16xi32>
    %swap3A_258 = arith.constant 240 : index
    %swap3A_259 = tpu.vector_load %arg8[%swap3A_258] {strides = array<i32>} : memref<384xi32, #tpu.memory_space<vmem>>, vector<16xi32>,
    tpu.vector_store %arg8[%swap3A_258], %add3A_257 {strides = array<i32>} : memref<384xi32, #tpu.memory_space<vmem>>, vector<16xi32>,
    %add3A_260 = arith.constant 384 : i32
    %add3A_261 = vector.broadcast %add3A_260 : i32 to vector<16xi32>
    %add3A_262 = arith.addi %add3A_244, %add3A_261 : vector<16xi32>
    %swap3A_263 = arith.constant 336 : index
    %swap3A_264 = tpu.vector_load %arg8[%swap3A_263] {strides = array<i32>} : memref<384xi32, #tpu.memory_space<vmem>>, vector<16xi32>,
    tpu.vector_store %arg8[%swap3A_263], %add3A_262 {strides = array<i32>} : memref<384xi32, #tpu.memory_space<vmem>>, vector<16xi32>,
    %get3A_265 = arith.constant 64 : index
    %get3A_266 = tpu.vector_load %arg7[%get3A_265] {strides = array<i32>} : memref<96xi32, #tpu.memory_space<vmem>>, vector<16xi32>,
    %max3A_267 = arith.constant 0 : i32
    %max3A_268 = vector.broadcast %max3A_267 : i32 to vector<16xi32>
    %max3A_269 = arith.maxsi %get3A_266, %max3A_268 : vector<16xi32>
    %min3A_270 = arith.constant 127999 : i32
    %min3A_271 = vector.broadcast %min3A_270 : i32 to vector<16xi32>
    %min3A_272 = arith.minsi %max3A_269, %min3A_271 : vector<16xi32>
    %jit3A_273 = arith.constant 1000 : i32
    %div3A_274 = vector.broadcast %jit3A_273 : i32 to vector<16xi32>
    %div3A_275 = arith.divsi %min3A_272, %div3A_274 : vector<16xi32>
    %sign3A_276 = arith.constant 0 : i32
    %sign3A_277 = vector.broadcast %sign3A_276 : i32 to vector<16xi32>
    %sign3A_278 = arith.cmpi sgt, %min3A_272, %sign3A_277 : vector<16xi32>
    %sign3A_279 = arith.extui %sign3A_278 : vector<16xi1> to vector<16xi32>
    %sign3A_280 = arith.constant 0 : i32
    %sign3A_281 = vector.broadcast %sign3A_280 : i32 to vector<16xi32>
    %sign3A_282 = arith.cmpi slt, %min3A_272, %sign3A_281 : vector<16xi32>
    %sign3A_283 = arith.extui %sign3A_282 : vector<16xi1> to vector<16xi32>
    %sign3A_284 = arith.subi %sign3A_279, %sign3A_283 : vector<16xi32>
    %sign3A_285 = arith.constant 0 : i32
    %sign3A_286 = arith.cmpi sgt, %jit3A_273, %sign3A_285 : i32
    %sign3A_287 = arith.extui %sign3A_286 : i1 to i32
    %sign3A_288 = arith.constant 0 : i32
    %sign3A_289 = arith.cmpi slt, %jit3A_273, %sign3A_288 : i32
    %sign3A_290 = arith.extui %sign3A_289 : i1 to i32
    %sign3A_291 = arith.subi %sign3A_287, %sign3A_290 : i32
    %ne3A_292 = vector.broadcast %sign3A_291 : i32 to vector<16xi32>
    %ne3A_293 = arith.cmpi ne, %sign3A_284, %ne3A_292 : vector<16xi32>
    %rem3A_294 = vector.broadcast %jit3A_273 : i32 to vector<16xi32>
    %rem3A_295 = arith.remsi %min3A_272, %rem3A_294 : vector<16xi32>
    %ne3A_296 = arith.constant 0 : i32
    %ne3A_297 = vector.broadcast %ne3A_296 : i32 to vector<16xi32>
    %ne3A_298 = arith.cmpi ne, %rem3A_295, %ne3A_297 : vector<16xi32>
    %and3A_299 = arith.andi %ne3A_293, %ne3A_298 : vector<16xi1>
    %sub3A_300 = arith.constant 1 : i32
    %sub3A_301 = vector.broadcast %sub3A_300 : i32 to vector<16xi32>
    %sub3A_302 = arith.subi %div3A_275, %sub3A_301 : vector<16xi32>
    %select_n3A_303 = arith.select %and3A_299, %sub3A_302, %div3A_275 : vector<16xi1>, vector<16xi32>
    %mul3A_304 = arith.constant 1000 : i32
    %mul3A_305 = vector.broadcast %mul3A_304 : i32 to vector<16xi32>
    %mul3A_306 = arith.muli %select_n3A_303, %mul3A_305 : vector<16xi32>
    %sub3A_307 = arith.subi %min3A_272, %mul3A_306 : vector<16xi32>
    %mul3A_308 = arith.constant 512 : i32
    %mul3A_309 = vector.broadcast %mul3A_308 : i32 to vector<16xi32>
    %mul3A_310 = arith.muli %sub3A_307, %mul3A_309 : vector<16xi32>
    %add3A_311 = arith.addi %mul3A_310, %select_n3A_303 : vector<16xi32>
    %add3A_312 = arith.constant 0 : i32
    %add3A_313 = vector.broadcast %add3A_312 : i32 to vector<16xi32>
    %add3A_314 = arith.addi %add3A_311, %add3A_313 : vector<16xi32>
    %swap3A_315 = arith.constant 64 : index
    %swap3A_316 = tpu.vector_load %arg8[%swap3A_315] {strides = array<i32>} : memref<384xi32, #tpu.memory_space<vmem>>, vector<16xi32>,
    tpu.vector_store %arg8[%swap3A_315], %add3A_314 {strides = array<i32>} : memref<384xi32, #tpu.memory_space<vmem>>, vector<16xi32>,
    %add3A_317 = arith.constant 128 : i32
    %add3A_318 = vector.broadcast %add3A_317 : i32 to vector<16xi32>
    %add3A_319 = arith.addi %add3A_311, %add3A_318 : vector<16xi32>
    %swap3A_320 = arith.constant 160 : index
    %swap3A_321 = tpu.vector_load %arg8[%swap3A_320] {strides = array<i32>} : memref<384xi32, #tpu.memory_space<vmem>>, vector<16xi32>,
    tpu.vector_store %arg8[%swap3A_320], %add3A_319 {strides = array<i32>} : memref<384xi32, #tpu.memory_space<vmem>>, vector<16xi32>,
    %add3A_322 = arith.constant 256 : i32
    %add3A_323 = vector.broadcast %add3A_322 : i32 to vector<16xi32>
    %add3A_324 = arith.addi %add3A_311, %add3A_323 : vector<16xi32>
    %swap3A_325 = arith.constant 256 : index
    %swap3A_326 = tpu.vector_load %arg8[%swap3A_325] {strides = array<i32>} : memref<384xi32, #tpu.memory_space<vmem>>, vector<16xi32>,
    tpu.vector_store %arg8[%swap3A_325], %add3A_324 {strides = array<i32>} : memref<384xi32, #tpu.memory_space<vmem>>, vector<16xi32>,
    %add3A_327 = arith.constant 384 : i32
    %add3A_328 = vector.broadcast %add3A_327 : i32 to vector<16xi32>
    %add3A_329 = arith.addi %add3A_311, %add3A_328 : vector<16xi32>
    %swap3A_330 = arith.constant 352 : index
    %swap3A_331 = tpu.vector_load %arg8[%swap3A_330] {strides = array<i32>} : memref<384xi32, #tpu.memory_space<vmem>>, vector<16xi32>,
    tpu.vector_store %arg8[%swap3A_330], %add3A_329 {strides = array<i32>} : memref<384xi32, #tpu.memory_space<vmem>>, vector<16xi32>,
    %get3A_332 = arith.constant 80 : index
    %get3A_333 = tpu.vector_load %arg7[%get3A_332] {strides = array<i32>} : memref<96xi32, #tpu.memory_space<vmem>>, vector<16xi32>,
    %max3A_334 = arith.constant 0 : i32
    %max3A_335 = vector.broadcast %max3A_334 : i32 to vector<16xi32>
    %max3A_336 = arith.maxsi %get3A_333, %max3A_335 : vector<16xi32>
    %min3A_337 = arith.constant 127999 : i32
    %min3A_338 = vector.broadcast %min3A_337 : i32 to vector<16xi32>
    %min3A_339 = arith.minsi %max3A_336, %min3A_338 : vector<16xi32>
    %jit3A_340 = arith.constant 1000 : i32
    %div3A_341 = vector.broadcast %jit3A_340 : i32 to vector<16xi32>
    %div3A_342 = arith.divsi %min3A_339, %div3A_341 : vector<16xi32>
    %sign3A_343 = arith.constant 0 : i32
    %sign3A_344 = vector.broadcast %sign3A_343 : i32 to vector<16xi32>
    %sign3A_345 = arith.cmpi sgt, %min3A_339, %sign3A_344 : vector<16xi32>
    %sign3A_346 = arith.extui %sign3A_345 : vector<16xi1> to vector<16xi32>
    %sign3A_347 = arith.constant 0 : i32
    %sign3A_348 = vector.broadcast %sign3A_347 : i32 to vector<16xi32>
    %sign3A_349 = arith.cmpi slt, %min3A_339, %sign3A_348 : vector<16xi32>
    %sign3A_350 = arith.extui %sign3A_349 : vector<16xi1> to vector<16xi32>
    %sign3A_351 = arith.subi %sign3A_346, %sign3A_350 : vector<16xi32>
    %sign3A_352 = arith.constant 0 : i32
    %sign3A_353 = arith.cmpi sgt, %jit3A_340, %sign3A_352 : i32
    %sign3A_354 = arith.extui %sign3A_353 : i1 to i32
    %sign3A_355 = arith.constant 0 : i32
    %sign3A_356 = arith.cmpi slt, %jit3A_340, %sign3A_355 : i32
    %sign3A_357 = arith.extui %sign3A_356 : i1 to i32
    %sign3A_358 = arith.subi %sign3A_354, %sign3A_357 : i32
    %ne3A_359 = vector.broadcast %sign3A_358 : i32 to vector<16xi32>
    %ne3A_360 = arith.cmpi ne, %sign3A_351, %ne3A_359 : vector<16xi32>
    %rem3A_361 = vector.broadcast %jit3A_340 : i32 to vector<16xi32>
    %rem3A_362 = arith.remsi %min3A_339, %rem3A_361 : vector<16xi32>
    %ne3A_363 = arith.constant 0 : i32
    %ne3A_364 = vector.broadcast %ne3A_363 : i32 to vector<16xi32>
    %ne3A_365 = arith.cmpi ne, %rem3A_362, %ne3A_364 : vector<16xi32>
    %and3A_366 = arith.andi %ne3A_360, %ne3A_365 : vector<16xi1>
    %sub3A_367 = arith.constant 1 : i32
    %sub3A_368 = vector.broadcast %sub3A_367 : i32 to vector<16xi32>
    %sub3A_369 = arith.subi %div3A_342, %sub3A_368 : vector<16xi32>
    %select_n3A_370 = arith.select %and3A_366, %sub3A_369, %div3A_342 : vector<16xi1>, vector<16xi32>
    %mul3A_371 = arith.constant 1000 : i32
    %mul3A_372 = vector.broadcast %mul3A_371 : i32 to vector<16xi32>
    %mul3A_373 = arith.muli %select_n3A_370, %mul3A_372 : vector<16xi32>
    %sub3A_374 = arith.subi %min3A_339, %mul3A_373 : vector<16xi32>
    %mul3A_375 = arith.constant 512 : i32
    %mul3A_376 = vector.broadcast %mul3A_375 : i32 to vector<16xi32>
    %mul3A_377 = arith.muli %sub3A_374, %mul3A_376 : vector<16xi32>
    %add3A_378 = arith.addi %mul3A_377, %select_n3A_370 : vector<16xi32>
    %add3A_379 = arith.constant 0 : i32
    %add3A_380 = vector.broadcast %add3A_379 : i32 to vector<16xi32>
    %add3A_381 = arith.addi %add3A_378, %add3A_380 : vector<16xi32>
    %swap3A_382 = arith.constant 80 : index
    %swap3A_383 = tpu.vector_load %arg8[%swap3A_382] {strides = array<i32>} : memref<384xi32, #tpu.memory_space<vmem>>, vector<16xi32>,
    tpu.vector_store %arg8[%swap3A_382], %add3A_381 {strides = array<i32>} : memref<384xi32, #tpu.memory_space<vmem>>, vector<16xi32>,
    %add3A_384 = arith.constant 128 : i32
    %add3A_385 = vector.broadcast %add3A_384 : i32 to vector<16xi32>
    %add3A_386 = arith.addi %add3A_378, %add3A_385 : vector<16xi32>
    %swap3A_387 = arith.constant 176 : index
    %swap3A_388 = tpu.vector_load %arg8[%swap3A_387] {strides = array<i32>} : memref<384xi32, #tpu.memory_space<vmem>>, vector<16xi32>,
    tpu.vector_store %arg8[%swap3A_387], %add3A_386 {strides = array<i32>} : memref<384xi32, #tpu.memory_space<vmem>>, vector<16xi32>,
    %add3A_389 = arith.constant 256 : i32
    %add3A_390 = vector.broadcast %add3A_389 : i32 to vector<16xi32>
    %add3A_391 = arith.addi %add3A_378, %add3A_390 : vector<16xi32>
    %swap3A_392 = arith.constant 272 : index
    %swap3A_393 = tpu.vector_load %arg8[%swap3A_392] {strides = array<i32>} : memref<384xi32, #tpu.memory_space<vmem>>, vector<16xi32>,
    tpu.vector_store %arg8[%swap3A_392], %add3A_391 {strides = array<i32>} : memref<384xi32, #tpu.memory_space<vmem>>, vector<16xi32>,
    %add3A_394 = arith.constant 384 : i32
    %add3A_395 = vector.broadcast %add3A_394 : i32 to vector<16xi32>
    %add3A_396 = arith.addi %add3A_378, %add3A_395 : vector<16xi32>
    %swap3A_397 = arith.constant 368 : index
    %swap3A_398 = tpu.vector_load %arg8[%swap3A_397] {strides = array<i32>} : memref<384xi32, #tpu.memory_space<vmem>>, vector<16xi32>,
    tpu.vector_store %arg8[%swap3A_397], %add3A_396 {strides = array<i32>} : memref<384xi32, #tpu.memory_space<vmem>>, vector<16xi32>,
    %dma_start3A = arith.constant 0 : i32
    %dma_start3A_399 = arith.constant 0 : i32
    %dma_start3A_400 = tpu.memref_slice %arg9[%dma_start3A, %dma_start3A_399] : memref<4x96xf32, #tpu.memory_space<vmem>> -> memref<1x96xf32, #tpu.memory_space<vmem>>
    %dma_start3A_401 = tpu.memref_squeeze %dma_start3A_400 : memref<1x96xf32, #tpu.memory_space<vmem>> -> memref<96xf32, #tpu.memory_space<vmem>>
    %dma_start3A_402 = arith.constant 0 : i32
    %dma_start3A_403 = tpu.memref_slice %arg8[%dma_start3A_402] : memref<384xi32, #tpu.memory_space<vmem>> -> memref<96xi32, #tpu.memory_space<vmem>>
    %dma_start3A_404 = arith.constant 0 : i32
    %dma_start3A_405 = tpu.memref_slice %arg2[%dma_start3A_404] : memref<512000xf32, #tpu.memory_space<hbm>> -> memref<512000xf32, #tpu.memory_space<hbm>>
    tpu.enqueue_indirect_dma source(%dma_start3A_405 : memref<512000xf32, #tpu.memory_space<hbm>>) target(%dma_start3A_401 : memref<96xf32, #tpu.memory_space<vmem>>) offsets(%dma_start3A_403 : memref<96xi32, #tpu.memory_space<vmem>>) semaphore(%arg13 : memref<!tpu.dma_semaphore, #tpu.memory_space<semaphore_mem>>)
    %dma_start3A_406 = arith.constant 1 : i32
    %dma_start3A_407 = arith.constant 0 : i32
    %dma_start3A_408 = tpu.memref_slice %arg9[%dma_start3A_406, %dma_start3A_407] : memref<4x96xf32, #tpu.memory_space<vmem>> -> memref<1x96xf32, #tpu.memory_space<vmem>>
    %dma_start3A_409 = tpu.memref_squeeze %dma_start3A_408 : memref<1x96xf32, #tpu.memory_space<vmem>> -> memref<96xf32, #tpu.memory_space<vmem>>
    %dma_start3A_410 = arith.constant 96 : i32
    %dma_start3A_411 = tpu.memref_slice %arg8[%dma_start3A_410] : memref<384xi32, #tpu.memory_space<vmem>> -> memref<96xi32, #tpu.memory_space<vmem>>
    %dma_start3A_412 = arith.constant 0 : i32
    %dma_start3A_413 = tpu.memref_slice %arg2[%dma_start3A_412] : memref<512000xf32, #tpu.memory_space<hbm>> -> memref<512000xf32, #tpu.memory_space<hbm>>
    tpu.enqueue_indirect_dma source(%dma_start3A_413 : memref<512000xf32, #tpu.memory_space<hbm>>) target(%dma_start3A_409 : memref<96xf32, #tpu.memory_space<vmem>>) offsets(%dma_start3A_411 : memref<96xi32, #tpu.memory_space<vmem>>) semaphore(%arg13 : memref<!tpu.dma_semaphore, #tpu.memory_space<semaphore_mem>>)
    %dma_start3A_414 = arith.constant 2 : i32
    %dma_start3A_415 = arith.constant 0 : i32
    %dma_start3A_416 = tpu.memref_slice %arg9[%dma_start3A_414, %dma_start3A_415] : memref<4x96xf32, #tpu.memory_space<vmem>> -> memref<1x96xf32, #tpu.memory_space<vmem>>
    %dma_start3A_417 = tpu.memref_squeeze %dma_start3A_416 : memref<1x96xf32, #tpu.memory_space<vmem>> -> memref<96xf32, #tpu.memory_space<vmem>>
    %dma_start3A_418 = arith.constant 192 : i32
    %dma_start3A_419 = tpu.memref_slice %arg8[%dma_start3A_418] : memref<384xi32, #tpu.memory_space<vmem>> -> memref<96xi32, #tpu.memory_space<vmem>>
    %dma_start3A_420 = arith.constant 0 : i32
    %dma_start3A_421 = tpu.memref_slice %arg2[%dma_start3A_420] : memref<512000xf32, #tpu.memory_space<hbm>> -> memref<512000xf32, #tpu.memory_space<hbm>>
    tpu.enqueue_indirect_dma source(%dma_start3A_421 : memref<512000xf32, #tpu.memory_space<hbm>>) target(%dma_start3A_417 : memref<96xf32, #tpu.memory_space<vmem>>) offsets(%dma_start3A_419 : memref<96xi32, #tpu.memory_space<vmem>>) semaphore(%arg13 : memref<!tpu.dma_semaphore, #tpu.memory_space<semaphore_mem>>)
    %dma_start3A_422 = arith.constant 3 : i32
    %dma_start3A_423 = arith.constant 0 : i32
    %dma_start3A_424 = tpu.memref_slice %arg9[%dma_start3A_422, %dma_start3A_423] : memref<4x96xf32, #tpu.memory_space<vmem>> -> memref<1x96xf32, #tpu.memory_space<vmem>>
    %dma_start3A_425 = tpu.memref_squeeze %dma_start3A_424 : memref<1x96xf32, #tpu.memory_space<vmem>> -> memref<96xf32, #tpu.memory_space<vmem>>
    %dma_start3A_426 = arith.constant 288 : i32
    %dma_start3A_427 = tpu.memref_slice %arg8[%dma_start3A_426] : memref<384xi32, #tpu.memory_space<vmem>> -> memref<96xi32, #tpu.memory_space<vmem>>
    %dma_start3A_428 = arith.constant 0 : i32
    %dma_start3A_429 = tpu.memref_slice %arg2[%dma_start3A_428] : memref<512000xf32, #tpu.memory_space<hbm>> -> memref<512000xf32, #tpu.memory_space<hbm>>
    tpu.enqueue_indirect_dma source(%dma_start3A_429 : memref<512000xf32, #tpu.memory_space<hbm>>) target(%dma_start3A_425 : memref<96xf32, #tpu.memory_space<vmem>>) offsets(%dma_start3A_427 : memref<96xi32, #tpu.memory_space<vmem>>) semaphore(%arg13 : memref<!tpu.dma_semaphore, #tpu.memory_space<semaphore_mem>>)
    %dma_wait3A = arith.constant 0 : i32
    %dma_wait3A_430 = arith.constant 0 : i32
    %dma_wait3A_431 = tpu.memref_slice %arg9[%dma_wait3A, %dma_wait3A_430] : memref<4x96xf32, #tpu.memory_space<vmem>> -> memref<1x96xf32, #tpu.memory_space<vmem>>
    %dma_wait3A_432 = tpu.memref_squeeze %dma_wait3A_431 : memref<1x96xf32, #tpu.memory_space<vmem>> -> memref<96xf32, #tpu.memory_space<vmem>>
    %dma_wait3A_433 = arith.constant 0 : i32
    %dma_wait3A_434 = tpu.memref_slice %arg8[%dma_wait3A_433] : memref<384xi32, #tpu.memory_space<vmem>> -> memref<96xi32, #tpu.memory_space<vmem>>
    %dma_wait3A_435 = arith.constant 0 : i32
    %dma_wait3A_436 = tpu.memref_slice %arg2[%dma_wait3A_435] : memref<512000xf32, #tpu.memory_space<hbm>> -> memref<512000xf32, #tpu.memory_space<hbm>>
    tpu.wait_indirect_dma semaphore(%arg13 : memref<!tpu.dma_semaphore, #tpu.memory_space<semaphore_mem>>) src(%dma_wait3A_436 : memref<512000xf32, #tpu.memory_space<hbm>>) dst(%dma_wait3A_432 : memref<96xf32, #tpu.memory_space<vmem>>)
    %dma_wait3A_437 = arith.constant 1 : i32
    %dma_wait3A_438 = arith.constant 0 : i32
    %dma_wait3A_439 = tpu.memref_slice %arg9[%dma_wait3A_437, %dma_wait3A_438] : memref<4x96xf32, #tpu.memory_space<vmem>> -> memref<1x96xf32, #tpu.memory_space<vmem>>
    %dma_wait3A_440 = tpu.memref_squeeze %dma_wait3A_439 : memref<1x96xf32, #tpu.memory_space<vmem>> -> memref<96xf32, #tpu.memory_space<vmem>>
    %dma_wait3A_441 = arith.constant 96 : i32
    %dma_wait3A_442 = tpu.memref_slice %arg8[%dma_wait3A_441] : memref<384xi32, #tpu.memory_space<vmem>> -> memref<96xi32, #tpu.memory_space<vmem>>
    %dma_wait3A_443 = arith.constant 0 : i32
    %dma_wait3A_444 = tpu.memref_slice %arg2[%dma_wait3A_443] : memref<512000xf32, #tpu.memory_space<hbm>> -> memref<512000xf32, #tpu.memory_space<hbm>>
    tpu.wait_indirect_dma semaphore(%arg13 : memref<!tpu.dma_semaphore, #tpu.memory_space<semaphore_mem>>) src(%dma_wait3A_444 : memref<512000xf32, #tpu.memory_space<hbm>>) dst(%dma_wait3A_440 : memref<96xf32, #tpu.memory_space<vmem>>)
    %dma_wait3A_445 = arith.constant 2 : i32
    %dma_wait3A_446 = arith.constant 0 : i32
    %dma_wait3A_447 = tpu.memref_slice %arg9[%dma_wait3A_445, %dma_wait3A_446] : memref<4x96xf32, #tpu.memory_space<vmem>> -> memref<1x96xf32, #tpu.memory_space<vmem>>
    %dma_wait3A_448 = tpu.memref_squeeze %dma_wait3A_447 : memref<1x96xf32, #tpu.memory_space<vmem>> -> memref<96xf32, #tpu.memory_space<vmem>>
    %dma_wait3A_449 = arith.constant 192 : i32
    %dma_wait3A_450 = tpu.memref_slice %arg8[%dma_wait3A_449] : memref<384xi32, #tpu.memory_space<vmem>> -> memref<96xi32, #tpu.memory_space<vmem>>
    %dma_wait3A_451 = arith.constant 0 : i32
    %dma_wait3A_452 = tpu.memref_slice %arg2[%dma_wait3A_451] : memref<512000xf32, #tpu.memory_space<hbm>> -> memref<512000xf32, #tpu.memory_space<hbm>>
    tpu.wait_indirect_dma semaphore(%arg13 : memref<!tpu.dma_semaphore, #tpu.memory_space<semaphore_mem>>) src(%dma_wait3A_452 : memref<512000xf32, #tpu.memory_space<hbm>>) dst(%dma_wait3A_448 : memref<96xf32, #tpu.memory_space<vmem>>)
    %dma_wait3A_453 = arith.constant 3 : i32
    %dma_wait3A_454 = arith.constant 0 : i32
    %dma_wait3A_455 = tpu.memref_slice %arg9[%dma_wait3A_453, %dma_wait3A_454] : memref<4x96xf32, #tpu.memory_space<vmem>> -> memref<1x96xf32, #tpu.memory_space<vmem>>
    %dma_wait3A_456 = tpu.memref_squeeze %dma_wait3A_455 : memref<1x96xf32, #tpu.memory_space<vmem>> -> memref<96xf32, #tpu.memory_space<vmem>>
    %dma_wait3A_457 = arith.constant 288 : i32
    %dma_wait3A_458 = tpu.memref_slice %arg8[%dma_wait3A_457] : memref<384xi32, #tpu.memory_space<vmem>> -> memref<96xi32, #tpu.memory_space<vmem>>
    %dma_wait3A_459 = arith.constant 0 : i32
    %dma_wait3A_460 = tpu.memref_slice %arg2[%dma_wait3A_459] : memref<512000xf32, #tpu.memory_space<hbm>> -> memref<512000xf32, #tpu.memory_space<hbm>>
    tpu.wait_indirect_dma semaphore(%arg13 : memref<!tpu.dma_semaphore, #tpu.memory_space<semaphore_mem>>) src(%dma_wait3A_460 : memref<512000xf32, #tpu.memory_space<hbm>>) dst(%dma_wait3A_456 : memref<96xf32, #tpu.memory_space<vmem>>)
    %broadcast_in_dim3A = arith.constant 0.000000e+00 : f32
    %broadcast_in_dim3A_461 = vector.broadcast %broadcast_in_dim3A : f32 to vector<16xf32>
    %broadcast_in_dim3A_462 = arith.constant 0.000000e+00 : f32
    %broadcast_in_dim3A_463 = vector.broadcast %broadcast_in_dim3A_462 : f32 to vector<16xf32>
    %get3A_464 = arith.constant 0 : i32
    %get3A_465 = arith.index_cast %get3A_464 : i32 to index
    %get3A_466 = arith.constant 0 : index
    %get3A_467 = tpu.vector_load %arg9[%get3A_465, %get3A_466] {strides = array<i32>} : memref<4x96xf32, #tpu.memory_space<vmem>>, vector<16xf32>,
    %get3A_468 = arith.constant 1 : i32
    %get3A_469 = arith.index_cast %get3A_468 : i32 to index
    %get3A_470 = arith.constant 0 : index
    %get3A_471 = tpu.vector_load %arg9[%get3A_469, %get3A_470] {strides = array<i32>} : memref<4x96xf32, #tpu.memory_space<vmem>>, vector<16xf32>,
    %get3A_472 = arith.constant 2 : i32
    %get3A_473 = arith.index_cast %get3A_472 : i32 to index
    %get3A_474 = arith.constant 0 : index
    %get3A_475 = tpu.vector_load %arg9[%get3A_473, %get3A_474] {strides = array<i32>} : memref<4x96xf32, #tpu.memory_space<vmem>>, vector<16xf32>,
    %get3A_476 = arith.constant 3 : i32
    %get3A_477 = arith.index_cast %get3A_476 : i32 to index
    %get3A_478 = arith.constant 0 : index
    %get3A_479 = tpu.vector_load %arg9[%get3A_477, %get3A_478] {strides = array<i32>} : memref<4x96xf32, #tpu.memory_space<vmem>>, vector<16xf32>,
    %get3A_480 = arith.constant 0 : i32
    %get3A_481 = arith.index_cast %get3A_480 : i32 to index
    %get3A_482 = arith.constant 0 : index
    %get3A_483 = tpu.vector_load %arg10[%get3A_481, %get3A_482] {strides = array<i32>} : memref<4x96xf32, #tpu.memory_space<vmem>>, vector<16xf32>,
    %get3A_484 = arith.constant 1 : i32
    %get3A_485 = arith.index_cast %get3A_484 : i32 to index
    %get3A_486 = arith.constant 0 : index
    %get3A_487 = tpu.vector_load %arg10[%get3A_485, %get3A_486] {strides = array<i32>} : memref<4x96xf32, #tpu.memory_space<vmem>>, vector<16xf32>,
    %get3A_488 = arith.constant 2 : i32
    %get3A_489 = arith.index_cast %get3A_488 : i32 to index
    %get3A_490 = arith.constant 0 : index
    %get3A_491 = tpu.vector_load %arg10[%get3A_489, %get3A_490] {strides = array<i32>} : memref<4x96xf32, #tpu.memory_space<vmem>>, vector<16xf32>,
    %get3A_492 = arith.constant 3 : i32
    %get3A_493 = arith.index_cast %get3A_492 : i32 to index
    %get3A_494 = arith.constant 0 : index
    %get3A_495 = tpu.vector_load %arg10[%get3A_493, %get3A_494] {strides = array<i32>} : memref<4x96xf32, #tpu.memory_space<vmem>>, vector<16xf32>,
    %get3A_496 = arith.constant 0 : i32
    %get3A_497 = arith.index_cast %get3A_496 : i32 to index
    %get3A_498 = arith.constant 0 : index
    %get3A_499 = tpu.vector_load %arg11[%get3A_497, %get3A_498] {strides = array<i32>} : memref<4x96xf32, #tpu.memory_space<vmem>>, vector<16xf32>,
    %get3A_500 = arith.constant 1 : i32
    %get3A_501 = arith.index_cast %get3A_500 : i32 to index
    %get3A_502 = arith.constant 0 : index
    %get3A_503 = tpu.vector_load %arg11[%get3A_501, %get3A_502] {strides = array<i32>} : memref<4x96xf32, #tpu.memory_space<vmem>>, vector<16xf32>,
    %get3A_504 = arith.constant 2 : i32
    %get3A_505 = arith.index_cast %get3A_504 : i32 to index
    %get3A_506 = arith.constant 0 : index
    %get3A_507 = tpu.vector_load %arg11[%get3A_505, %get3A_506] {strides = array<i32>} : memref<4x96xf32, #tpu.memory_space<vmem>>, vector<16xf32>,
    %get3A_508 = arith.constant 3 : i32
    %get3A_509 = arith.index_cast %get3A_508 : i32 to index
    %get3A_510 = arith.constant 0 : index
    %get3A_511 = tpu.vector_load %arg11[%get3A_509, %get3A_510] {strides = array<i32>} : memref<4x96xf32, #tpu.memory_space<vmem>>, vector<16xf32>,
    %mul3A_512 = arith.constant 5.000000e-01 : f32
    %mul3A_513 = vector.broadcast %mul3A_512 : f32 to vector<16xf32>
    %mul3A_514 = arith.mulf %mul3A_513, %get3A_491 : vector<16xf32>
    %sub3A_515 = arith.subf %get3A_483, %mul3A_514 : vector<16xf32>
    %mul3A_516 = arith.constant 5.000000e-01 : f32
    %mul3A_517 = vector.broadcast %mul3A_516 : f32 to vector<16xf32>
    %mul3A_518 = arith.mulf %mul3A_517, %get3A_495 : vector<16xf32>
    %sub3A_519 = arith.subf %get3A_487, %mul3A_518 : vector<16xf32>
    %mul3A_520 = arith.constant 5.000000e-01 : f32
    %mul3A_521 = vector.broadcast %mul3A_520 : f32 to vector<16xf32>
    %mul3A_522 = arith.mulf %mul3A_521, %get3A_491 : vector<16xf32>
    %add3A_523 = arith.addf %get3A_483, %mul3A_522 : vector<16xf32>
    %mul3A_524 = arith.constant 5.000000e-01 : f32
    %mul3A_525 = vector.broadcast %mul3A_524 : f32 to vector<16xf32>
    %mul3A_526 = arith.mulf %mul3A_525, %get3A_495 : vector<16xf32>
    %add3A_527 = arith.addf %get3A_487, %mul3A_526 : vector<16xf32>
    %add3A_528 = arith.constant 0 : i32
    %add3A_529 = arith.addi %mul3A_2, %add3A_528 : i32
    %add3A_530 = vector.broadcast %add3A_529 : i32 to vector<16xi32>
    %add3A_531 = arith.addi %iota3A, %add3A_530 : vector<16xi32>
    %lt3A_532 = arith.constant 3000 : i32
    %lt3A_533 = vector.broadcast %lt3A_532 : i32 to vector<16xi32>
    %lt3A_534 = arith.cmpi slt, %add3A_531, %lt3A_533 : vector<16xi32>
    %div3A_535 = arith.divf %get3A_467, %get3A_499 : vector<16xf32>
    %sub3A_536 = arith.subf %div3A_535, %sub3A_515 : vector<16xf32>
    %abs3A = math.absf %sub3A_536 : vector<16xf32>
    %div3A_537 = arith.divf %get3A_471, %get3A_503 : vector<16xf32>
    %sub3A_538 = arith.subf %div3A_537, %sub3A_519 : vector<16xf32>
    %abs3A_539 = math.absf %sub3A_538 : vector<16xf32>
    %add3A_540 = arith.addf %abs3A, %abs3A_539 : vector<16xf32>
    %div3A_541 = arith.divf %get3A_475, %get3A_507 : vector<16xf32>
    %sub3A_542 = arith.subf %div3A_541, %add3A_523 : vector<16xf32>
    %abs3A_543 = math.absf %sub3A_542 : vector<16xf32>
    %add3A_544 = arith.addf %add3A_540, %abs3A_543 : vector<16xf32>
    %div3A_545 = arith.divf %get3A_479, %get3A_511 : vector<16xf32>
    %sub3A_546 = arith.subf %div3A_545, %add3A_527 : vector<16xf32>
    %abs3A_547 = math.absf %sub3A_546 : vector<16xf32>
    %add3A_548 = arith.addf %add3A_544, %abs3A_547 : vector<16xf32>
    %jit3A_549 = arith.constant 0.000000e+00 : f32
    %broadcast_in_dim3A_550 = vector.broadcast %jit3A_549 : f32 to vector<16xf32>
    %select_n3A_551 = arith.select %lt3A_534, %add3A_548, %broadcast_in_dim3A_550 : vector<16xi1>, vector<16xf32>
    %add3A_552 = arith.addf %broadcast_in_dim3A_461, %select_n3A_551 : vector<16xf32>
    %mul3A_553 = arith.mulf %sub3A_515, %get3A_499 : vector<16xf32>
    %mul3A_554 = arith.mulf %sub3A_519, %get3A_503 : vector<16xf32>
    %mul3A_555 = arith.mulf %add3A_523, %get3A_507 : vector<16xf32>
    %mul3A_556 = arith.mulf %add3A_527, %get3A_511 : vector<16xf32>
    %sub3A_557 = arith.subf %get3A_475, %get3A_467 : vector<16xf32>
    %sub3A_558 = arith.subf %get3A_479, %get3A_471 : vector<16xf32>
    %mul3A_559 = arith.mulf %sub3A_557, %sub3A_558 : vector<16xf32>
    %sub3A_560 = arith.subf %mul3A_555, %mul3A_553 : vector<16xf32>
    %sub3A_561 = arith.subf %mul3A_556, %mul3A_554 : vector<16xf32>
    %mul3A_562 = arith.mulf %sub3A_560, %sub3A_561 : vector<16xf32>
    %min3A_563 = arith.minimumf %get3A_475, %mul3A_555 : vector<16xf32>
    %max3A_564 = arith.maximumf %get3A_467, %mul3A_553 : vector<16xf32>
    %sub3A_565 = arith.subf %min3A_563, %max3A_564 : vector<16xf32>
    %max3A_566 = arith.constant 0.000000e+00 : f32
    %max3A_567 = vector.broadcast %max3A_566 : f32 to vector<16xf32>
    %max3A_568 = arith.maximumf %sub3A_565, %max3A_567 : vector<16xf32>
    %min3A_569 = arith.minimumf %get3A_479, %mul3A_556 : vector<16xf32>
    %max3A_570 = arith.maximumf %get3A_471, %mul3A_554 : vector<16xf32>
    %sub3A_571 = arith.subf %min3A_569, %max3A_570 : vector<16xf32>
    %max3A_572 = arith.constant 0.000000e+00 : f32
    %max3A_573 = vector.broadcast %max3A_572 : f32 to vector<16xf32>
    %max3A_574 = arith.maximumf %sub3A_571, %max3A_573 : vector<16xf32>
    %mul3A_575 = arith.mulf %max3A_568, %max3A_574 : vector<16xf32>
    %add3A_576 = arith.addf %mul3A_559, %mul3A_562 : vector<16xf32>
    %sub3A_577 = arith.subf %add3A_576, %mul3A_575 : vector<16xf32>
    %max3A_578 = arith.maximumf %get3A_475, %mul3A_555 : vector<16xf32>
    %min3A_579 = arith.minimumf %get3A_467, %mul3A_553 : vector<16xf32>
    %sub3A_580 = arith.subf %max3A_578, %min3A_579 : vector<16xf32>
    %max3A_581 = arith.maximumf %get3A_479, %mul3A_556 : vector<16xf32>
    %min3A_582 = arith.minimumf %get3A_471, %mul3A_554 : vector<16xf32>
    %sub3A_583 = arith.subf %max3A_581, %min3A_582 : vector<16xf32>
    %mul3A_584 = arith.mulf %sub3A_580, %sub3A_583 : vector<16xf32>
    %div3A_585 = arith.divf %mul3A_575, %sub3A_577 : vector<16xf32>
    %sub3A_586 = arith.subf %mul3A_584, %sub3A_577 : vector<16xf32>
    %div3A_587 = arith.divf %sub3A_586, %mul3A_584 : vector<16xf32>
    %sub3A_588 = arith.subf %div3A_585, %div3A_587 : vector<16xf32>
    %sub3A_589 = arith.constant 1.000000e+00 : f32
    %sub3A_590 = vector.broadcast %sub3A_589 : f32 to vector<16xf32>
    %sub3A_591 = arith.subf %sub3A_590, %sub3A_588 : vector<16xf32>
    %jit3A_592 = arith.constant 0.000000e+00 : f32
    %broadcast_in_dim3A_593 = vector.broadcast %jit3A_592 : f32 to vector<16xf32>
    %select_n3A_594 = arith.select %lt3A_534, %sub3A_591, %broadcast_in_dim3A_593 : vector<16xi1>, vector<16xf32>
    %add3A_595 = arith.addf %broadcast_in_dim3A_463, %select_n3A_594 : vector<16xf32>
    %get3A_596 = arith.constant 0 : i32
    %get3A_597 = arith.index_cast %get3A_596 : i32 to index
    %get3A_598 = arith.constant 16 : index
    %get3A_599 = tpu.vector_load %arg9[%get3A_597, %get3A_598] {strides = array<i32>} : memref<4x96xf32, #tpu.memory_space<vmem>>, vector<16xf32>,
    %get3A_600 = arith.constant 1 : i32
    %get3A_601 = arith.index_cast %get3A_600 : i32 to index
    %get3A_602 = arith.constant 16 : index
    %get3A_603 = tpu.vector_load %arg9[%get3A_601, %get3A_602] {strides = array<i32>} : memref<4x96xf32, #tpu.memory_space<vmem>>, vector<16xf32>,
    %get3A_604 = arith.constant 2 : i32
    %get3A_605 = arith.index_cast %get3A_604 : i32 to index
    %get3A_606 = arith.constant 16 : index
    %get3A_607 = tpu.vector_load %arg9[%get3A_605, %get3A_606] {strides = array<i32>} : memref<4x96xf32, #tpu.memory_space<vmem>>, vector<16xf32>,
    %get3A_608 = arith.constant 3 : i32
    %get3A_609 = arith.index_cast %get3A_608 : i32 to index
    %get3A_610 = arith.constant 16 : index
    %get3A_611 = tpu.vector_load %arg9[%get3A_609, %get3A_610] {strides = array<i32>} : memref<4x96xf32, #tpu.memory_space<vmem>>, vector<16xf32>,
    %get3A_612 = arith.constant 0 : i32
    %get3A_613 = arith.index_cast %get3A_612 : i32 to index
    %get3A_614 = arith.constant 16 : index
    %get3A_615 = tpu.vector_load %arg10[%get3A_613, %get3A_614] {strides = array<i32>} : memref<4x96xf32, #tpu.memory_space<vmem>>, vector<16xf32>,
    %get3A_616 = arith.constant 1 : i32
    %get3A_617 = arith.index_cast %get3A_616 : i32 to index
    %get3A_618 = arith.constant 16 : index
    %get3A_619 = tpu.vector_load %arg10[%get3A_617, %get3A_618] {strides = array<i32>} : memref<4x96xf32, #tpu.memory_space<vmem>>, vector<16xf32>,
    %get3A_620 = arith.constant 2 : i32
    %get3A_621 = arith.index_cast %get3A_620 : i32 to index
    %get3A_622 = arith.constant 16 : index
    %get3A_623 = tpu.vector_load %arg10[%get3A_621, %get3A_622] {strides = array<i32>} : memref<4x96xf32, #tpu.memory_space<vmem>>, vector<16xf32>,
    %get3A_624 = arith.constant 3 : i32
    %get3A_625 = arith.index_cast %get3A_624 : i32 to index
    %get3A_626 = arith.constant 16 : index
    %get3A_627 = tpu.vector_load %arg10[%get3A_625, %get3A_626] {strides = array<i32>} : memref<4x96xf32, #tpu.memory_space<vmem>>, vector<16xf32>,
    %get3A_628 = arith.constant 0 : i32
    %get3A_629 = arith.index_cast %get3A_628 : i32 to index
    %get3A_630 = arith.constant 16 : index
    %get3A_631 = tpu.vector_load %arg11[%get3A_629, %get3A_630] {strides = array<i32>} : memref<4x96xf32, #tpu.memory_space<vmem>>, vector<16xf32>,
    %get3A_632 = arith.constant 1 : i32
    %get3A_633 = arith.index_cast %get3A_632 : i32 to index
    %get3A_634 = arith.constant 16 : index
    %get3A_635 = tpu.vector_load %arg11[%get3A_633, %get3A_634] {strides = array<i32>} : memref<4x96xf32, #tpu.memory_space<vmem>>, vector<16xf32>,
    %get3A_636 = arith.constant 2 : i32
    %get3A_637 = arith.index_cast %get3A_636 : i32 to index
    %get3A_638 = arith.constant 16 : index
    %get3A_639 = tpu.vector_load %arg11[%get3A_637, %get3A_638] {strides = array<i32>} : memref<4x96xf32, #tpu.memory_space<vmem>>, vector<16xf32>,
    %get3A_640 = arith.constant 3 : i32
    %get3A_641 = arith.index_cast %get3A_640 : i32 to index
    %get3A_642 = arith.constant 16 : index
    %get3A_643 = tpu.vector_load %arg11[%get3A_641, %get3A_642] {strides = array<i32>} : memref<4x96xf32, #tpu.memory_space<vmem>>, vector<16xf32>,
    %mul3A_644 = arith.constant 5.000000e-01 : f32
    %mul3A_645 = vector.broadcast %mul3A_644 : f32 to vector<16xf32>
    %mul3A_646 = arith.mulf %mul3A_645, %get3A_623 : vector<16xf32>
    %sub3A_647 = arith.subf %get3A_615, %mul3A_646 : vector<16xf32>
    %mul3A_648 = arith.constant 5.000000e-01 : f32
    %mul3A_649 = vector.broadcast %mul3A_648 : f32 to vector<16xf32>
    %mul3A_650 = arith.mulf %mul3A_649, %get3A_627 : vector<16xf32>
    %sub3A_651 = arith.subf %get3A_619, %mul3A_650 : vector<16xf32>
    %mul3A_652 = arith.constant 5.000000e-01 : f32
    %mul3A_653 = vector.broadcast %mul3A_652 : f32 to vector<16xf32>
    %mul3A_654 = arith.mulf %mul3A_653, %get3A_623 : vector<16xf32>
    %add3A_655 = arith.addf %get3A_615, %mul3A_654 : vector<16xf32>
    %mul3A_656 = arith.constant 5.000000e-01 : f32
    %mul3A_657 = vector.broadcast %mul3A_656 : f32 to vector<16xf32>
    %mul3A_658 = arith.mulf %mul3A_657, %get3A_627 : vector<16xf32>
    %add3A_659 = arith.addf %get3A_619, %mul3A_658 : vector<16xf32>
    %add3A_660 = arith.constant 16 : i32
    %add3A_661 = arith.addi %mul3A_2, %add3A_660 : i32
    %add3A_662 = vector.broadcast %add3A_661 : i32 to vector<16xi32>
    %add3A_663 = arith.addi %iota3A, %add3A_662 : vector<16xi32>
    %lt3A_664 = arith.constant 3000 : i32
    %lt3A_665 = vector.broadcast %lt3A_664 : i32 to vector<16xi32>
    %lt3A_666 = arith.cmpi slt, %add3A_663, %lt3A_665 : vector<16xi32>
    %div3A_667 = arith.divf %get3A_599, %get3A_631 : vector<16xf32>
    %sub3A_668 = arith.subf %div3A_667, %sub3A_647 : vector<16xf32>
    %abs3A_669 = math.absf %sub3A_668 : vector<16xf32>
    %div3A_670 = arith.divf %get3A_603, %get3A_635 : vector<16xf32>
    %sub3A_671 = arith.subf %div3A_670, %sub3A_651 : vector<16xf32>
    %abs3A_672 = math.absf %sub3A_671 : vector<16xf32>
    %add3A_673 = arith.addf %abs3A_669, %abs3A_672 : vector<16xf32>
    %div3A_674 = arith.divf %get3A_607, %get3A_639 : vector<16xf32>
    %sub3A_675 = arith.subf %div3A_674, %add3A_655 : vector<16xf32>
    %abs3A_676 = math.absf %sub3A_675 : vector<16xf32>
    %add3A_677 = arith.addf %add3A_673, %abs3A_676 : vector<16xf32>
    %div3A_678 = arith.divf %get3A_611, %get3A_643 : vector<16xf32>
    %sub3A_679 = arith.subf %div3A_678, %add3A_659 : vector<16xf32>
    %abs3A_680 = math.absf %sub3A_679 : vector<16xf32>
    %add3A_681 = arith.addf %add3A_677, %abs3A_680 : vector<16xf32>
    %jit3A_682 = arith.constant 0.000000e+00 : f32
    %broadcast_in_dim3A_683 = vector.broadcast %jit3A_682 : f32 to vector<16xf32>
    %select_n3A_684 = arith.select %lt3A_666, %add3A_681, %broadcast_in_dim3A_683 : vector<16xi1>, vector<16xf32>
    %add3A_685 = arith.addf %add3A_552, %select_n3A_684 : vector<16xf32>
    %mul3A_686 = arith.mulf %sub3A_647, %get3A_631 : vector<16xf32>
    %mul3A_687 = arith.mulf %sub3A_651, %get3A_635 : vector<16xf32>
    %mul3A_688 = arith.mulf %add3A_655, %get3A_639 : vector<16xf32>
    %mul3A_689 = arith.mulf %add3A_659, %get3A_643 : vector<16xf32>
    %sub3A_690 = arith.subf %get3A_607, %get3A_599 : vector<16xf32>
    %sub3A_691 = arith.subf %get3A_611, %get3A_603 : vector<16xf32>
    %mul3A_692 = arith.mulf %sub3A_690, %sub3A_691 : vector<16xf32>
    %sub3A_693 = arith.subf %mul3A_688, %mul3A_686 : vector<16xf32>
    %sub3A_694 = arith.subf %mul3A_689, %mul3A_687 : vector<16xf32>
    %mul3A_695 = arith.mulf %sub3A_693, %sub3A_694 : vector<16xf32>
    %min3A_696 = arith.minimumf %get3A_607, %mul3A_688 : vector<16xf32>
    %max3A_697 = arith.maximumf %get3A_599, %mul3A_686 : vector<16xf32>
    %sub3A_698 = arith.subf %min3A_696, %max3A_697 : vector<16xf32>
    %max3A_699 = arith.constant 0.000000e+00 : f32
    %max3A_700 = vector.broadcast %max3A_699 : f32 to vector<16xf32>
    %max3A_701 = arith.maximumf %sub3A_698, %max3A_700 : vector<16xf32>
    %min3A_702 = arith.minimumf %get3A_611, %mul3A_689 : vector<16xf32>
    %max3A_703 = arith.maximumf %get3A_603, %mul3A_687 : vector<16xf32>
    %sub3A_704 = arith.subf %min3A_702, %max3A_703 : vector<16xf32>
    %max3A_705 = arith.constant 0.000000e+00 : f32
    %max3A_706 = vector.broadcast %max3A_705 : f32 to vector<16xf32>
    %max3A_707 = arith.maximumf %sub3A_704, %max3A_706 : vector<16xf32>
    %mul3A_708 = arith.mulf %max3A_701, %max3A_707 : vector<16xf32>
    %add3A_709 = arith.addf %mul3A_692, %mul3A_695 : vector<16xf32>
    %sub3A_710 = arith.subf %add3A_709, %mul3A_708 : vector<16xf32>
    %max3A_711 = arith.maximumf %get3A_607, %mul3A_688 : vector<16xf32>
    %min3A_712 = arith.minimumf %get3A_599, %mul3A_686 : vector<16xf32>
    %sub3A_713 = arith.subf %max3A_711, %min3A_712 : vector<16xf32>
    %max3A_714 = arith.maximumf %get3A_611, %mul3A_689 : vector<16xf32>
    %min3A_715 = arith.minimumf %get3A_603, %mul3A_687 : vector<16xf32>
    %sub3A_716 = arith.subf %max3A_714, %min3A_715 : vector<16xf32>
    %mul3A_717 = arith.mulf %sub3A_713, %sub3A_716 : vector<16xf32>
    %div3A_718 = arith.divf %mul3A_708, %sub3A_710 : vector<16xf32>
    %sub3A_719 = arith.subf %mul3A_717, %sub3A_710 : vector<16xf32>
    %div3A_720 = arith.divf %sub3A_719, %mul3A_717 : vector<16xf32>
    %sub3A_721 = arith.subf %div3A_718, %div3A_720 : vector<16xf32>
    %sub3A_722 = arith.constant 1.000000e+00 : f32
    %sub3A_723 = vector.broadcast %sub3A_722 : f32 to vector<16xf32>
    %sub3A_724 = arith.subf %sub3A_723, %sub3A_721 : vector<16xf32>
    %jit3A_725 = arith.constant 0.000000e+00 : f32
    %broadcast_in_dim3A_726 = vector.broadcast %jit3A_725 : f32 to vector<16xf32>
    %select_n3A_727 = arith.select %lt3A_666, %sub3A_724, %broadcast_in_dim3A_726 : vector<16xi1>, vector<16xf32>
    %add3A_728 = arith.addf %add3A_595, %select_n3A_727 : vector<16xf32>
    %get3A_729 = arith.constant 0 : i32
    %get3A_730 = arith.index_cast %get3A_729 : i32 to index
    %get3A_731 = arith.constant 32 : index
    %get3A_732 = tpu.vector_load %arg9[%get3A_730, %get3A_731] {strides = array<i32>} : memref<4x96xf32, #tpu.memory_space<vmem>>, vector<16xf32>,
    %get3A_733 = arith.constant 1 : i32
    %get3A_734 = arith.index_cast %get3A_733 : i32 to index
    %get3A_735 = arith.constant 32 : index
    %get3A_736 = tpu.vector_load %arg9[%get3A_734, %get3A_735] {strides = array<i32>} : memref<4x96xf32, #tpu.memory_space<vmem>>, vector<16xf32>,
    %get3A_737 = arith.constant 2 : i32
    %get3A_738 = arith.index_cast %get3A_737 : i32 to index
    %get3A_739 = arith.constant 32 : index
    %get3A_740 = tpu.vector_load %arg9[%get3A_738, %get3A_739] {strides = array<i32>} : memref<4x96xf32, #tpu.memory_space<vmem>>, vector<16xf32>,
    %get3A_741 = arith.constant 3 : i32
    %get3A_742 = arith.index_cast %get3A_741 : i32 to index
    %get3A_743 = arith.constant 32 : index
    %get3A_744 = tpu.vector_load %arg9[%get3A_742, %get3A_743] {strides = array<i32>} : memref<4x96xf32, #tpu.memory_space<vmem>>, vector<16xf32>,
    %get3A_745 = arith.constant 0 : i32
    %get3A_746 = arith.index_cast %get3A_745 : i32 to index
    %get3A_747 = arith.constant 32 : index
    %get3A_748 = tpu.vector_load %arg10[%get3A_746, %get3A_747] {strides = array<i32>} : memref<4x96xf32, #tpu.memory_space<vmem>>, vector<16xf32>,
    %get3A_749 = arith.constant 1 : i32
    %get3A_750 = arith.index_cast %get3A_749 : i32 to index
    %get3A_751 = arith.constant 32 : index
    %get3A_752 = tpu.vector_load %arg10[%get3A_750, %get3A_751] {strides = array<i32>} : memref<4x96xf32, #tpu.memory_space<vmem>>, vector<16xf32>,
    %get3A_753 = arith.constant 2 : i32
    %get3A_754 = arith.index_cast %get3A_753 : i32 to index
    %get3A_755 = arith.constant 32 : index
    %get3A_756 = tpu.vector_load %arg10[%get3A_754, %get3A_755] {strides = array<i32>} : memref<4x96xf32, #tpu.memory_space<vmem>>, vector<16xf32>,
    %get3A_757 = arith.constant 3 : i32
    %get3A_758 = arith.index_cast %get3A_757 : i32 to index
    %get3A_759 = arith.constant 32 : index
    %get3A_760 = tpu.vector_load %arg10[%get3A_758, %get3A_759] {strides = array<i32>} : memref<4x96xf32, #tpu.memory_space<vmem>>, vector<16xf32>,
    %get3A_761 = arith.constant 0 : i32
    %get3A_762 = arith.index_cast %get3A_761 : i32 to index
    %get3A_763 = arith.constant 32 : index
    %get3A_764 = tpu.vector_load %arg11[%get3A_762, %get3A_763] {strides = array<i32>} : memref<4x96xf32, #tpu.memory_space<vmem>>, vector<16xf32>,
    %get3A_765 = arith.constant 1 : i32
    %get3A_766 = arith.index_cast %get3A_765 : i32 to index
    %get3A_767 = arith.constant 32 : index
    %get3A_768 = tpu.vector_load %arg11[%get3A_766, %get3A_767] {strides = array<i32>} : memref<4x96xf32, #tpu.memory_space<vmem>>, vector<16xf32>,
    %get3A_769 = arith.constant 2 : i32
    %get3A_770 = arith.index_cast %get3A_769 : i32 to index
    %get3A_771 = arith.constant 32 : index
    %get3A_772 = tpu.vector_load %arg11[%get3A_770, %get3A_771] {strides = array<i32>} : memref<4x96xf32, #tpu.memory_space<vmem>>, vector<16xf32>,
    %get3A_773 = arith.constant 3 : i32
    %get3A_774 = arith.index_cast %get3A_773 : i32 to index
    %get3A_775 = arith.constant 32 : index
    %get3A_776 = tpu.vector_load %arg11[%get3A_774, %get3A_775] {strides = array<i32>} : memref<4x96xf32, #tpu.memory_space<vmem>>, vector<16xf32>,
    %mul3A_777 = arith.constant 5.000000e-01 : f32
    %mul3A_778 = vector.broadcast %mul3A_777 : f32 to vector<16xf32>
    %mul3A_779 = arith.mulf %mul3A_778, %get3A_756 : vector<16xf32>
    %sub3A_780 = arith.subf %get3A_748, %mul3A_779 : vector<16xf32>
    %mul3A_781 = arith.constant 5.000000e-01 : f32
    %mul3A_782 = vector.broadcast %mul3A_781 : f32 to vector<16xf32>
    %mul3A_783 = arith.mulf %mul3A_782, %get3A_760 : vector<16xf32>
    %sub3A_784 = arith.subf %get3A_752, %mul3A_783 : vector<16xf32>
    %mul3A_785 = arith.constant 5.000000e-01 : f32
    %mul3A_786 = vector.broadcast %mul3A_785 : f32 to vector<16xf32>
    %mul3A_787 = arith.mulf %mul3A_786, %get3A_756 : vector<16xf32>
    %add3A_788 = arith.addf %get3A_748, %mul3A_787 : vector<16xf32>
    %mul3A_789 = arith.constant 5.000000e-01 : f32
    %mul3A_790 = vector.broadcast %mul3A_789 : f32 to vector<16xf32>
    %mul3A_791 = arith.mulf %mul3A_790, %get3A_760 : vector<16xf32>
    %add3A_792 = arith.addf %get3A_752, %mul3A_791 : vector<16xf32>
    %add3A_793 = arith.constant 32 : i32
    %add3A_794 = arith.addi %mul3A_2, %add3A_793 : i32
    %add3A_795 = vector.broadcast %add3A_794 : i32 to vector<16xi32>
    %add3A_796 = arith.addi %iota3A, %add3A_795 : vector<16xi32>
    %lt3A_797 = arith.constant 3000 : i32
    %lt3A_798 = vector.broadcast %lt3A_797 : i32 to vector<16xi32>
    %lt3A_799 = arith.cmpi slt, %add3A_796, %lt3A_798 : vector<16xi32>
    %div3A_800 = arith.divf %get3A_732, %get3A_764 : vector<16xf32>
    %sub3A_801 = arith.subf %div3A_800, %sub3A_780 : vector<16xf32>
    %abs3A_802 = math.absf %sub3A_801 : vector<16xf32>
    %div3A_803 = arith.divf %get3A_736, %get3A_768 : vector<16xf32>
    %sub3A_804 = arith.subf %div3A_803, %sub3A_784 : vector<16xf32>
    %abs3A_805 = math.absf %sub3A_804 : vector<16xf32>
    %add3A_806 = arith.addf %abs3A_802, %abs3A_805 : vector<16xf32>
    %div3A_807 = arith.divf %get3A_740, %get3A_772 : vector<16xf32>
    %sub3A_808 = arith.subf %div3A_807, %add3A_788 : vector<16xf32>
    %abs3A_809 = math.absf %sub3A_808 : vector<16xf32>
    %add3A_810 = arith.addf %add3A_806, %abs3A_809 : vector<16xf32>
    %div3A_811 = arith.divf %get3A_744, %get3A_776 : vector<16xf32>
    %sub3A_812 = arith.subf %div3A_811, %add3A_792 : vector<16xf32>
    %abs3A_813 = math.absf %sub3A_812 : vector<16xf32>
    %add3A_814 = arith.addf %add3A_810, %abs3A_813 : vector<16xf32>
    %jit3A_815 = arith.constant 0.000000e+00 : f32
    %broadcast_in_dim3A_816 = vector.broadcast %jit3A_815 : f32 to vector<16xf32>
    %select_n3A_817 = arith.select %lt3A_799, %add3A_814, %broadcast_in_dim3A_816 : vector<16xi1>, vector<16xf32>
    %add3A_818 = arith.addf %add3A_685, %select_n3A_817 : vector<16xf32>
    %mul3A_819 = arith.mulf %sub3A_780, %get3A_764 : vector<16xf32>
    %mul3A_820 = arith.mulf %sub3A_784, %get3A_768 : vector<16xf32>
    %mul3A_821 = arith.mulf %add3A_788, %get3A_772 : vector<16xf32>
    %mul3A_822 = arith.mulf %add3A_792, %get3A_776 : vector<16xf32>
    %sub3A_823 = arith.subf %get3A_740, %get3A_732 : vector<16xf32>
    %sub3A_824 = arith.subf %get3A_744, %get3A_736 : vector<16xf32>
    %mul3A_825 = arith.mulf %sub3A_823, %sub3A_824 : vector<16xf32>
    %sub3A_826 = arith.subf %mul3A_821, %mul3A_819 : vector<16xf32>
    %sub3A_827 = arith.subf %mul3A_822, %mul3A_820 : vector<16xf32>
    %mul3A_828 = arith.mulf %sub3A_826, %sub3A_827 : vector<16xf32>
    %min3A_829 = arith.minimumf %get3A_740, %mul3A_821 : vector<16xf32>
    %max3A_830 = arith.maximumf %get3A_732, %mul3A_819 : vector<16xf32>
    %sub3A_831 = arith.subf %min3A_829, %max3A_830 : vector<16xf32>
    %max3A_832 = arith.constant 0.000000e+00 : f32
    %max3A_833 = vector.broadcast %max3A_832 : f32 to vector<16xf32>
    %max3A_834 = arith.maximumf %sub3A_831, %max3A_833 : vector<16xf32>
    %min3A_835 = arith.minimumf %get3A_744, %mul3A_822 : vector<16xf32>
    %max3A_836 = arith.maximumf %get3A_736, %mul3A_820 : vector<16xf32>
    %sub3A_837 = arith.subf %min3A_835, %max3A_836 : vector<16xf32>
    %max3A_838 = arith.constant 0.000000e+00 : f32
    %max3A_839 = vector.broadcast %max3A_838 : f32 to vector<16xf32>
    %max3A_840 = arith.maximumf %sub3A_837, %max3A_839 : vector<16xf32>
    %mul3A_841 = arith.mulf %max3A_834, %max3A_840 : vector<16xf32>
    %add3A_842 = arith.addf %mul3A_825, %mul3A_828 : vector<16xf32>
    %sub3A_843 = arith.subf %add3A_842, %mul3A_841 : vector<16xf32>
    %max3A_844 = arith.maximumf %get3A_740, %mul3A_821 : vector<16xf32>
    %min3A_845 = arith.minimumf %get3A_732, %mul3A_819 : vector<16xf32>
    %sub3A_846 = arith.subf %max3A_844, %min3A_845 : vector<16xf32>
    %max3A_847 = arith.maximumf %get3A_744, %mul3A_822 : vector<16xf32>
    %min3A_848 = arith.minimumf %get3A_736, %mul3A_820 : vector<16xf32>
    %sub3A_849 = arith.subf %max3A_847, %min3A_848 : vector<16xf32>
    %mul3A_850 = arith.mulf %sub3A_846, %sub3A_849 : vector<16xf32>
    %div3A_851 = arith.divf %mul3A_841, %sub3A_843 : vector<16xf32>
    %sub3A_852 = arith.subf %mul3A_850, %sub3A_843 : vector<16xf32>
    %div3A_853 = arith.divf %sub3A_852, %mul3A_850 : vector<16xf32>
    %sub3A_854 = arith.subf %div3A_851, %div3A_853 : vector<16xf32>
    %sub3A_855 = arith.constant 1.000000e+00 : f32
    %sub3A_856 = vector.broadcast %sub3A_855 : f32 to vector<16xf32>
    %sub3A_857 = arith.subf %sub3A_856, %sub3A_854 : vector<16xf32>
    %jit3A_858 = arith.constant 0.000000e+00 : f32
    %broadcast_in_dim3A_859 = vector.broadcast %jit3A_858 : f32 to vector<16xf32>
    %select_n3A_860 = arith.select %lt3A_799, %sub3A_857, %broadcast_in_dim3A_859 : vector<16xi1>, vector<16xf32>
    %add3A_861 = arith.addf %add3A_728, %select_n3A_860 : vector<16xf32>
    %get3A_862 = arith.constant 0 : i32
    %get3A_863 = arith.index_cast %get3A_862 : i32 to index
    %get3A_864 = arith.constant 48 : index
    %get3A_865 = tpu.vector_load %arg9[%get3A_863, %get3A_864] {strides = array<i32>} : memref<4x96xf32, #tpu.memory_space<vmem>>, vector<16xf32>,
    %get3A_866 = arith.constant 1 : i32
    %get3A_867 = arith.index_cast %get3A_866 : i32 to index
    %get3A_868 = arith.constant 48 : index
    %get3A_869 = tpu.vector_load %arg9[%get3A_867, %get3A_868] {strides = array<i32>} : memref<4x96xf32, #tpu.memory_space<vmem>>, vector<16xf32>,
    %get3A_870 = arith.constant 2 : i32
    %get3A_871 = arith.index_cast %get3A_870 : i32 to index
    %get3A_872 = arith.constant 48 : index
    %get3A_873 = tpu.vector_load %arg9[%get3A_871, %get3A_872] {strides = array<i32>} : memref<4x96xf32, #tpu.memory_space<vmem>>, vector<16xf32>,
    %get3A_874 = arith.constant 3 : i32
    %get3A_875 = arith.index_cast %get3A_874 : i32 to index
    %get3A_876 = arith.constant 48 : index
    %get3A_877 = tpu.vector_load %arg9[%get3A_875, %get3A_876] {strides = array<i32>} : memref<4x96xf32, #tpu.memory_space<vmem>>, vector<16xf32>,
    %get3A_878 = arith.constant 0 : i32
    %get3A_879 = arith.index_cast %get3A_878 : i32 to index
    %get3A_880 = arith.constant 48 : index
    %get3A_881 = tpu.vector_load %arg10[%get3A_879, %get3A_880] {strides = array<i32>} : memref<4x96xf32, #tpu.memory_space<vmem>>, vector<16xf32>,
    %get3A_882 = arith.constant 1 : i32
    %get3A_883 = arith.index_cast %get3A_882 : i32 to index
    %get3A_884 = arith.constant 48 : index
    %get3A_885 = tpu.vector_load %arg10[%get3A_883, %get3A_884] {strides = array<i32>} : memref<4x96xf32, #tpu.memory_space<vmem>>, vector<16xf32>,
    %get3A_886 = arith.constant 2 : i32
    %get3A_887 = arith.index_cast %get3A_886 : i32 to index
    %get3A_888 = arith.constant 48 : index
    %get3A_889 = tpu.vector_load %arg10[%get3A_887, %get3A_888] {strides = array<i32>} : memref<4x96xf32, #tpu.memory_space<vmem>>, vector<16xf32>,
    %get3A_890 = arith.constant 3 : i32
    %get3A_891 = arith.index_cast %get3A_890 : i32 to index
    %get3A_892 = arith.constant 48 : index
    %get3A_893 = tpu.vector_load %arg10[%get3A_891, %get3A_892] {strides = array<i32>} : memref<4x96xf32, #tpu.memory_space<vmem>>, vector<16xf32>,
    %get3A_894 = arith.constant 0 : i32
    %get3A_895 = arith.index_cast %get3A_894 : i32 to index
    %get3A_896 = arith.constant 48 : index
    %get3A_897 = tpu.vector_load %arg11[%get3A_895, %get3A_896] {strides = array<i32>} : memref<4x96xf32, #tpu.memory_space<vmem>>, vector<16xf32>,
    %get3A_898 = arith.constant 1 : i32
    %get3A_899 = arith.index_cast %get3A_898 : i32 to index
    %get3A_900 = arith.constant 48 : index
    %get3A_901 = tpu.vector_load %arg11[%get3A_899, %get3A_900] {strides = array<i32>} : memref<4x96xf32, #tpu.memory_space<vmem>>, vector<16xf32>,
    %get3A_902 = arith.constant 2 : i32
    %get3A_903 = arith.index_cast %get3A_902 : i32 to index
    %get3A_904 = arith.constant 48 : index
    %get3A_905 = tpu.vector_load %arg11[%get3A_903, %get3A_904] {strides = array<i32>} : memref<4x96xf32, #tpu.memory_space<vmem>>, vector<16xf32>,
    %get3A_906 = arith.constant 3 : i32
    %get3A_907 = arith.index_cast %get3A_906 : i32 to index
    %get3A_908 = arith.constant 48 : index
    %get3A_909 = tpu.vector_load %arg11[%get3A_907, %get3A_908] {strides = array<i32>} : memref<4x96xf32, #tpu.memory_space<vmem>>, vector<16xf32>,
    %mul3A_910 = arith.constant 5.000000e-01 : f32
    %mul3A_911 = vector.broadcast %mul3A_910 : f32 to vector<16xf32>
    %mul3A_912 = arith.mulf %mul3A_911, %get3A_889 : vector<16xf32>
    %sub3A_913 = arith.subf %get3A_881, %mul3A_912 : vector<16xf32>
    %mul3A_914 = arith.constant 5.000000e-01 : f32
    %mul3A_915 = vector.broadcast %mul3A_914 : f32 to vector<16xf32>
    %mul3A_916 = arith.mulf %mul3A_915, %get3A_893 : vector<16xf32>
    %sub3A_917 = arith.subf %get3A_885, %mul3A_916 : vector<16xf32>
    %mul3A_918 = arith.constant 5.000000e-01 : f32
    %mul3A_919 = vector.broadcast %mul3A_918 : f32 to vector<16xf32>
    %mul3A_920 = arith.mulf %mul3A_919, %get3A_889 : vector<16xf32>
    %add3A_921 = arith.addf %get3A_881, %mul3A_920 : vector<16xf32>
    %mul3A_922 = arith.constant 5.000000e-01 : f32
    %mul3A_923 = vector.broadcast %mul3A_922 : f32 to vector<16xf32>
    %mul3A_924 = arith.mulf %mul3A_923, %get3A_893 : vector<16xf32>
    %add3A_925 = arith.addf %get3A_885, %mul3A_924 : vector<16xf32>
    %add3A_926 = arith.constant 48 : i32
    %add3A_927 = arith.addi %mul3A_2, %add3A_926 : i32
    %add3A_928 = vector.broadcast %add3A_927 : i32 to vector<16xi32>
    %add3A_929 = arith.addi %iota3A, %add3A_928 : vector<16xi32>
    %lt3A_930 = arith.constant 3000 : i32
    %lt3A_931 = vector.broadcast %lt3A_930 : i32 to vector<16xi32>
    %lt3A_932 = arith.cmpi slt, %add3A_929, %lt3A_931 : vector<16xi32>
    %div3A_933 = arith.divf %get3A_865, %get3A_897 : vector<16xf32>
    %sub3A_934 = arith.subf %div3A_933, %sub3A_913 : vector<16xf32>
    %abs3A_935 = math.absf %sub3A_934 : vector<16xf32>
    %div3A_936 = arith.divf %get3A_869, %get3A_901 : vector<16xf32>
    %sub3A_937 = arith.subf %div3A_936, %sub3A_917 : vector<16xf32>
    %abs3A_938 = math.absf %sub3A_937 : vector<16xf32>
    %add3A_939 = arith.addf %abs3A_935, %abs3A_938 : vector<16xf32>
    %div3A_940 = arith.divf %get3A_873, %get3A_905 : vector<16xf32>
    %sub3A_941 = arith.subf %div3A_940, %add3A_921 : vector<16xf32>
    %abs3A_942 = math.absf %sub3A_941 : vector<16xf32>
    %add3A_943 = arith.addf %add3A_939, %abs3A_942 : vector<16xf32>
    %div3A_944 = arith.divf %get3A_877, %get3A_909 : vector<16xf32>
    %sub3A_945 = arith.subf %div3A_944, %add3A_925 : vector<16xf32>
    %abs3A_946 = math.absf %sub3A_945 : vector<16xf32>
    %add3A_947 = arith.addf %add3A_943, %abs3A_946 : vector<16xf32>
    %jit3A_948 = arith.constant 0.000000e+00 : f32
    %broadcast_in_dim3A_949 = vector.broadcast %jit3A_948 : f32 to vector<16xf32>
    %select_n3A_950 = arith.select %lt3A_932, %add3A_947, %broadcast_in_dim3A_949 : vector<16xi1>, vector<16xf32>
    %add3A_951 = arith.addf %add3A_818, %select_n3A_950 : vector<16xf32>
    %mul3A_952 = arith.mulf %sub3A_913, %get3A_897 : vector<16xf32>
    %mul3A_953 = arith.mulf %sub3A_917, %get3A_901 : vector<16xf32>
    %mul3A_954 = arith.mulf %add3A_921, %get3A_905 : vector<16xf32>
    %mul3A_955 = arith.mulf %add3A_925, %get3A_909 : vector<16xf32>
    %sub3A_956 = arith.subf %get3A_873, %get3A_865 : vector<16xf32>
    %sub3A_957 = arith.subf %get3A_877, %get3A_869 : vector<16xf32>
    %mul3A_958 = arith.mulf %sub3A_956, %sub3A_957 : vector<16xf32>
    %sub3A_959 = arith.subf %mul3A_954, %mul3A_952 : vector<16xf32>
    %sub3A_960 = arith.subf %mul3A_955, %mul3A_953 : vector<16xf32>
    %mul3A_961 = arith.mulf %sub3A_959, %sub3A_960 : vector<16xf32>
    %min3A_962 = arith.minimumf %get3A_873, %mul3A_954 : vector<16xf32>
    %max3A_963 = arith.maximumf %get3A_865, %mul3A_952 : vector<16xf32>
    %sub3A_964 = arith.subf %min3A_962, %max3A_963 : vector<16xf32>
    %max3A_965 = arith.constant 0.000000e+00 : f32
    %max3A_966 = vector.broadcast %max3A_965 : f32 to vector<16xf32>
    %max3A_967 = arith.maximumf %sub3A_964, %max3A_966 : vector<16xf32>
    %min3A_968 = arith.minimumf %get3A_877, %mul3A_955 : vector<16xf32>
    %max3A_969 = arith.maximumf %get3A_869, %mul3A_953 : vector<16xf32>
    %sub3A_970 = arith.subf %min3A_968, %max3A_969 : vector<16xf32>
    %max3A_971 = arith.constant 0.000000e+00 : f32
    %max3A_972 = vector.broadcast %max3A_971 : f32 to vector<16xf32>
    %max3A_973 = arith.maximumf %sub3A_970, %max3A_972 : vector<16xf32>
    %mul3A_974 = arith.mulf %max3A_967, %max3A_973 : vector<16xf32>
    %add3A_975 = arith.addf %mul3A_958, %mul3A_961 : vector<16xf32>
    %sub3A_976 = arith.subf %add3A_975, %mul3A_974 : vector<16xf32>
    %max3A_977 = arith.maximumf %get3A_873, %mul3A_954 : vector<16xf32>
    %min3A_978 = arith.minimumf %get3A_865, %mul3A_952 : vector<16xf32>
    %sub3A_979 = arith.subf %max3A_977, %min3A_978 : vector<16xf32>
    %max3A_980 = arith.maximumf %get3A_877, %mul3A_955 : vector<16xf32>
    %min3A_981 = arith.minimumf %get3A_869, %mul3A_953 : vector<16xf32>
    %sub3A_982 = arith.subf %max3A_980, %min3A_981 : vector<16xf32>
    %mul3A_983 = arith.mulf %sub3A_979, %sub3A_982 : vector<16xf32>
    %div3A_984 = arith.divf %mul3A_974, %sub3A_976 : vector<16xf32>
    %sub3A_985 = arith.subf %mul3A_983, %sub3A_976 : vector<16xf32>
    %div3A_986 = arith.divf %sub3A_985, %mul3A_983 : vector<16xf32>
    %sub3A_987 = arith.subf %div3A_984, %div3A_986 : vector<16xf32>
    %sub3A_988 = arith.constant 1.000000e+00 : f32
    %sub3A_989 = vector.broadcast %sub3A_988 : f32 to vector<16xf32>
    %sub3A_990 = arith.subf %sub3A_989, %sub3A_987 : vector<16xf32>
    %jit3A_991 = arith.constant 0.000000e+00 : f32
    %broadcast_in_dim3A_992 = vector.broadcast %jit3A_991 : f32 to vector<16xf32>
    %select_n3A_993 = arith.select %lt3A_932, %sub3A_990, %broadcast_in_dim3A_992 : vector<16xi1>, vector<16xf32>
    %add3A_994 = arith.addf %add3A_861, %select_n3A_993 : vector<16xf32>
    %get3A_995 = arith.constant 0 : i32
    %get3A_996 = arith.index_cast %get3A_995 : i32 to index
    %get3A_997 = arith.constant 64 : index
    %get3A_998 = tpu.vector_load %arg9[%get3A_996, %get3A_997] {strides = array<i32>} : memref<4x96xf32, #tpu.memory_space<vmem>>, vector<16xf32>,
    %get3A_999 = arith.constant 1 : i32
    %get3A_1000 = arith.index_cast %get3A_999 : i32 to index
    %get3A_1001 = arith.constant 64 : index
    %get3A_1002 = tpu.vector_load %arg9[%get3A_1000, %get3A_1001] {strides = array<i32>} : memref<4x96xf32, #tpu.memory_space<vmem>>, vector<16xf32>,
    %get3A_1003 = arith.constant 2 : i32
    %get3A_1004 = arith.index_cast %get3A_1003 : i32 to index
    %get3A_1005 = arith.constant 64 : index
    %get3A_1006 = tpu.vector_load %arg9[%get3A_1004, %get3A_1005] {strides = array<i32>} : memref<4x96xf32, #tpu.memory_space<vmem>>, vector<16xf32>,
    %get3A_1007 = arith.constant 3 : i32
    %get3A_1008 = arith.index_cast %get3A_1007 : i32 to index
    %get3A_1009 = arith.constant 64 : index
    %get3A_1010 = tpu.vector_load %arg9[%get3A_1008, %get3A_1009] {strides = array<i32>} : memref<4x96xf32, #tpu.memory_space<vmem>>, vector<16xf32>,
    %get3A_1011 = arith.constant 0 : i32
    %get3A_1012 = arith.index_cast %get3A_1011 : i32 to index
    %get3A_1013 = arith.constant 64 : index
    %get3A_1014 = tpu.vector_load %arg10[%get3A_1012, %get3A_1013] {strides = array<i32>} : memref<4x96xf32, #tpu.memory_space<vmem>>, vector<16xf32>,
    %get3A_1015 = arith.constant 1 : i32
    %get3A_1016 = arith.index_cast %get3A_1015 : i32 to index
    %get3A_1017 = arith.constant 64 : index
    %get3A_1018 = tpu.vector_load %arg10[%get3A_1016, %get3A_1017] {strides = array<i32>} : memref<4x96xf32, #tpu.memory_space<vmem>>, vector<16xf32>,
    %get3A_1019 = arith.constant 2 : i32
    %get3A_1020 = arith.index_cast %get3A_1019 : i32 to index
    %get3A_1021 = arith.constant 64 : index
    %get3A_1022 = tpu.vector_load %arg10[%get3A_1020, %get3A_1021] {strides = array<i32>} : memref<4x96xf32, #tpu.memory_space<vmem>>, vector<16xf32>,
    %get3A_1023 = arith.constant 3 : i32
    %get3A_1024 = arith.index_cast %get3A_1023 : i32 to index
    %get3A_1025 = arith.constant 64 : index
    %get3A_1026 = tpu.vector_load %arg10[%get3A_1024, %get3A_1025] {strides = array<i32>} : memref<4x96xf32, #tpu.memory_space<vmem>>, vector<16xf32>,
    %get3A_1027 = arith.constant 0 : i32
    %get3A_1028 = arith.index_cast %get3A_1027 : i32 to index
    %get3A_1029 = arith.constant 64 : index
    %get3A_1030 = tpu.vector_load %arg11[%get3A_1028, %get3A_1029] {strides = array<i32>} : memref<4x96xf32, #tpu.memory_space<vmem>>, vector<16xf32>,
    %get3A_1031 = arith.constant 1 : i32
    %get3A_1032 = arith.index_cast %get3A_1031 : i32 to index
    %get3A_1033 = arith.constant 64 : index
    %get3A_1034 = tpu.vector_load %arg11[%get3A_1032, %get3A_1033] {strides = array<i32>} : memref<4x96xf32, #tpu.memory_space<vmem>>, vector<16xf32>,
    %get3A_1035 = arith.constant 2 : i32
    %get3A_1036 = arith.index_cast %get3A_1035 : i32 to index
    %get3A_1037 = arith.constant 64 : index
    %get3A_1038 = tpu.vector_load %arg11[%get3A_1036, %get3A_1037] {strides = array<i32>} : memref<4x96xf32, #tpu.memory_space<vmem>>, vector<16xf32>,
    %get3A_1039 = arith.constant 3 : i32
    %get3A_1040 = arith.index_cast %get3A_1039 : i32 to index
    %get3A_1041 = arith.constant 64 : index
    %get3A_1042 = tpu.vector_load %arg11[%get3A_1040, %get3A_1041] {strides = array<i32>} : memref<4x96xf32, #tpu.memory_space<vmem>>, vector<16xf32>,
    %mul3A_1043 = arith.constant 5.000000e-01 : f32
    %mul3A_1044 = vector.broadcast %mul3A_1043 : f32 to vector<16xf32>
    %mul3A_1045 = arith.mulf %mul3A_1044, %get3A_1022 : vector<16xf32>
    %sub3A_1046 = arith.subf %get3A_1014, %mul3A_1045 : vector<16xf32>
    %mul3A_1047 = arith.constant 5.000000e-01 : f32
    %mul3A_1048 = vector.broadcast %mul3A_1047 : f32 to vector<16xf32>
    %mul3A_1049 = arith.mulf %mul3A_1048, %get3A_1026 : vector<16xf32>
    %sub3A_1050 = arith.subf %get3A_1018, %mul3A_1049 : vector<16xf32>
    %mul3A_1051 = arith.constant 5.000000e-01 : f32
    %mul3A_1052 = vector.broadcast %mul3A_1051 : f32 to vector<16xf32>
    %mul3A_1053 = arith.mulf %mul3A_1052, %get3A_1022 : vector<16xf32>
    %add3A_1054 = arith.addf %get3A_1014, %mul3A_1053 : vector<16xf32>
    %mul3A_1055 = arith.constant 5.000000e-01 : f32
    %mul3A_1056 = vector.broadcast %mul3A_1055 : f32 to vector<16xf32>
    %mul3A_1057 = arith.mulf %mul3A_1056, %get3A_1026 : vector<16xf32>
    %add3A_1058 = arith.addf %get3A_1018, %mul3A_1057 : vector<16xf32>
    %add3A_1059 = arith.constant 64 : i32
    %add3A_1060 = arith.addi %mul3A_2, %add3A_1059 : i32
    %add3A_1061 = vector.broadcast %add3A_1060 : i32 to vector<16xi32>
    %add3A_1062 = arith.addi %iota3A, %add3A_1061 : vector<16xi32>
    %lt3A_1063 = arith.constant 3000 : i32
    %lt3A_1064 = vector.broadcast %lt3A_1063 : i32 to vector<16xi32>
    %lt3A_1065 = arith.cmpi slt, %add3A_1062, %lt3A_1064 : vector<16xi32>
    %div3A_1066 = arith.divf %get3A_998, %get3A_1030 : vector<16xf32>
    %sub3A_1067 = arith.subf %div3A_1066, %sub3A_1046 : vector<16xf32>
    %abs3A_1068 = math.absf %sub3A_1067 : vector<16xf32>
    %div3A_1069 = arith.divf %get3A_1002, %get3A_1034 : vector<16xf32>
    %sub3A_1070 = arith.subf %div3A_1069, %sub3A_1050 : vector<16xf32>
    %abs3A_1071 = math.absf %sub3A_1070 : vector<16xf32>
    %add3A_1072 = arith.addf %abs3A_1068, %abs3A_1071 : vector<16xf32>
    %div3A_1073 = arith.divf %get3A_1006, %get3A_1038 : vector<16xf32>
    %sub3A_1074 = arith.subf %div3A_1073, %add3A_1054 : vector<16xf32>
    %abs3A_1075 = math.absf %sub3A_1074 : vector<16xf32>
    %add3A_1076 = arith.addf %add3A_1072, %abs3A_1075 : vector<16xf32>
    %div3A_1077 = arith.divf %get3A_1010, %get3A_1042 : vector<16xf32>
    %sub3A_1078 = arith.subf %div3A_1077, %add3A_1058 : vector<16xf32>
    %abs3A_1079 = math.absf %sub3A_1078 : vector<16xf32>
    %add3A_1080 = arith.addf %add3A_1076, %abs3A_1079 : vector<16xf32>
    %jit3A_1081 = arith.constant 0.000000e+00 : f32
    %broadcast_in_dim3A_1082 = vector.broadcast %jit3A_1081 : f32 to vector<16xf32>
    %select_n3A_1083 = arith.select %lt3A_1065, %add3A_1080, %broadcast_in_dim3A_1082 : vector<16xi1>, vector<16xf32>
    %add3A_1084 = arith.addf %add3A_951, %select_n3A_1083 : vector<16xf32>
    %mul3A_1085 = arith.mulf %sub3A_1046, %get3A_1030 : vector<16xf32>
    %mul3A_1086 = arith.mulf %sub3A_1050, %get3A_1034 : vector<16xf32>
    %mul3A_1087 = arith.mulf %add3A_1054, %get3A_1038 : vector<16xf32>
    %mul3A_1088 = arith.mulf %add3A_1058, %get3A_1042 : vector<16xf32>
    %sub3A_1089 = arith.subf %get3A_1006, %get3A_998 : vector<16xf32>
    %sub3A_1090 = arith.subf %get3A_1010, %get3A_1002 : vector<16xf32>
    %mul3A_1091 = arith.mulf %sub3A_1089, %sub3A_1090 : vector<16xf32>
    %sub3A_1092 = arith.subf %mul3A_1087, %mul3A_1085 : vector<16xf32>
    %sub3A_1093 = arith.subf %mul3A_1088, %mul3A_1086 : vector<16xf32>
    %mul3A_1094 = arith.mulf %sub3A_1092, %sub3A_1093 : vector<16xf32>
    %min3A_1095 = arith.minimumf %get3A_1006, %mul3A_1087 : vector<16xf32>
    %max3A_1096 = arith.maximumf %get3A_998, %mul3A_1085 : vector<16xf32>
    %sub3A_1097 = arith.subf %min3A_1095, %max3A_1096 : vector<16xf32>
    %max3A_1098 = arith.constant 0.000000e+00 : f32
    %max3A_1099 = vector.broadcast %max3A_1098 : f32 to vector<16xf32>
    %max3A_1100 = arith.maximumf %sub3A_1097, %max3A_1099 : vector<16xf32>
    %min3A_1101 = arith.minimumf %get3A_1010, %mul3A_1088 : vector<16xf32>
    %max3A_1102 = arith.maximumf %get3A_1002, %mul3A_1086 : vector<16xf32>
    %sub3A_1103 = arith.subf %min3A_1101, %max3A_1102 : vector<16xf32>
    %max3A_1104 = arith.constant 0.000000e+00 : f32
    %max3A_1105 = vector.broadcast %max3A_1104 : f32 to vector<16xf32>
    %max3A_1106 = arith.maximumf %sub3A_1103, %max3A_1105 : vector<16xf32>
    %mul3A_1107 = arith.mulf %max3A_1100, %max3A_1106 : vector<16xf32>
    %add3A_1108 = arith.addf %mul3A_1091, %mul3A_1094 : vector<16xf32>
    %sub3A_1109 = arith.subf %add3A_1108, %mul3A_1107 : vector<16xf32>
    %max3A_1110 = arith.maximumf %get3A_1006, %mul3A_1087 : vector<16xf32>
    %min3A_1111 = arith.minimumf %get3A_998, %mul3A_1085 : vector<16xf32>
    %sub3A_1112 = arith.subf %max3A_1110, %min3A_1111 : vector<16xf32>
    %max3A_1113 = arith.maximumf %get3A_1010, %mul3A_1088 : vector<16xf32>
    %min3A_1114 = arith.minimumf %get3A_1002, %mul3A_1086 : vector<16xf32>
    %sub3A_1115 = arith.subf %max3A_1113, %min3A_1114 : vector<16xf32>
    %mul3A_1116 = arith.mulf %sub3A_1112, %sub3A_1115 : vector<16xf32>
    %div3A_1117 = arith.divf %mul3A_1107, %sub3A_1109 : vector<16xf32>
    %sub3A_1118 = arith.subf %mul3A_1116, %sub3A_1109 : vector<16xf32>
    %div3A_1119 = arith.divf %sub3A_1118, %mul3A_1116 : vector<16xf32>
    %sub3A_1120 = arith.subf %div3A_1117, %div3A_1119 : vector<16xf32>
    %sub3A_1121 = arith.constant 1.000000e+00 : f32
    %sub3A_1122 = vector.broadcast %sub3A_1121 : f32 to vector<16xf32>
    %sub3A_1123 = arith.subf %sub3A_1122, %sub3A_1120 : vector<16xf32>
    %jit3A_1124 = arith.constant 0.000000e+00 : f32
    %broadcast_in_dim3A_1125 = vector.broadcast %jit3A_1124 : f32 to vector<16xf32>
    %select_n3A_1126 = arith.select %lt3A_1065, %sub3A_1123, %broadcast_in_dim3A_1125 : vector<16xi1>, vector<16xf32>
    %add3A_1127 = arith.addf %add3A_994, %select_n3A_1126 : vector<16xf32>
    %get3A_1128 = arith.constant 0 : i32
    %get3A_1129 = arith.index_cast %get3A_1128 : i32 to index
    %get3A_1130 = arith.constant 80 : index
    %get3A_1131 = tpu.vector_load %arg9[%get3A_1129, %get3A_1130] {strides = array<i32>} : memref<4x96xf32, #tpu.memory_space<vmem>>, vector<16xf32>,
    %get3A_1132 = arith.constant 1 : i32
    %get3A_1133 = arith.index_cast %get3A_1132 : i32 to index
    %get3A_1134 = arith.constant 80 : index
    %get3A_1135 = tpu.vector_load %arg9[%get3A_1133, %get3A_1134] {strides = array<i32>} : memref<4x96xf32, #tpu.memory_space<vmem>>, vector<16xf32>,
    %get3A_1136 = arith.constant 2 : i32
    %get3A_1137 = arith.index_cast %get3A_1136 : i32 to index
    %get3A_1138 = arith.constant 80 : index
    %get3A_1139 = tpu.vector_load %arg9[%get3A_1137, %get3A_1138] {strides = array<i32>} : memref<4x96xf32, #tpu.memory_space<vmem>>, vector<16xf32>,
    %get3A_1140 = arith.constant 3 : i32
    %get3A_1141 = arith.index_cast %get3A_1140 : i32 to index
    %get3A_1142 = arith.constant 80 : index
    %get3A_1143 = tpu.vector_load %arg9[%get3A_1141, %get3A_1142] {strides = array<i32>} : memref<4x96xf32, #tpu.memory_space<vmem>>, vector<16xf32>,
    %get3A_1144 = arith.constant 0 : i32
    %get3A_1145 = arith.index_cast %get3A_1144 : i32 to index
    %get3A_1146 = arith.constant 80 : index
    %get3A_1147 = tpu.vector_load %arg10[%get3A_1145, %get3A_1146] {strides = array<i32>} : memref<4x96xf32, #tpu.memory_space<vmem>>, vector<16xf32>,
    %get3A_1148 = arith.constant 1 : i32
    %get3A_1149 = arith.index_cast %get3A_1148 : i32 to index
    %get3A_1150 = arith.constant 80 : index
    %get3A_1151 = tpu.vector_load %arg10[%get3A_1149, %get3A_1150] {strides = array<i32>} : memref<4x96xf32, #tpu.memory_space<vmem>>, vector<16xf32>,
    %get3A_1152 = arith.constant 2 : i32
    %get3A_1153 = arith.index_cast %get3A_1152 : i32 to index
    %get3A_1154 = arith.constant 80 : index
    %get3A_1155 = tpu.vector_load %arg10[%get3A_1153, %get3A_1154] {strides = array<i32>} : memref<4x96xf32, #tpu.memory_space<vmem>>, vector<16xf32>,
    %get3A_1156 = arith.constant 3 : i32
    %get3A_1157 = arith.index_cast %get3A_1156 : i32 to index
    %get3A_1158 = arith.constant 80 : index
    %get3A_1159 = tpu.vector_load %arg10[%get3A_1157, %get3A_1158] {strides = array<i32>} : memref<4x96xf32, #tpu.memory_space<vmem>>, vector<16xf32>,
    %get3A_1160 = arith.constant 0 : i32
    %get3A_1161 = arith.index_cast %get3A_1160 : i32 to index
    %get3A_1162 = arith.constant 80 : index
    %get3A_1163 = tpu.vector_load %arg11[%get3A_1161, %get3A_1162] {strides = array<i32>} : memref<4x96xf32, #tpu.memory_space<vmem>>, vector<16xf32>,
    %get3A_1164 = arith.constant 1 : i32
    %get3A_1165 = arith.index_cast %get3A_1164 : i32 to index
    %get3A_1166 = arith.constant 80 : index
    %get3A_1167 = tpu.vector_load %arg11[%get3A_1165, %get3A_1166] {strides = array<i32>} : memref<4x96xf32, #tpu.memory_space<vmem>>, vector<16xf32>,
    %get3A_1168 = arith.constant 2 : i32
    %get3A_1169 = arith.index_cast %get3A_1168 : i32 to index
    %get3A_1170 = arith.constant 80 : index
    %get3A_1171 = tpu.vector_load %arg11[%get3A_1169, %get3A_1170] {strides = array<i32>} : memref<4x96xf32, #tpu.memory_space<vmem>>, vector<16xf32>,
    %get3A_1172 = arith.constant 3 : i32
    %get3A_1173 = arith.index_cast %get3A_1172 : i32 to index
    %get3A_1174 = arith.constant 80 : index
    %get3A_1175 = tpu.vector_load %arg11[%get3A_1173, %get3A_1174] {strides = array<i32>} : memref<4x96xf32, #tpu.memory_space<vmem>>, vector<16xf32>,
    %mul3A_1176 = arith.constant 5.000000e-01 : f32
    %mul3A_1177 = vector.broadcast %mul3A_1176 : f32 to vector<16xf32>
    %mul3A_1178 = arith.mulf %mul3A_1177, %get3A_1155 : vector<16xf32>
    %sub3A_1179 = arith.subf %get3A_1147, %mul3A_1178 : vector<16xf32>
    %mul3A_1180 = arith.constant 5.000000e-01 : f32
    %mul3A_1181 = vector.broadcast %mul3A_1180 : f32 to vector<16xf32>
    %mul3A_1182 = arith.mulf %mul3A_1181, %get3A_1159 : vector<16xf32>
    %sub3A_1183 = arith.subf %get3A_1151, %mul3A_1182 : vector<16xf32>
    %mul3A_1184 = arith.constant 5.000000e-01 : f32
    %mul3A_1185 = vector.broadcast %mul3A_1184 : f32 to vector<16xf32>
    %mul3A_1186 = arith.mulf %mul3A_1185, %get3A_1155 : vector<16xf32>
    %add3A_1187 = arith.addf %get3A_1147, %mul3A_1186 : vector<16xf32>
    %mul3A_1188 = arith.constant 5.000000e-01 : f32
    %mul3A_1189 = vector.broadcast %mul3A_1188 : f32 to vector<16xf32>
    %mul3A_1190 = arith.mulf %mul3A_1189, %get3A_1159 : vector<16xf32>
    %add3A_1191 = arith.addf %get3A_1151, %mul3A_1190 : vector<16xf32>
    %add3A_1192 = arith.constant 80 : i32
    %add3A_1193 = arith.addi %mul3A_2, %add3A_1192 : i32
    %add3A_1194 = vector.broadcast %add3A_1193 : i32 to vector<16xi32>
    %add3A_1195 = arith.addi %iota3A, %add3A_1194 : vector<16xi32>
    %lt3A_1196 = arith.constant 3000 : i32
    %lt3A_1197 = vector.broadcast %lt3A_1196 : i32 to vector<16xi32>
    %lt3A_1198 = arith.cmpi slt, %add3A_1195, %lt3A_1197 : vector<16xi32>
    %div3A_1199 = arith.divf %get3A_1131, %get3A_1163 : vector<16xf32>
    %sub3A_1200 = arith.subf %div3A_1199, %sub3A_1179 : vector<16xf32>
    %abs3A_1201 = math.absf %sub3A_1200 : vector<16xf32>
    %div3A_1202 = arith.divf %get3A_1135, %get3A_1167 : vector<16xf32>
    %sub3A_1203 = arith.subf %div3A_1202, %sub3A_1183 : vector<16xf32>
    %abs3A_1204 = math.absf %sub3A_1203 : vector<16xf32>
    %add3A_1205 = arith.addf %abs3A_1201, %abs3A_1204 : vector<16xf32>
    %div3A_1206 = arith.divf %get3A_1139, %get3A_1171 : vector<16xf32>
    %sub3A_1207 = arith.subf %div3A_1206, %add3A_1187 : vector<16xf32>
    %abs3A_1208 = math.absf %sub3A_1207 : vector<16xf32>
    %add3A_1209 = arith.addf %add3A_1205, %abs3A_1208 : vector<16xf32>
    %div3A_1210 = arith.divf %get3A_1143, %get3A_1175 : vector<16xf32>
    %sub3A_1211 = arith.subf %div3A_1210, %add3A_1191 : vector<16xf32>
    %abs3A_1212 = math.absf %sub3A_1211 : vector<16xf32>
    %add3A_1213 = arith.addf %add3A_1209, %abs3A_1212 : vector<16xf32>
    %jit3A_1214 = arith.constant 0.000000e+00 : f32
    %broadcast_in_dim3A_1215 = vector.broadcast %jit3A_1214 : f32 to vector<16xf32>
    %select_n3A_1216 = arith.select %lt3A_1198, %add3A_1213, %broadcast_in_dim3A_1215 : vector<16xi1>, vector<16xf32>
    %add3A_1217 = arith.addf %add3A_1084, %select_n3A_1216 : vector<16xf32>
    %mul3A_1218 = arith.mulf %sub3A_1179, %get3A_1163 : vector<16xf32>
    %mul3A_1219 = arith.mulf %sub3A_1183, %get3A_1167 : vector<16xf32>
    %mul3A_1220 = arith.mulf %add3A_1187, %get3A_1171 : vector<16xf32>
    %mul3A_1221 = arith.mulf %add3A_1191, %get3A_1175 : vector<16xf32>
    %sub3A_1222 = arith.subf %get3A_1139, %get3A_1131 : vector<16xf32>
    %sub3A_1223 = arith.subf %get3A_1143, %get3A_1135 : vector<16xf32>
    %mul3A_1224 = arith.mulf %sub3A_1222, %sub3A_1223 : vector<16xf32>
    %sub3A_1225 = arith.subf %mul3A_1220, %mul3A_1218 : vector<16xf32>
    %sub3A_1226 = arith.subf %mul3A_1221, %mul3A_1219 : vector<16xf32>
    %mul3A_1227 = arith.mulf %sub3A_1225, %sub3A_1226 : vector<16xf32>
    %min3A_1228 = arith.minimumf %get3A_1139, %mul3A_1220 : vector<16xf32>
    %max3A_1229 = arith.maximumf %get3A_1131, %mul3A_1218 : vector<16xf32>
    %sub3A_1230 = arith.subf %min3A_1228, %max3A_1229 : vector<16xf32>
    %max3A_1231 = arith.constant 0.000000e+00 : f32
    %max3A_1232 = vector.broadcast %max3A_1231 : f32 to vector<16xf32>
    %max3A_1233 = arith.maximumf %sub3A_1230, %max3A_1232 : vector<16xf32>
    %min3A_1234 = arith.minimumf %get3A_1143, %mul3A_1221 : vector<16xf32>
    %max3A_1235 = arith.maximumf %get3A_1135, %mul3A_1219 : vector<16xf32>
    %sub3A_1236 = arith.subf %min3A_1234, %max3A_1235 : vector<16xf32>
    %max3A_1237 = arith.constant 0.000000e+00 : f32
    %max3A_1238 = vector.broadcast %max3A_1237 : f32 to vector<16xf32>
    %max3A_1239 = arith.maximumf %sub3A_1236, %max3A_1238 : vector<16xf32>
    %mul3A_1240 = arith.mulf %max3A_1233, %max3A_1239 : vector<16xf32>
    %add3A_1241 = arith.addf %mul3A_1224, %mul3A_1227 : vector<16xf32>
    %sub3A_1242 = arith.subf %add3A_1241, %mul3A_1240 : vector<16xf32>
    %max3A_1243 = arith.maximumf %get3A_1139, %mul3A_1220 : vector<16xf32>
    %min3A_1244 = arith.minimumf %get3A_1131, %mul3A_1218 : vector<16xf32>
    %sub3A_1245 = arith.subf %max3A_1243, %min3A_1244 : vector<16xf32>
    %max3A_1246 = arith.maximumf %get3A_1143, %mul3A_1221 : vector<16xf32>
    %min3A_1247 = arith.minimumf %get3A_1135, %mul3A_1219 : vector<16xf32>
    %sub3A_1248 = arith.subf %max3A_1246, %min3A_1247 : vector<16xf32>
    %mul3A_1249 = arith.mulf %sub3A_1245, %sub3A_1248 : vector<16xf32>
    %div3A_1250 = arith.divf %mul3A_1240, %sub3A_1242 : vector<16xf32>
    %sub3A_1251 = arith.subf %mul3A_1249, %sub3A_1242 : vector<16xf32>
    %div3A_1252 = arith.divf %sub3A_1251, %mul3A_1249 : vector<16xf32>
    %sub3A_1253 = arith.subf %div3A_1250, %div3A_1252 : vector<16xf32>
    %sub3A_1254 = arith.constant 1.000000e+00 : f32
    %sub3A_1255 = vector.broadcast %sub3A_1254 : f32 to vector<16xf32>
    %sub3A_1256 = arith.subf %sub3A_1255, %sub3A_1253 : vector<16xf32>
    %jit3A_1257 = arith.constant 0.000000e+00 : f32
    %broadcast_in_dim3A_1258 = vector.broadcast %jit3A_1257 : f32 to vector<16xf32>
    %select_n3A_1259 = arith.select %lt3A_1198, %sub3A_1256, %broadcast_in_dim3A_1258 : vector<16xi1>, vector<16xf32>
    %add3A_1260 = arith.addf %add3A_1127, %select_n3A_1259 : vector<16xf32>
    %swap3A_1261 = arith.constant 0 : index
    %swap3A_1262 = tpu.vector_load %arg12[%swap3A_1261] {strides = array<i32>} : memref<32xf32, #tpu.memory_space<vmem>>, vector<16xf32>,
    tpu.vector_store %arg12[%swap3A_1261], %add3A_1217 {strides = array<i32>} : memref<32xf32, #tpu.memory_space<vmem>>, vector<16xf32>,
    %swap3A_1263 = arith.constant 16 : index
    %swap3A_1264 = tpu.vector_load %arg12[%swap3A_1263] {strides = array<i32>} : memref<32xf32, #tpu.memory_space<vmem>>, vector<16xf32>,
    tpu.vector_store %arg12[%swap3A_1263], %add3A_1260 {strides = array<i32>} : memref<32xf32, #tpu.memory_space<vmem>>, vector<16xf32>,
    %mul3A_1265 = arith.constant 2 : i32
    %mul3A_1266 = arith.muli %add3A, %mul3A_1265 : i32
    %mul3A_1267 = arith.constant 16 : i32
    %mul3A_1268 = arith.muli %mul3A_1266, %mul3A_1267 : i32
    "tpu.region"() ({
      %run_scoped3A = tpu.sem_alloc : memref<!tpu.dma_semaphore, #tpu.memory_space<semaphore_mem>>
      %dma_start3A_1269 = tpu.memref_slice %arg6[%mul3A_1268] : memref<1024xf32, #tpu.memory_space<hbm>> -> memref<32xf32, #tpu.memory_space<hbm>>
      %dma_start3A_1270 = tpu.memref_slice %arg6[%mul3A_1268] : memref<1024xf32, #tpu.memory_space<hbm>> -> memref<32xf32, #tpu.memory_space<hbm>>
      tpu.enqueue_dma source(%arg12 : memref<32xf32, #tpu.memory_space<vmem>>) target(%dma_start3A_1270 : memref<32xf32, #tpu.memory_space<hbm>>) target_semaphore(%run_scoped3A : memref<!tpu.dma_semaphore, #tpu.memory_space<semaphore_mem>>)
      %dma_wait3A_1271 = tpu.memref_slice %arg6[%mul3A_1268] : memref<1024xf32, #tpu.memory_space<hbm>> -> memref<32xf32, #tpu.memory_space<hbm>>
      %dma_wait3A_1272 = tpu.memref_slice %arg6[%mul3A_1268] : memref<1024xf32, #tpu.memory_space<hbm>> -> memref<32xf32, #tpu.memory_space<hbm>>
      tpu.wait_dma2 semaphore(%run_scoped3A : memref<!tpu.dma_semaphore, #tpu.memory_space<semaphore_mem>>) src(%arg12 : memref<32xf32, #tpu.memory_space<vmem>>) dst(%dma_wait3A_1272 : memref<32xf32, #tpu.memory_space<hbm>>)
      tpu.yield
    }) : () -> ()
    return
  }
}

module attributes {stable_mosaic.version = 14 : i64} {
  func.func @_focal_body(%arg0: i32, %arg1: memref<200x80x128xf32, #tpu.memory_space<vmem>>, %arg2: memref<200x128xi32, #tpu.memory_space<vmem>>, %arg3: memref<1x1xf32, #tpu.memory_space<smem>>, %arg4: memref<1x1xf32, #tpu.memory_space<smem>>) attributes {dimension_semantics = [#tpu.dimension_semantics<arbitrary>], iteration_bounds = array<i64: 5>, scalar_prefetch = 0 : i64, scratch_operands = 0 : i64, tpu.core_type = #tpu.core_type<tc>, window_params = [{transform_indices = @transform_0, window_bounds = array<i64: 200, 80, 128>}, {transform_indices = @transform_1, window_bounds = array<i64: 200, 128>}, {transform_indices = @transform_2, window_bounds = array<i64: 1, 1>}, {transform_indices = @transform_3, window_bounds = array<i64: 1, 1>}]} {
    %eq3A = arith.constant 0 : i32
    %eq3A_0 = arith.cmpi eq, %arg0, %eq3A : i32
    %convert_element_type3A = arith.extui %eq3A_0 : i1 to i32
    %cond3A = arith.constant 0 : i32
    %cond3A_1 = arith.cmpi ne, %convert_element_type3A, %cond3A : i32
    scf.if %cond3A_1 {
      %swap3A_37 = arith.constant 0.000000e+00 : f32
      %swap3A_38 = arith.constant 0 : index
      %swap3A_39 = arith.constant 0 : index
      %swap3A_40 = memref.load %arg3[%swap3A_38, %swap3A_39] : memref<1x1xf32, #tpu.memory_space<smem>>
      memref.store %swap3A_37, %arg3[%swap3A_38, %swap3A_39] : memref<1x1xf32, #tpu.memory_space<smem>>
      %swap3A_41 = arith.constant 0.000000e+00 : f32
      %swap3A_42 = arith.constant 0 : index
      %swap3A_43 = arith.constant 0 : index
      %swap3A_44 = memref.load %arg4[%swap3A_42, %swap3A_43] : memref<1x1xf32, #tpu.memory_space<smem>>
      memref.store %swap3A_41, %arg4[%swap3A_42, %swap3A_43] : memref<1x1xf32, #tpu.memory_space<smem>>
    } else {
    }
    %get3A = arith.constant 0 : index
    %get3A_2 = arith.constant 0 : index
    %get3A_3 = arith.constant 0 : index
    %get3A_4 = vector.load %arg1[%get3A, %get3A_2, %get3A_3] : memref<200x80x128xf32, #tpu.memory_space<vmem>>, vector<200x80x128xf32>
    %get3A_5 = arith.constant 0 : index
    %get3A_6 = arith.constant 0 : index
    %get3A_7 = vector.load %arg2[%get3A_5, %get3A_6] : memref<200x128xi32, #tpu.memory_space<vmem>>, vector<200x128xi32>
    %iota3A = tpu.iota {dimensions = array<i32: 1>} : vector<200x80x128xi32>
    %broadcast_in_dim3A = vector.shape_cast %get3A_7 : vector<200x128xi32> to vector<200x1x128xi32>
    %eq3A_8 = vector.broadcast %broadcast_in_dim3A : vector<200x1x128xi32> to vector<200x80x128xi32>
    %eq3A_9 = arith.cmpi eq, %iota3A, %eq3A_8 : vector<200x80x128xi32>
    %neg3A = arith.constant 0.000000e+00 : f32
    %neg3A_10 = vector.broadcast %neg3A : f32 to vector<200x80x128xf32>
    %neg3A_11 = arith.subf %neg3A_10, %get3A_4 : vector<200x80x128xf32>
    %select_n3A = arith.select %eq3A_9, %neg3A_11, %get3A_4 : vector<200x80x128xi1>, vector<200x80x128xf32>
    %get3A_12 = arith.constant 0 : index
    %get3A_13 = arith.constant 0 : index
    %get3A_14 = memref.load %arg3[%get3A_12, %get3A_13] : memref<1x1xf32, #tpu.memory_space<smem>>
    %reduce_sum3A = vector.shape_cast %select_n3A : vector<200x80x128xf32> to vector<1x200x80x128xf32>
    %reduce_sum3A_15 = arith.constant dense<0.000000e+00> : vector<1xf32>
    %reduce_sum3A_16 = vector.multi_reduction <add>, %reduce_sum3A, %reduce_sum3A_15 [1, 2, 3] : vector<1x200x80x128xf32> to vector<1xf32>
    %reduce_sum3A_17 = vector.shape_cast %reduce_sum3A_16 : vector<1xf32> to vector<1x1x1x1xf32>
    %reduce_sum3A_18 = vector.extract %reduce_sum3A_17[0, 0, 0, 0] : f32 from vector<1x1x1x1xf32>
    %add3A = arith.addf %get3A_14, %reduce_sum3A_18 : f32
    %swap3A = arith.constant 0 : index
    %swap3A_19 = arith.constant 0 : index
    %swap3A_20 = memref.load %arg3[%swap3A, %swap3A_19] : memref<1x1xf32, #tpu.memory_space<smem>>
    memref.store %add3A, %arg3[%swap3A, %swap3A_19] : memref<1x1xf32, #tpu.memory_space<smem>>
    %get3A_21 = arith.constant 0 : index
    %get3A_22 = arith.constant 0 : index
    %get3A_23 = memref.load %arg4[%get3A_21, %get3A_22] : memref<1x1xf32, #tpu.memory_space<smem>>
    %ne3A = arith.constant 80 : i32
    %ne3A_24 = vector.broadcast %ne3A : i32 to vector<200x128xi32>
    %ne3A_25 = arith.cmpi ne, %get3A_7, %ne3A_24 : vector<200x128xi32>
    %convert_element_type3A_26 = arith.extui %ne3A_25 : vector<200x128xi1> to vector<200x128xi32>
    %convert_element_type3A_27 = arith.sitofp %convert_element_type3A_26 : vector<200x128xi32> to vector<200x128xf32>
    %reduce_sum3A_28 = vector.shape_cast %convert_element_type3A_27 : vector<200x128xf32> to vector<1x200x128xf32>
    %reduce_sum3A_29 = arith.constant dense<0.000000e+00> : vector<1xf32>
    %reduce_sum3A_30 = vector.multi_reduction <add>, %reduce_sum3A_28, %reduce_sum3A_29 [1, 2] : vector<1x200x128xf32> to vector<1xf32>
    %reduce_sum3A_31 = vector.shape_cast %reduce_sum3A_30 : vector<1xf32> to vector<1x1x1xf32>
    %reduce_sum3A_32 = vector.extract %reduce_sum3A_31[0, 0, 0] : f32 from vector<1x1x1xf32>
    %add3A_33 = arith.addf %get3A_23, %reduce_sum3A_32 : f32
    %swap3A_34 = arith.constant 0 : index
    %swap3A_35 = arith.constant 0 : index
    %swap3A_36 = memref.load %arg4[%swap3A_34, %swap3A_35] : memref<1x1xf32, #tpu.memory_space<smem>>
    memref.store %add3A_33, %arg4[%swap3A_34, %swap3A_35] : memref<1x1xf32, #tpu.memory_space<smem>>
    return
  }
  func.func @transform_0(%arg0: i32) -> (i32, i32, i32) {
    %c0_i32 = arith.constant 0 : i32
    %c0_i32_0 = arith.constant 0 : i32
    %c0_i32_1 = arith.constant 0 : i32
    return %arg0, %c0_i32, %c0_i32_0 : i32, i32, i32
  }
  func.func @transform_1(%arg0: i32) -> (i32, i32) {
    %c0_i32 = arith.constant 0 : i32
    %c0_i32_0 = arith.constant 0 : i32
    return %arg0, %c0_i32 : i32, i32
  }
  func.func @transform_2(%arg0: i32) -> (i32, i32) {
    %c0_i32 = arith.constant 0 : i32
    %c0_i32_0 = arith.constant 0 : i32
    %c0_i32_1 = arith.constant 0 : i32
    return %c0_i32, %c0_i32_0 : i32, i32
  }
  func.func @transform_3(%arg0: i32) -> (i32, i32) {
    %c0_i32 = arith.constant 0 : i32
    %c0_i32_0 = arith.constant 0 : i32
    %c0_i32_1 = arith.constant 0 : i32
    return %c0_i32, %c0_i32_0 : i32, i32
  }
}

</mosaic_0001>

<sc_bundles>
// kernel: kernel.4.cloned.1.call-start
scs
__scs_entry_jumppad:
0x0: {  	(pc) =	sbr.rel $0x88, $3  }
0x1: {  	(tag) =	ssettag $0x0;
	lr =	simm.s32 $0x1  }
0x2: {  	[smem:$0x3F9B] =	sst lr;
	_ =	strace $0xD0000000  }
0x3: {  	_ = 	snop  }
0x4: {  	_ = 	snop  }
0x5: {  	_ = 	snop  }
0x6: {  	_ = 	snop  }
0x7: {  	_ = 	snop  }
__scs_overlays_trampoline_lowered:
0x8: {  	[smem:$0x3FAA] =	sst s0  }
0x9: {  	[smem:$0x3FAB] =	sst s1  }
0xa: {  	[smem:$0x3FAC] =	sst s2  }
0xb: {  	[smem:$0x3FAD] =	sst s3  }
0xc: {  	[smem:$0x3FAE] =	sst s4  }
0xd: {  	[smem:$0x3FAF] =	sst s5  }
0xe: {  	[smem:$0x3FB0] =	sst s6  }
0xf: {  	[smem:$0x3FB1] =	sst s7  }
0x10: {  	[smem:$0x3FB2] =	sst s8  }
0x11: {  	[smem:$0x3FB3] =	sst s9;
	s0 =	simm.s32 @!p0 $0x0  }
0x12: {  	s1 =	sld [smem:$0x3F99];
	s0 =	simm.s32 @p0 $0x1  }
0x13: {  	[smem:$0x3FB4] =	sst s0;
	s0 =	simm.s32 @!p1 $0x0  }
0x14: {  	s2 =	sld [smem:$0x3F98];
	s0 =	simm.s32 @p1 $0x1  }
0x15: {  	[smem:$0x3FB5] =	sst s0;
	s0 =	simm.s32 @!p2 $0x0  }
0x16: {  	s3 =	sld [smem:$0x3FDB];
	s0 =	simm.s32 @p2 $0x1  }
0x17: {  	s4 =	simm.s32 $0x1BF5;
	[smem:$0x3FB7] =	sst s0  }
0x18: {  	s0 =	sld [smem:$0x3F9A];
	_ =	swait.ge [sflag:s4], $0x0  }
0x19: {  	s7 =	sld [smem:$0x3F9B]  }
0x1a: {  	s8 =	sadd.s32 $0xFFFFE003, lr  }
0x1b: {  	s9 =	sadd.s32 $0xFFFFFEF7, lr;
	s5 =	simm.s32 $0xFFFFFFFF;
	p2 =	slt.u32 s8, $0xFFFFF086  }
0x1c: {  	p1 =	slt.u32 s9, $0xF7A;
	s5 =	simm.s32 @!p2 $0x0  }
0x1d: {  	s5 =	simm.s32 @p1 $0x1;
	p0 =	seq.s32 s7, s2  }
0x1e: {  	s7 =	smul.u32 @!p0 $0xF7A, s2;
	p2 =	seq.s32 @!p0 s5, $0x0  }
0x1f: {  	s9 =	smul.u32 $0xF7A, s1;
	s8 =	simm.s32 @!p0 $0x1BF5;
	p2 =	por !p2, p0  }
0x20: {  	[sflag:s8] =	ssyncset.s32 @!p0 $0xFFFFF086;
	s6 =	sadd.s32 @!p0 s3, s7;
	s7 =	simm.s32 @!p0 $0x108  }
0x21: {  	s3 =	sadd.s32 s3, s9;
	s6 =	sadd.s32 @!p0 $0x88, s6;
	s7 =	simm.s32 @p2 $0x1082  }
0x22: {  	[simem:s7], [sflag:s8] =	dma.local @!p0 [hbm:s6], $0xF7A  }
0x23: {  	s9 =	sor.u32 $0xD0000000, s2;
	s6 =	simm.s32 $0x108;
	_ =	swait.ge @!p0 [sflag:s8], $0x0  }
0x24: {  	s3 =	sadd.s32 $0x88, s3;
	s6 =	simm.s32 @!p1 $0x1082;
	[sflag:s4] =	ssyncset.s32 $0xFFFFF086  }
0x25: {  	[simem:s6], [sflag:s4] =	dma.local [hbm:s3], $0xF7A  }
0x26: {  	[smem:$0x3F9B] =	sst s1;
	(tag) =	ssettag s2;
	_ =	strace s9  }
0x27: {  	s1 =	sld [smem:$0x3FAB]  }
0x28: {  	s2 =	sld [smem:$0x3FAC]  }
0x29: {  	s4 =	sld [smem:$0x3FAE]  }
0x2a: {  	p0 =	seq.s32 s5, $0x0;
	s5 =	sld [smem:$0x3FAF]  }
0x2b: {  	s6 =	sld [smem:$0x3FB0]  }
0x2c: {  	s7 =	sld [smem:$0x3FB1]  }
0x2d: {  	s3 =	simm.s32 $0x108;
	s8 =	sld [smem:$0x3FB2]  }
0x2e: {  	s3 =	simm.s32 @!p0 $0x1082;
	s9 =	sld [smem:$0x3FB3]  }
0x2f: {  	lr =	sadd.s32 s0, s3;
	s0 =	sld [smem:$0x3FAA]  }
0x30: {  	s3 =	sld [smem:$0x3FAD]  }
0x31: {  	[smem:$0x3FB6] =	sst s10  }
0x32: {  	s10 =	sld [smem:$0x3FB4];
	_ =	sdelay $0x3  }
0x33: {  	p0 =	seq.s32 s10, $0x1;
	s10 =	sld [smem:$0x3FB6];
	_ =	sdelay $0x3  }
0x34: {  	[smem:$0x3FB6] =	sst s10  }
0x35: {  	s10 =	sld [smem:$0x3FB5];
	_ =	sdelay $0x3  }
0x36: {  	p1 =	seq.s32 s10, $0x1;
	s10 =	sld [smem:$0x3FB6];
	_ =	sdelay $0x3  }
0x37: {  	[smem:$0x3FB6] =	sst s10  }
0x38: {  	s10 =	sld [smem:$0x3FB7]  }
0x39: {  	_ = 	snop;
	(pc) =	sbr.ind lr, $3  }
0x3a: {  	_ = 	snop  }
0x3b: {  	_ = 	snop  }
0x3c: {  	p2 =	seq.s32 s10, $0x1;
	s10 =	sld [smem:$0x3FB6]  }
0x3d: {  	_ =	shalt  }
0x3e: {  	_ =	shalt  }
0x3f: {  	_ =	shalt  }
0x40: {  	_ =	shalt  }
0x41: {  	_ =	shalt  }
0x42: {  	_ =	shalt  }
0x43: {  	_ =	shalt  }
0x44: {  	_ =	shalt  }
0x45: {  	_ =	shalt  }
0x46: {  	_ =	shalt  }
0x47: {  	_ =	shalt  }
0x48: {  	_ =	shalt  }
0x49: {  	_ =	shalt  }
0x4a: {  	_ =	shalt  }
0x4b: {  	_ =	shalt  }
0x4c: {  	_ =	shalt  }
0x4d: {  	_ =	shalt  }
0x4e: {  	_ =	shalt  }
0x4f: {  	_ =	shalt  }
0x50: {  	_ =	shalt  }
0x51: {  	_ =	shalt  }
0x52: {  	_ =	shalt  }
0x53: {  	_ =	shalt  }
0x54: {  	_ =	shalt  }
0x55: {  	_ =	shalt  }
0x56: {  	_ =	shalt  }
0x57: {  	_ =	shalt  }
0x58: {  	_ =	shalt  }
0x59: {  	_ =	shalt  }
0x5a: {  	_ =	shalt  }
0x5b: {  	_ =	shalt  }
0x5c: {  	_ =	shalt  }
0x5d: {  	_ =	shalt  }
0x5e: {  	_ =	shalt  }
0x5f: {  	_ =	shalt  }
0x60: {  	_ =	shalt  }
0x61: {  	_ =	shalt  }
0x62: {  	_ =	shalt  }
0x63: {  	_ =	shalt  }
0x64: {  	_ =	shalt  }
0x65: {  	_ =	shalt  }
0x66: {  	_ =	shalt  }
0x67: {  	_ =	shalt  }
0x68: {  	_ =	shalt  }
0x69: {  	_ =	shalt  }
0x6a: {  	_ =	shalt  }
0x6b: {  	_ =	shalt  }
0x6c: {  	_ =	shalt  }
0x6d: {  	_ =	shalt  }
0x6e: {  	_ =	shalt  }
0x6f: {  	_ =	shalt  }
0x70: {  	_ =	shalt  }
0x71: {  	_ =	shalt  }
0x72: {  	_ =	shalt  }
0x73: {  	_ =	shalt  }
0x74: {  	_ =	shalt  }
0x75: {  	_ =	shalt  }
0x76: {  	_ =	shalt  }
0x77: {  	_ =	shalt  }
0x78: {  	_ =	shalt  }
0x79: {  	_ =	shalt  }
0x7a: {  	_ =	shalt  }
0x7b: {  	_ =	shalt  }
0x7c: {  	_ =	shalt  }
0x7d: {  	_ =	shalt  }
0x7e: {  	_ =	shalt  }
0x7f: {  	_ =	shalt  }
0x80: {  	_ =	shalt  }
0x81: {  	_ =	shalt  }
0x82: {  	_ =	shalt  }
0x83: {  	_ =	shalt  }
0x84: {  	_ =	shalt  }
0x85: {  	_ =	shalt  }
0x86: {  	_ =	shalt  }
0x87: {  	_ =	shalt  }
.Lfunc_end0:
.L_simem_size_0:
called_computation_lowered:
.L_overlay_start_0:
0x88: {  	s2 =	sld [smem:$0x3FD9]  }
0x89: {  	s3 =	sld [smem:$0x3FFE];
	_ =	sdelay $0x1  }
0x8a: {  	s1 =	srdreg.scid  }
0x8b: {  	s0 =	sand.u32 $0x1, s1  }
0x8c: {  	s17 =	sshll.u32 s0, $0xA;
	s2 =	sadd.s32 s3, s2  }
0x8d: {  	s2 =	sadd.s32 s2, s17  }
0x8e: {  	[smem:$0x3FC2] =	sst s2  }
0x8f: {  	_ = 	snop  }
0x90: {  	s2 =	sld [smem:$0x3FC8]  }
0x91: {  	s18 =	sld [smem:$0x3FC4];
	(tm) =	ssettm $0x1  }
0x92: {  	s4 =	sld [smem:$0x3FFB];
	_ =	sdelay $0x3  }
0x93: {  	_ =	strace s4  }
0x94: {  	s4 =	sld [smem:$0x3FFC];
	_ =	sdelay $0x3  }
0x95: {  	_ =	strace s4  }
0x96: {  	s4 =	sld [smem:$0x3FFD];
	_ =	sdelay $0x3  }
0x97: {  	_ =	strace s4  }
0x98: {  	_ =	strace $0x8FFFFFFF  }
0x99: {  	s19 =	sld [smem:$0x3FDB];
	_ =	sdelay $0x1  }
0x9a: {  	s5 =	simm.s32 $_scs_section_size  }
0x9b: {  	s6 =	simm.s32 $_size__tile_overlayer_lowered;
	s7 =	simm.s32 $_tile_overlayer_lowered  }
0x9c: {  	s22 =	simm.s32 $0x1BFF;
	s21 =	sshll.u32 s7, $0x1;
	s4 =	sadd.s32 s5, s19  }
0x9d: {  	s8 =	simm.s32 $0x0;
	s20 =	sshll.u32 s6, $0x1;
	s6 =	sadd.s32 s21, s4  }
0x9e: {  	[timem:s8], [sflag:s22] =	dma.local [hbm:s6], s20  }
0x9f: {  	_ =	swait.ge [sflag:s22], s20  }
0xa0: {  	s5 =	ssub.s32 $0x0, s20;
	[sflag:s22] =	ssyncset.done $0x0  }
0xa1: {  	[sflag:s22] =	ssyncadd.s32 s5;
	_ =	sdelay $0x1  }
0xa2: {  	s23 =	simm.s32 $0x1B8B  }
0xa3: {  	_ =	swait.ge [sflag:s23], $0x1  }
0xa4: {  	[sflag:s23] =	ssyncset.done $0x0  }
0xa5: {  	s25 =	simm.s32 $0x1B8E;
	s24 =	sld [smem:$0x3FFE];
	[sflag:s23] =	ssyncadd.s32 $0xFFFFFFFF  }
0xa6: {  	s26 =	simm.s32 $execute0_lowered;
	[smem:$0x3FD2] =	sst s25  }
0xa7: {  	s6 =	sshll.u32 s26, $0x1;
	_ =	strace $0x80000046;
	[dreg:$0x1] =	wrdreg $0xFFFFFFFF  }
0xa8: {  	s28 =	simm.s32 $_size_execute0_lowered;
	s4 =	sadd.s32 s4, s6;
	[dreg:$0x0] =	wrdreg $0x0  }
0xa9: {  	s6 =	sshll.u32 s28, $0x1;
	[dreg:$0x2] =	wrdreg s4  }
0xaa: {  	[dreg:$0x3] =	wrdreg s6  }
0xab: {  	[dreg:$0x4] =	wrdreg $0xC0  }
0xac: {  	_ =	task [dreg:s8], $0x5FFFF  }
0xad: {  	[dreg:$0x1] =	wrdreg $0xFFFFFFFF  }
0xae: {  	[dreg:$0x0] =	wrdreg $0x60  }
0xaf: {  	[dreg:$0x2] =	wrdreg s2  }
0xb0: {  	[dreg:$0x3] =	wrdreg s18  }
0xb1: {  	[dreg:$0x4] =	wrdreg s24  }
0xb2: {  	[dreg:$0x5] =	wrdreg $0x9  }
0xb3: {  	_ =	task.clear_ibuf [dreg:s8], $0x6FFFF;
	_ =	strace $0x90000046  }
0xb4: {  	s29 =	simm.s32 $0x9;
	_ =	strace $0x80000048  }
0xb5: {  	_ =	swait.ge [sflag:s29], $0x1  }
0xb6: {  	[sflag:s29] =	ssyncadd.s32 $0xFFFFFFFF  }
0xb7: {  	_ =	strace $0x90000048  }
0xb8: {  	_ =	sfence  }
0xb9: {  	s30 =	sld [smem:$0x0];
	_ =	sdelay $0x2  }
0xba: {  	s31 =	sshll.u32 s1, $0xD;
	s1 =	sshrl.u32 s1, $0x2  }
0xbb: {  	s3 =	sand.u32 $0x4000, s31;
	s1 =	sadd.s32 s1, s30  }
0xbc: {  	s0 =	sor.u32 s3, s0;
	s1 =	sshll.u32 s1, $0x11  }
0xbd: {  	s0 =	sor.u32 s1, s0  }
0xbe: {  	s0 =	sadd.s32 $0x8F2B, s0  }
0xbf: {  	[sflag:s0] =	ssyncadd.remote.s32 $0x1  }
0xc0: {  	_ =	sfence.sel $0xFFFF  }
0xc1: {  	[dreg:$0x0] =	wrdreg $0xFFFFFFFF;
	(pc) =	sbr.abs _section_cstart, $3  }
0xc2: {  	[dreg:$0x1] =	wrdreg $0xFFFFFFFF  }
0xc3: {  	_ =	task.clear_ibuf [dreg:s8], $0x2FFFF;
	_ =	strace $0x9FFFFFFF  }
0xc4: {  	(tm) =	ssettm $0x7FFFFFFF  }
0xc5: {  	_ =	shalt  }
tec
execute0_lowered:
.L_overlay_start_1:
0x0: {  	(tag) =	ssettag $0x1  }
0x1: {  	s1 =	rddreg [dreg:$0x0]  }
0x2: {  	s6 =	rddreg [dreg:$0x1]  }
0x3: {  	s2 =	srdreg.scid;
	s7 =	rddreg [dreg:$0x2]  }
0x4: {  	s3 =	simm.s32 $0x0;
	s4 =	sand.u32 $0x1, s2;
	s2 =	rddreg [dreg:$0x3]  }
0x5: {  	[smem:$0x7FF] =	sst s3;
	s16 =	sadd.s32 $0x174, s7  }
0x6: {  	s17 =	sadd.s32 $0x774, s7;
	_ =	strace $0x80000047;
	[dreg:$0xe] =	wrdreg s16  }
0x7: {  	s0 =	stileid.u32;
	s18 =	sadd.s32 $0x2EB, s7;
	[dreg:$0xf] =	wrdreg s17  }
0x8: {  	s24 =	sshll.u32 s0, $0x1;
	s20 =	sadd.s32 $0x8EB, s7;
	[dreg:$0x10] =	wrdreg s18  }
0x9: {  	s10 =	sadd.s32 $0x600, s7;
	s21 =	sadd.s32 $0x462, s7;
	[dreg:$0x11] =	wrdreg s20  }
0xa: {  	s22 =	sadd.s32 $0xA62, s7;
	s5 =	sor.u32 s4, s24;
	[dreg:$0x12] =	wrdreg s21  }
0xb: {  	s4 =	ssub.s32 $0x2, s4;
	[dreg:$0x13] =	wrdreg s22;
	s24 =	sadd.s32 $0x5D9, s7  }
0xc: {  	s8 =	smul.u32 $0x60, s5;
	s19 =	sshll.u32 s5, $0x2;
	s23 =	sshrl.u32 s4, $0x1  }
0xd: {  	[dreg:$0x14] =	wrdreg s24;
	p0 =	seq.s32 s5, $0x1F;
	s5 =	simm.s32 $0x60  }
0xe: {  	s4 =	ssub.s32 s4, s23;
	s9 =	sshrl.u32 s8, $0x3;
	s12 =	sadd.s32 $0xBB8, s8  }
0xf: {  	s31 =	sadd.s32 $0x2328, s8;
	s4 =	smax.u32 s4, $0x1;
	s11 =	sadd.s32 s6, s9  }
0x10: {  	s25 =	sadd.s32 s7, s9;
	s26 =	sadd.s32 s10, s9;
	[dreg:$0x4] =	wrdreg s11  }
0x11: {  	s12 =	sshrl.u32 s12, $0x3;
	s9 =	sadd.s32 $0x2EE, s9;
	[dreg:$0x5] =	wrdreg s25  }
0x12: {  	s13 =	sshrl.u32 s31, $0x3;
	s6 =	sadd.s32 $0x174, s6;
	[dreg:$0x6] =	wrdreg s26  }
0x13: {  	s31 =	sadd.s32 $0x50, s8;
	s28 =	sadd.s32 s7, s12;
	[dreg:$0xd] =	wrdreg s6  }
0x14: {  	s29 =	sadd.s32 s10, s12;
	s30 =	sadd.s32 s7, s9;
	[dreg:$0x7] =	wrdreg s28  }
0x15: {  	s9 =	sadd.s32 s10, s9;
	s14 =	sadd.s32 s7, s13;
	[dreg:$0x8] =	wrdreg s29  }
0x16: {  	v0 =	vlaneseq.u32;
	s15 =	sadd.s32 s10, s13;
	s25 =	sadd.s32 $0xBD9, s7;
	[dreg:$0x9] =	wrdreg s30  }
0x17: {  	v0 =	vmul.u32 $0xFFFFFFFF, v0;
	s26 =	sor.u32 $0x10, s8;
	s6 =	simm.s32 $0x1E0;
	[dreg:$0xa] =	wrdreg s9  }
0x18: {  	s10 =	simm.s32 $0x2A0;
	s11 =	simm.s32 $0x180;
	[dreg:$0xb] =	wrdreg s14  }
0x19: {  	v0 =	vadd.s32 $0xBB8, v0;
	v1 =	vmov s8;
	s12 =	simm.s32 $0x300;
	s13 =	simm.s32 $0x1;
	[dreg:$0xc] =	wrdreg s15  }
0x1a: {  	vm5 =	vlt.u32 v1, v0;
	v4 =	vmov s31;
	s9 =	sadd.s32 s19, s7;
	s28 =	sadd.s32 $0x20, s8;
	s30 =	sadd.s32 $0x40, s8;
	v2 =	vmov s26  }
0x1b: {  	[dreg:$0x15] =	wrdreg s25;
	s29 =	sadd.s32 $0x30, s8;
	vm0 =	vlt.u32 v4, v0;
	s7 =	simm.s32 $0xC0;
	v3 =	vmov s28;
	v6 =	vmov s30  }
0x1c: {  	s8 =	simm.s32 $0x240;
	s14 =	simm.s32 $0x660;
	s9 =	sadd.s32 $0xC00, s9;
	v5 =	vmov s29;
	vm4 =	vlt.u32 v2, v0;
	vm1 =	vlt.u32 v6, v0  }
0x1d: {  	s15 =	simm.s32 $0x2;
	[dreg:$0x16] =	wrdreg s9;
	s9 =	simm.s32 $0x120;
	vm2 =	vlt.u32 v5, v0;
	vm3 =	vlt.u32 v3, v0;
	v0 =	vimm.s32 $0x0  }
.LBB2_1:
0x1e: {  	s16 =	rddreg [dreg:$0xd];
	s17 =	simm.s32 @p0 $0x0  }
0x1f: {  	[tilespmem:s17], [sflag:$0x2] =	stream.linear.gather @p0 [hbm4b:s16+s17], $0x18, $0x38;
	[tilespmem:$0x680] =	vst v63  }
0x20: {  	s16 =	simm.s32 @p0 $0x2  }
0x21: {  	_ =	swait.ge @p0 [sflag:s16], $0x18  }
0x22: {  	[sflag:s16] =	ssyncset.done @p0 $0x0  }
0x23: {  	s19 =	simm.s32 @p0 $0x360;
	s18 =	rddreg [dreg:$0xe];
	[sflag:s16] =	ssyncadd.s32 @p0 $0xFFFFFFE8  }
0x24: {  	[tilespmem:s19], [sflag:$0x2] =	stream.linear.gather @p0 [hbm4b:s18+s17], $0x18, $0x38;
	[tilespmem:$0x680] =	vst v63  }
0x25: {  	_ =	swait.ge @p0 [sflag:s16], $0x18  }
0x26: {  	[sflag:s16] =	ssyncset.done @p0 $0x0  }
0x27: {  	s19 =	simm.s32 @p0 $0x4E0;
	s18 =	rddreg [dreg:$0xf];
	[sflag:s16] =	ssyncadd.s32 @p0 $0xFFFFFFE8  }
0x28: {  	[tilespmem:s19], [sflag:$0x2] =	stream.linear.gather @p0 [hbm4b:s18+s17], $0x18, $0x38;
	[tilespmem:$0x680] =	vst v63  }
0x29: {  	_ =	swait.ge @p0 [sflag:s16], $0x18  }
0x2a: {  	[sflag:s16] =	ssyncset.done @p0 $0x0  }
0x2b: {  	s19 =	simm.s32 @p0 $0x3C0;
	s18 =	rddreg [dreg:$0x10];
	[sflag:s16] =	ssyncadd.s32 @p0 $0xFFFFFFE8  }
0x2c: {  	[tilespmem:s19], [sflag:$0x2] =	stream.linear.gather @p0 [hbm4b:s18+s17], $0x18, $0x38;
	[tilespmem:$0x680] =	vst v63  }
0x2d: {  	_ =	swait.ge @p0 [sflag:s16], $0x18  }
0x2e: {  	[sflag:s16] =	ssyncset.done @p0 $0x0  }
0x2f: {  	s19 =	simm.s32 @p0 $0x540;
	s18 =	rddreg [dreg:$0x11];
	[sflag:s16] =	ssyncadd.s32 @p0 $0xFFFFFFE8  }
0x30: {  	[tilespmem:s19], [sflag:$0x2] =	stream.linear.gather @p0 [hbm4b:s18+s17], $0x18, $0x38;
	[tilespmem:$0x680] =	vst v63  }
0x31: {  	_ =	swait.ge @p0 [sflag:s16], $0x18  }
0x32: {  	[sflag:s16] =	ssyncset.done @p0 $0x0  }
0x33: {  	s19 =	simm.s32 @p0 $0x420;
	s18 =	rddreg [dreg:$0x12];
	[sflag:s16] =	ssyncadd.s32 @p0 $0xFFFFFFE8  }
0x34: {  	[tilespmem:s19], [sflag:$0x2] =	stream.linear.gather @p0 [hbm4b:s18+s17], $0x18, $0x38;
	[tilespmem:$0x680] =	vst v63  }
0x35: {  	_ =	swait.ge @p0 [sflag:s16], $0x18  }
0x36: {  	[sflag:s16] =	ssyncset.done @p0 $0x0  }
0x37: {  	s19 =	simm.s32 @p0 $0x5A0;
	s18 =	rddreg [dreg:$0x13];
	[sflag:s16] =	ssyncadd.s32 @p0 $0xFFFFFFE8  }
0x38: {  	[tilespmem:s19], [sflag:$0x2] =	stream.linear.gather @p0 [hbm4b:s18+s17], $0x18, $0x38;
	[tilespmem:$0x680] =	vst v63  }
0x39: {  	_ =	swait.ge @p0 [sflag:s16], $0x18  }
0x3a: {  	[sflag:s16] =	ssyncset.done @p0 $0x0  }
0x3b: {  	s19 =	simm.s32 @p0 $0x480;
	s18 =	rddreg [dreg:$0x14];
	[sflag:s16] =	ssyncadd.s32 @p0 $0xFFFFFFE8  }
0x3c: {  	[tilespmem:s19], [sflag:$0x2] =	stream.linear.gather @p0 [hbm4b:s18+s17], $0x18, $0x38;
	[tilespmem:$0x680] =	vst v63  }
0x3d: {  	_ =	swait.ge @p0 [sflag:s16], $0x18  }
0x3e: {  	[sflag:s16] =	ssyncset.done @p0 $0x0  }
0x3f: {  	s19 =	simm.s32 @p0 $0x600;
	s18 =	rddreg [dreg:$0x15];
	[sflag:s16] =	ssyncadd.s32 @p0 $0xFFFFFFE8  }
0x40: {  	[tilespmem:s19], [sflag:$0x2] =	stream.linear.gather @p0 [hbm4b:s18+s17], $0x18, $0x38;
	[tilespmem:$0x680] =	vst v63  }
0x41: {  	_ =	swait.ge @p0 [sflag:s16], $0x18  }
0x42: {  	[sflag:s16] =	ssyncset.done @p0 $0x0  }
0x43: {  	s17 =	rddreg [dreg:$0x4];
	[sflag:s16] =	ssyncadd.s32 @p0 $0xFFFFFFE8;
	s16 =	simm.s32 @!p0 $0x0  }
0x44: {  	[tilespmem:s16], [sflag:$0x2] =	stream.linear.gather @!p0 [hbm4b:s17+s16], $0x60, $0x38;
	[tilespmem:$0x680] =	vst v63  }
0x45: {  	s17 =	simm.s32 @!p0 $0x2  }
0x46: {  	_ =	swait.ge @!p0 [sflag:s17], $0x60  }
0x47: {  	[sflag:s17] =	ssyncset.done @!p0 $0x0  }
0x48: {  	s19 =	simm.s32 @!p0 $0x360;
	s18 =	rddreg [dreg:$0x5];
	[sflag:s17] =	ssyncadd.s32 @!p0 $0xFFFFFFA0  }
0x49: {  	[tilespmem:s19], [sflag:$0x2] =	stream.linear.gather @!p0 [hbm4b:s18+s16], $0x60, $0x38;
	[tilespmem:$0x680] =	vst v63  }
0x4a: {  	_ =	swait.ge @!p0 [sflag:s17], $0x60  }
0x4b: {  	[sflag:s17] =	ssyncset.done @!p0 $0x0  }
0x4c: {  	s19 =	simm.s32 @!p0 $0x4E0;
	s18 =	rddreg [dreg:$0x6];
	[sflag:s17] =	ssyncadd.s32 @!p0 $0xFFFFFFA0  }
0x4d: {  	[tilespmem:s19], [sflag:$0x2] =	stream.linear.gather @!p0 [hbm4b:s18+s16], $0x60, $0x38;
	[tilespmem:$0x680] =	vst v63  }
0x4e: {  	_ =	swait.ge @!p0 [sflag:s17], $0x60  }
0x4f: {  	[sflag:s17] =	ssyncset.done @!p0 $0x0  }
0x50: {  	s19 =	simm.s32 @!p0 $0x3C0;
	s18 =	rddreg [dreg:$0x7];
	[sflag:s17] =	ssyncadd.s32 @!p0 $0xFFFFFFA0  }
0x51: {  	[tilespmem:s19], [sflag:$0x2] =	stream.linear.gather @!p0 [hbm4b:s18+s16], $0x60, $0x38;
	[tilespmem:$0x680] =	vst v63  }
0x52: {  	_ =	swait.ge @!p0 [sflag:s17], $0x60  }
0x53: {  	[sflag:s17] =	ssyncset.done @!p0 $0x0  }
0x54: {  	s19 =	simm.s32 @!p0 $0x540;
	s18 =	rddreg [dreg:$0x8];
	[sflag:s17] =	ssyncadd.s32 @!p0 $0xFFFFFFA0  }
0x55: {  	[tilespmem:s19], [sflag:$0x2] =	stream.linear.gather @!p0 [hbm4b:s18+s16], $0x60, $0x38;
	[tilespmem:$0x680] =	vst v63  }
0x56: {  	_ =	swait.ge @!p0 [sflag:s17], $0x60  }
0x57: {  	[sflag:s17] =	ssyncset.done @!p0 $0x0  }
0x58: {  	s19 =	simm.s32 @!p0 $0x420;
	s18 =	rddreg [dreg:$0x9];
	[sflag:s17] =	ssyncadd.s32 @!p0 $0xFFFFFFA0  }
0x59: {  	[tilespmem:s19], [sflag:$0x2] =	stream.linear.gather @!p0 [hbm4b:s18+s16], $0x60, $0x38;
	[tilespmem:$0x680] =	vst v63  }
0x5a: {  	_ =	swait.ge @!p0 [sflag:s17], $0x60  }
0x5b: {  	[sflag:s17] =	ssyncset.done @!p0 $0x0  }
0x5c: {  	s19 =	simm.s32 @!p0 $0x5A0;
	s18 =	rddreg [dreg:$0xa];
	[sflag:s17] =	ssyncadd.s32 @!p0 $0xFFFFFFA0  }
0x5d: {  	[tilespmem:s19], [sflag:$0x2] =	stream.linear.gather @!p0 [hbm4b:s18+s16], $0x60, $0x38;
	[tilespmem:$0x680] =	vst v63  }
0x5e: {  	_ =	swait.ge @!p0 [sflag:s17], $0x60  }
0x5f: {  	[sflag:s17] =	ssyncset.done @!p0 $0x0  }
0x60: {  	s19 =	simm.s32 @!p0 $0x480;
	s18 =	rddreg [dreg:$0xb];
	[sflag:s17] =	ssyncadd.s32 @!p0 $0xFFFFFFA0  }
0x61: {  	[tilespmem:s19], [sflag:$0x2] =	stream.linear.gather @!p0 [hbm4b:s18+s16], $0x60, $0x38;
	[tilespmem:$0x680] =	vst v63  }
0x62: {  	_ =	swait.ge @!p0 [sflag:s17], $0x60  }
0x63: {  	[sflag:s17] =	ssyncset.done @!p0 $0x0  }
0x64: {  	s19 =	simm.s32 @!p0 $0x600;
	s18 =	rddreg [dreg:$0xc];
	[sflag:s17] =	ssyncadd.s32 @!p0 $0xFFFFFFA0  }
0x65: {  	[tilespmem:s19], [sflag:$0x2] =	stream.linear.gather @!p0 [hbm4b:s18+s16], $0x60, $0x38;
	[tilespmem:$0x680] =	vst v63  }
0x66: {  	_ =	swait.ge @!p0 [sflag:s17], $0x60  }
0x67: {  	[sflag:s17] =	ssyncset.done @!p0 $0x0  }
0x68: {  	[sflag:s17] =	ssyncadd.s32 @!p0 $0xFFFFFFA0  }
0x69: {  	v1 =	vld [tilespmem:$0x0];
	_ =	sdelay $0x2  }
0x6a: {  	v2 =	vld [tilespmem:$0x10];
	_ =	sdelay $0x1  }
0x6b: {  	vm6 =	vgt.s32 v1, $0x0  }
0x6c: {  	v3 =	vnsel vm6, $0x0, v1  }
0x6d: {  	v3 =	vmin.u32 v3, $0x1F3FF  }
0x6e: {  	vm6 =	vgt.s32 v2, $0x0;
	v4 =	vmulhi.u32 $0x418938, v3  }
0x6f: {  	v5 =	vld [tilespmem:$0x20];
	v8 =	vnsel vm6, $0x0, v2  }
0x70: {  	vm6 =	vlt.s32 v1, $0x1;
	v1 =	vmin.u32 v8, $0x1F3FF;
	v6 =	vmul.u32 $0xFFFFFC18, v4  }
0x71: {  	v7 =	vsub.s32 $0x0, v3;
	v22 =	vmulhi.u32 $0x418938, v1  }
0x72: {  	vm7 =	vne.s32 v6, v7  }
0x73: {  	v24 =	vmul.u32 $0xFFFFFC18, v22;
	vm6 =	vmand vm6, vm7  }
0x74: {  	v10 =	vsub.s32 $0x0, v1;
	v23 =	vsel vm6, $0xFFFFFFFF, v0;
	vm6 =	vgt.s32 v5, $0x0  }
0x75: {  	vm7 =	vne.s32 v24, v10;
	v25 =	vnsel vm6, $0x0, v5  }
0x76: {  	v4 =	vadd.s32 v23, v4;
	vm6 =	vlt.s32 v2, $0x1;
	v8 =	vmin.u32 v25, $0x1F3FF  }
0x77: {  	v9 =	vmul.u32 $0x7FFC18, v4;
	vm6 =	vmand vm6, vm7;
	v2 =	vmulhi.u32 $0x418938, v8  }
0x78: {  	v26 =	vld [tilespmem:$0x30];
	v27 =	vsel vm6, $0xFFFFFFFF, v0  }
0x79: {  	v30 =	vsub.s32 $0x0, v8;
	v3 =	vadd.s32 v3, v9;
	v28 =	vmul.u32 $0xFFFFFC18, v2  }
0x7a: {  	vm6 =	vlt.s32 v5, $0x1;
	v29 =	vadd.s32 v27, v22;
	v3 =	vshll.u32 v3, $0x9  }
0x7b: {  	v9 =	vmul.u32 $0x7FFC18, v29;
	v3 =	vadd.s32 v4, v3;
	vm7 =	vne.s32 v28, v30  }
0x7c: {  	v31 =	vadd.s32 $0x80, v3;
	v32 =	vadd.s32 $0x100, v3;
	vm6 =	vmand vm6, vm7  }
0x7d: {  	v34 =	vld [tilespmem:$0x40];
	v1 =	vadd.s32 v1, v9;
	v33 =	vsel vm6, $0xFFFFFFFF, v0;
	vm6 =	vgt.s32 v26, $0x0  }
0x7e: {  	v1 =	vshll.u32 v1, $0x9;
	v2 =	vadd.s32 v33, v2;
	v35 =	vnsel vm6, $0x0, v26  }
0x7f: {  	v1 =	vadd.s32 v29, v1;
	v36 =	vmul.u32 $0x7FFC18, v2;
	v9 =	vmin.u32 v35, $0x1F3FF  }
0x80: {  	v11 =	vadd.s32 $0x180, v3;
	v12 =	vadd.s32 $0x80, v1;
	v13 =	vmulhi.u32 $0x418938, v9  }
0x81: {  	v37 =	vld [tilespmem:$0x50];
	v14 =	vadd.s32 $0x100, v1;
	v15 =	vadd.s32 $0x180, v1;
	v4 =	vadd.s32 v8, v36  }
0x82: {  	[tilespmem:$0x60] =	vst v3;
	vm6 =	vgt.s32 v34, $0x0;
	v3 =	vshll.u32 v4, $0x9;
	v38 =	vmul.u32 $0xFFFFFC18, v13  }
0x83: {  	[tilespmem:$0xC0] =	vst v31;
	v39 =	vnsel vm6, $0x0, v34;
	v2 =	vadd.s32 v2, v3;
	v3 =	vsub.s32 $0x0, v9  }
0x84: {  	[tilespmem:$0x120] =	vst v32;
	vm6 =	vlt.s32 v26, $0x1;
	vm7 =	vne.s32 v38, v3;
	v3 =	vmin.u32 v39, $0x1F3FF  }
0x85: {  	[tilespmem:$0x180] =	vst v11;
	v40 =	vadd.s32 $0x80, v2;
	vm6 =	vmand vm6, vm7;
	v5 =	vmulhi.u32 $0x418938, v3  }
0x86: {  	[tilespmem:$0x70] =	vst v1;
	v1 =	vadd.s32 $0x100, v2;
	v41 =	vsel vm6, $0xFFFFFFFF, v0;
	vm6 =	vgt.s32 v37, $0x0  }
0x87: {  	[tilespmem:$0xD0] =	vst v12;
	v45 =	vsub.s32 $0x0, v3;
	v42 =	vmul.u32 $0xFFFFFC18, v5;
	v43 =	vnsel vm6, $0x0, v37  }
0x88: {  	[tilespmem:$0x130] =	vst v14;
	v6 =	vadd.s32 v41, v13;
	vm6 =	vlt.s32 v34, $0x1;
	v11 =	vmin.u32 v43, $0x1F3FF  }
0x89: {  	[tilespmem:$0x190] =	vst v15;
	v44 =	vmul.u32 $0x7FFC18, v6;
	vm7 =	vne.s32 v42, v45;
	v46 =	vmulhi.u32 $0x418938, v11  }
0x8a: {  	[tilespmem:$0x80] =	vst v2;
	v2 =	vadd.s32 $0x180, v2;
	v51 =	vsub.s32 $0x0, v11;
	vm6 =	vmand vm6, vm7  }
0x8b: {  	[tilespmem:$0xE0] =	vst v40;
	v9 =	vadd.s32 v9, v44;
	v48 =	vsel vm6, $0xFFFFFFFF, v0;
	v49 =	vmul.u32 $0xFFFFFC18, v46  }
0x8c: {  	[tilespmem:$0x140] =	vst v1;
	v47 =	vshll.u32 v9, $0x9;
	vm6 =	vlt.s32 v37, $0x1;
	v50 =	vadd.s32 v48, v5  }
0x8d: {  	[tilespmem:$0x1A0] =	vst v2;
	v1 =	vadd.s32 v6, v47;
	v2 =	vmul.u32 $0x7FFC18, v50;
	vm7 =	vne.s32 v49, v51  }
0x8e: {  	[tilespmem:$0x90] =	vst v1;
	v52 =	vadd.s32 $0x80, v1;
	vm6 =	vmand vm6, vm7  }
0x8f: {  	v53 =	vadd.s32 $0x100, v1;
	[tilespmem:$0xF0] =	vst v52;
	v2 =	vadd.s32 v3, v2;
	v3 =	vsel vm6, $0xFFFFFFFF, v0  }
0x90: {  	v1 =	vadd.s32 $0x180, v1;
	[tilespmem:$0x150] =	vst v53;
	v2 =	vshll.u32 v2, $0x9;
	v3 =	vadd.s32 v3, v46  }
0x91: {  	[tilespmem:$0x1B0] =	vst v1;
	v1 =	vadd.s32 v50, v2;
	v2 =	vmul.u32 $0x7FFC18, v3  }
0x92: {  	[tilespmem:$0xA0] =	vst v1;
	v4 =	vadd.s32 $0x80, v1  }
0x93: {  	v54 =	vadd.s32 $0x100, v1;
	[tilespmem:$0x100] =	vst v4;
	v2 =	vadd.s32 v11, v2  }
0x94: {  	v1 =	vadd.s32 $0x180, v1;
	[tilespmem:$0x160] =	vst v54;
	v2 =	vshll.u32 v2, $0x9  }
0x95: {  	[tilespmem:$0x1C0] =	vst v1;
	v1 =	vadd.s32 v3, v2  }
0x96: {  	[tilespmem:$0xB0] =	vst v1;
	v2 =	vadd.s32 $0x80, v1  }
0x97: {  	[tilespmem:$0x110] =	vst v2;
	v2 =	vadd.s32 $0x100, v1  }
0x98: {  	v1 =	vadd.s32 $0x180, v1;
	[tilespmem:$0x170] =	vst v2  }
0x99: {  	[tilespmem:$0x1D0] =	vst v1  }
0x9a: {  	[tilespmem:s6], [sflag:$0x1] =	stream.indirect.gather [hbm4b:s1+s5], $0x1, s5, s5, $0xb8;
	[tilespmem:$0x680] =	vst v63  }
0x9b: {  	_ = 	snop  }
0x9c: {  	[tilespmem:s8], [sflag:$0x1] =	stream.indirect.gather [hbm4b:s1+s5], $0x1, s7, s5, $0xb8;
	[tilespmem:$0x680] =	vst v63  }
0x9d: {  	_ = 	snop  }
0x9e: {  	[tilespmem:s10], [sflag:$0x1] =	stream.indirect.gather [hbm4b:s1+s5], $0x1, s9, s5, $0xb8;
	[tilespmem:$0x680] =	vst v63  }
0x9f: {  	_ = 	snop  }
0xa0: {  	[tilespmem:s12], [sflag:$0x1] =	stream.indirect.gather [hbm4b:s1+s5], $0x1, s11, s5, $0xb8;
	[tilespmem:$0x680] =	vst v63  }
0xa1: {  	_ =	swait.ge [sflag:s13], $0x60  }
0xa2: {  	[sflag:s13] =	ssyncset.done $0x0  }
0xa3: {  	[sflag:s13] =	ssyncadd.s32 $0xFFFFFFA0  }
0xa4: {  	_ =	swait.ge [sflag:s13], $0x60  }
0xa5: {  	[sflag:s13] =	ssyncset.done $0x0  }
0xa6: {  	[sflag:s13] =	ssyncadd.s32 $0xFFFFFFA0  }
0xa7: {  	_ =	swait.ge [sflag:s13], $0x60  }
0xa8: {  	[sflag:s13] =	ssyncset.done $0x0  }
0xa9: {  	[sflag:s13] =	ssyncadd.s32 $0xFFFFFFA0  }
0xaa: {  	_ =	swait.ge [sflag:s13], $0x60  }
0xab: {  	[sflag:s13] =	ssyncset.done $0x0  }
0xac: {  	[sflag:s13] =	ssyncadd.s32 $0xFFFFFFA0  }
0xad: {  	v1 =	vld [tilespmem:$0x1E0]  }
0xae: {  	v2 =	vld [tilespmem:$0x240]  }
0xaf: {  	v3 =	vld [tilespmem:$0x360]  }
0xb0: {  	v55 =	vld [tilespmem:$0x420]  }
0xb1: {  	v56 =	vld [tilespmem:$0x4E0]  }
0xb2: {  	v57 =	vld [tilespmem:$0x480]  }
0xb3: {  	v58 =	vld [tilespmem:$0x540]  }
0xb4: {  	v59 =	vld [tilespmem:$0x3C0]  }
0xb5: {  	v9 =	vld [tilespmem:$0x2A0]  }
0xb6: {  	v60 =	vld [tilespmem:$0x5A0]  }
0xb7: {  	v61 =	vld [tilespmem:$0x600]  }
0xb8: {  	v12 =	vld [tilespmem:$0x300]  }
0xb9: {  	v38 =	vld [tilespmem:$0x430]  }
0xba: {  	v41 =	vld [tilespmem:$0x490]  }
0xbb: {  	v15 =	vld [tilespmem:$0x1F0]  }
0xbc: {  	v27 =	vld [tilespmem:$0x370];
	(erf) = vrcp.f32 v56  }
0xbd: {  	v22 =	vld [tilespmem:$0x2B0];
	v4 =	vmul.f32 $5.000000000e-01, v55;
	v6 =	vmul.f32 $5.000000000e-01, v57  }
0xbe: {  	v44 =	vld [tilespmem:$0x4F0];
	v16 =	vsub.f32 v9, v1;
	v17 =	vsub.f32 v12, v2;
	v50 =	vmul.f32 $5.000000000e-01, v38  }
0xbf: {  	v47 =	vld [tilespmem:$0x5B0];
	v51 =	vmul.f32 $5.000000000e-01, v41;
	v62 =	vsub.f32 v3, v4;
	v63 =	vsub.f32 v59, v6  }
0xc0: {  	(erf) = vrcp.f32 v58;
	v3 =	vadd.f32 v4, v3;
	v4 =	vadd.f32 v6, v59  }
0xc1: {  	v52 =	vsub.f32 v27, v50;
	v5 =	vmul.f32 v56, v62;
	v35 =	vmul.f32 v58, v63  }
0xc2: {  	v10 =	vadd.f32 v50, v27;
	v36 =	vmul.f32 v60, v3;
	v8 =	vmul.f32 v61, v4  }
0xc3: {  	v16 =	vmul.f32 v17, v16;
	v53 =	vmul.f32 v44, v52;
	v56 =	vsub.f32 v22, v15  }
0xc4: {  	v43 =	vld [tilespmem:$0x3D0];
	v55 =	vmul.f32 v47, v10;
	v19 =	vsub.f32 v36, v5;
	v20 =	vsub.f32 v8, v35  }
0xc5: {  	v21 =	vmin.f32 v9, v36;
	v24 =	vmax.f32 v1, v5;
	v25 =	vmin.f32 v12, v8  }
0xc6: {  	v26 =	vmax.f32 v2, v35;
	v7 =	vmax.f32 v9, v36;
	v28 =	vsub.f32 v55, v53  }
0xc7: {  	v45 =	vmax.f32 v12, v8;
	v21 =	vsub.f32 v21, v24;
	v37 =	vsub.f32 v25, v26  }
0xc8: {  	v46 =	vld [tilespmem:$0x550];
	v30 =	vmin.f32 v22, v55;
	v31 =	vmax.f32 v15, v53;
	v40 =	vmul.f32 v20, v19  }
0xc9: {  	v19 =	vsub.f32 v43, v51;
	v23 =	vpop (erf);
	v21 =	vmax.f32 v21, $0.0e+00;
	v24 =	vmax.f32 v37, $0.0e+00  }
0xca: {  	v18 =	vld [tilespmem:$0x250];
	(erf) = vrcp.f32 v60;
	v23 =	vmul.f32 v23, v1;
	v39 =	vpop (erf);
	v16 =	vadd.f32 v40, v16  }
0xcb: {  	v49 =	vld [tilespmem:$0x610];
	v1 =	vmin.f32 v1, v5;
	v42 =	vmul.f32 v39, v2;
	v2 =	vmin.f32 v2, v35  }
0xcc: {  	v21 =	vmul.f32 v24, v21;
	v1 =	vsub.f32 v7, v1;
	v2 =	vsub.f32 v45, v2  }
0xcd: {  	v58 =	vsub.f32 v30, v31;
	(erf) = vrcp.f32 v61;
	v54 =	vmul.f32 v46, v19  }
0xce: {  	v48 =	vsub.f32 v16, v21;
	v16 =	vadd.f32 v51, v43;
	v1 =	vmul.f32 v2, v1;
	v2 =	vld [tilespmem:$0x310]  }
0xcf: {  	v61 =	vmax.f32 v58, $0.0e+00;
	v13 =	vsub.f32 v23, v62;
	v33 =	vmax.f32 v18, v54  }
0xd0: {  	v14 =	vsub.f32 v42, v63;
	(erf) = vrcp.f32 v48;
	v26 =	vmul.f32 v49, v16  }
0xd1: {  	v31 =	vmin.f32 v18, v54;
	v13 =	vand.u32 $0x7FFFFFFF, v13;
	(erf) = vrcp.f32 v1  }
0xd2: {  	v14 =	vand.u32 $0x7FFFFFFF, v14;
	v29 =	vsub.f32 v26, v54;
	(erf) = vrcp.f32 v44  }
0xd3: {  	v13 =	vadd.f32 v14, v13;
	v57 =	vsub.f32 v2, v18;
	v32 =	vmin.f32 v2, v26  }
0xd4: {  	v1 =	vsub.f32 v1, v48;
	(erf) = vrcp.f32 v46;
	v59 =	vsub.f32 v32, v33  }
0xd5: {  	v60 =	vmul.f32 v29, v28;
	v28 =	vmax.f32 v22, v55;
	v17 =	vmul.f32 v57, v56  }
0xd6: {  	v29 =	vmin.f32 v15, v53;
	(erf) = vrcp.f32 v47;
	v62 =	vmax.f32 v59, $0.0e+00  }
0xd7: {  	v14 =	vld [tilespmem:$0x260];
	v30 =	vmax.f32 v2, v26;
	v32 =	vpop (erf);
	v5 =	vmul.f32 v62, v61;
	v63 =	vadd.f32 v60, v17  }
0xd8: {  	v33 =	vsub.f32 v28, v29;
	v34 =	vsub.f32 v30, v31;
	v59 =	vld [tilespmem:$0x320];
	v9 =	vmul.f32 v32, v9;
	v35 =	vpop (erf)  }
0xd9: {  	v50 =	vld [tilespmem:$0x500];
	(erf) = vrcp.f32 v49;
	v36 =	vpop (erf);
	v37 =	vmul.f32 v35, v12;
	v6 =	vsub.f32 v63, v5  }
0xda: {  	v47 =	vld [tilespmem:$0x440];
	v8 =	vmul.f32 v34, v33;
	v3 =	vsub.f32 v9, v3;
	v38 =	vpop (erf);
	v48 =	vmul.f32 v36, v21  }
0xdb: {  	v45 =	vld [tilespmem:$0x380];
	v39 =	vpop (erf);
	v4 =	vsub.f32 v37, v4;
	v1 =	vmul.f32 v1, v38;
	(erf) = vrcp.f32 v6  }
0xdc: {  	v51 =	vld [tilespmem:$0x4A0];
	v3 =	vand.u32 $0x7FFFFFFF, v3;
	v40 =	vmul.f32 v39, v15;
	v6 =	vsub.f32 v8, v6  }
0xdd: {  	v56 =	vld [tilespmem:$0x5C0];
	v41 =	vpop (erf);
	v29 =	vsub.f32 v59, v14;
	(erf) = vrcp.f32 v8;
	v3 =	vadd.f32 v3, v13  }
0xde: {  	v57 =	vld [tilespmem:$0x2C0];
	v42 =	vmul.f32 v41, v18;
	v4 =	vand.u32 $0x7FFFFFFF, v4;
	v1 =	vsub.f32 v1, v48  }
0xdf: {  	v15 =	vld [tilespmem:$0x200];
	v44 =	vpop (erf);
	v13 =	vmul.f32 $5.000000000e-01, v47;
	v43 =	vsub.f32 v40, v52;
	v3 =	vadd.f32 v4, v3  }
0xe0: {  	v54 =	vld [tilespmem:$0x3E0];
	v9 =	vmul.f32 v44, v22;
	v46 =	vsub.f32 v42, v19;
	v1 =	vadd.f32 $1.000000000e+00, v1  }
0xe1: {  	v58 =	vld [tilespmem:$0x620];
	v60 =	vsub.f32 v45, v13;
	v11 =	vadd.f32 v13, v45;
	v7 =	vand.u32 $0x7FFFFFFF, v43  }
0xe2: {  	v52 =	vld [tilespmem:$0x560];
	v49 =	vpop (erf);
	v9 =	vsub.f32 v9, v10;
	v10 =	vmul.f32 $5.000000000e-01, v51;
	v4 =	vand.u32 $0x7FFFFFFF, v46  }
0xe3: {  	v43 =	vld [tilespmem:$0x4B0];
	v2 =	vmul.f32 v49, v2;
	v3 =	vnsel vm5, $0x0, v3;
	v1 =	vnsel vm5, $0x0, v1  }
0xe4: {  	v62 =	vmul.f32 v56, v11;
	v28 =	vsub.f32 v57, v15;
	v4 =	vadd.f32 v4, v7  }
0xe5: {  	v9 =	vand.u32 $0x7FFFFFFF, v9;
	v61 =	vsub.f32 v54, v10;
	v8 =	vadd.f32 v10, v54  }
0xe6: {  	v2 =	vsub.f32 v2, v16;
	v31 =	vmin.f32 v57, v62;
	v4 =	vadd.f32 v9, v4  }
0xe7: {  	v42 =	vld [tilespmem:$0x450];
	v7 =	vmul.f32 v52, v61;
	v63 =	vmul.f32 v58, v8;
	v9 =	vmax.f32 v57, v62  }
0xe8: {  	v44 =	vld [tilespmem:$0x3F0];
	v53 =	vpop (erf);
	v2 =	vand.u32 $0x7FFFFFFF, v2;
	(erf) = vrcp.f32 v50;
	v10 =	vmul.f32 $5.000000000e-01, v43  }
0xe9: {  	v40 =	vld [tilespmem:$0x390];
	v5 =	vmul.f32 v53, v5;
	v55 =	vpop (erf);
	v2 =	vadd.f32 v2, v4;
	(erf) = vrcp.f32 v52  }
0xea: {  	v24 =	vld [tilespmem:$0x2D0];
	v30 =	vsub.f32 v63, v7;
	v34 =	vmin.f32 v59, v63;
	v35 =	vmax.f32 v14, v7  }
0xeb: {  	v23 =	vld [tilespmem:$0x210];
	v4 =	vmul.f32 v29, v28;
	v12 =	vmax.f32 v59, v63;
	v7 =	vmin.f32 v14, v7  }
0xec: {  	v52 =	vmul.f32 $5.000000000e-01, v42;
	v6 =	vmul.f32 v6, v55;
	v36 =	vsub.f32 v34, v35  }
0xed: {  	v47 =	vld [tilespmem:$0x510];
	(erf) = vrcp.f32 v56;
	v7 =	vsub.f32 v12, v7;
	v54 =	vsub.f32 v44, v10  }
0xee: {  	v49 =	vld [tilespmem:$0x570];
	v10 =	vadd.f32 v10, v44;
	v2 =	vnsel vm4, $0x0, v2;
	v53 =	vsub.f32 v40, v52  }
0xef: {  	v5 =	vsub.f32 v6, v5;
	v3 =	vadd.f32 v2, v3;
	v2 =	vmul.f32 v50, v60  }
0xf0: {  	(erf) = vrcp.f32 v58;
	v13 =	vadd.f32 v52, v40;
	v58 =	vsub.f32 v24, v23;
	v50 =	vld [tilespmem:$0x5D0]  }
0xf1: {  	v22 =	vmax.f32 v36, $0.0e+00;
	v5 =	vadd.f32 $1.000000000e+00, v5;
	v33 =	vmax.f32 v15, v2  }
0xf2: {  	v18 =	vsub.f32 v62, v2;
	v2 =	vmin.f32 v15, v2;
	v20 =	vsub.f32 v31, v33  }
0xf3: {  	v55 =	vmul.f32 v49, v54;
	v2 =	vsub.f32 v9, v2;
	v9 =	vmul.f32 v47, v53  }
0xf4: {  	v51 =	vld [tilespmem:$0x630];
	v5 =	vnsel vm4, $0x0, v5;
	v38 =	vmul.f32 v30, v18;
	v20 =	vmax.f32 v20, $0.0e+00  }
0xf5: {  	v32 =	vpop (erf);
	v1 =	vadd.f32 v5, v1;
	v2 =	vmul.f32 v7, v2;
	v56 =	vmul.f32 v50, v13  }
0xf6: {  	v18 =	vld [tilespmem:$0x270];
	v21 =	vmul.f32 v32, v15;
	v37 =	vpop (erf);
	v5 =	vmul.f32 v22, v20;
	v4 =	vadd.f32 v38, v4  }
0xf7: {  	v63 =	vmax.f32 v23, v9;
	v39 =	vmul.f32 v37, v14;
	v41 =	vpop (erf);
	v62 =	vmin.f32 v24, v56  }
0xf8: {  	v16 =	vsub.f32 v21, v60;
	v19 =	vmul.f32 v41, v57;
	v4 =	vsub.f32 v4, v5  }
0xf9: {  	v46 =	vpop (erf);
	v57 =	vmul.f32 v51, v10;
	v60 =	vsub.f32 v56, v9;
	v22 =	vsub.f32 v62, v63  }
0xfa: {  	v9 =	vmin.f32 v23, v9;
	v17 =	vsub.f32 v39, v61;
	v6 =	vmul.f32 v46, v59  }
0xfb: {  	v31 =	vmax.f32 v18, v55;
	v14 =	vmin.f32 v18, v55;
	(erf) = vrcp.f32 v4  }
0xfc: {  	v45 =	vand.u32 $0x7FFFFFFF, v16;
	v6 =	vsub.f32 v6, v8;
	(erf) = vrcp.f32 v2;
	v8 =	vld [tilespmem:$0x330]  }
0xfd: {  	v11 =	vsub.f32 v19, v11;
	v48 =	vand.u32 $0x7FFFFFFF, v17;
	(erf) = vrcp.f32 v47  }
0xfe: {  	v61 =	vsub.f32 v57, v55;
	v12 =	vadd.f32 v48, v45;
	(erf) = vrcp.f32 v49  }
0xff: {  	v4 =	vsub.f32 v2, v4;
	v2 =	vmax.f32 v22, $0.0e+00;
	v11 =	vand.u32 $0x7FFFFFFF, v11  }
0x100: {  	v20 =	vld [tilespmem:$0x220];
	v33 =	vmul.f32 v61, v60;
	v11 =	vadd.f32 v11, v12;
	(erf) = vrcp.f32 v50  }
0x101: {  	v17 =	vld [tilespmem:$0x2E0];
	v6 =	vand.u32 $0x7FFFFFFF, v6;
	v59 =	vsub.f32 v8, v18;
	v30 =	vmin.f32 v8, v57  }
0x102: {  	(erf) = vrcp.f32 v51;
	v6 =	vadd.f32 v6, v11;
	v32 =	vsub.f32 v30, v31  }
0x103: {  	v45 =	vld [tilespmem:$0x4C0];
	v11 =	vmax.f32 v24, v56;
	v16 =	vmax.f32 v8, v57;
	v7 =	vmul.f32 v59, v58  }
0x104: {  	v42 =	vld [tilespmem:$0x520];
	v9 =	vsub.f32 v11, v9;
	v41 =	vsub.f32 v16, v14;
	v34 =	vpop (erf);
	v35 =	vmax.f32 v32, $0.0e+00  }
0x105: {  	v39 =	vld [tilespmem:$0x460];
	v6 =	vnsel vm3, $0x0, v6;
	v36 =	vpop (erf);
	v2 =	vmul.f32 v35, v2;
	v7 =	vadd.f32 v33, v7  }
0x106: {  	v49 =	vld [tilespmem:$0x400];
	v58 =	vsub.f32 v17, v20;
	v9 =	vmul.f32 v41, v9;
	v5 =	vmul.f32 v34, v5;
	v38 =	vpop (erf)  }
0x107: {  	v28 =	vld [tilespmem:$0x2F0];
	v4 =	vmul.f32 v4, v36;
	v40 =	vpop (erf);
	v43 =	vmul.f32 v38, v23;
	v7 =	vsub.f32 v7, v2  }
0x108: {  	v37 =	vld [tilespmem:$0x3A0];
	v3 =	vadd.f32 v6, v3;
	v44 =	vmul.f32 v40, v18;
	v18 =	vmul.f32 $5.000000000e-01, v45  }
0x109: {  	v46 =	vld [tilespmem:$0x580];
	v48 =	vpop (erf);
	v4 =	vsub.f32 v4, v5;
	v12 =	vsub.f32 v43, v53;
	(erf) = vrcp.f32 v7  }
0x10a: {  	v52 =	vld [tilespmem:$0x640];
	v50 =	vmul.f32 v48, v24;
	v53 =	vmul.f32 $5.000000000e-01, v39;
	v7 =	vsub.f32 v9, v7  }
0x10b: {  	v51 =	vld [tilespmem:$0x5E0];
	v55 =	vpop (erf);
	v47 =	vsub.f32 v44, v54;
	(erf) = vrcp.f32 v9;
	v25 =	vsub.f32 v49, v18  }
0x10c: {  	v40 =	vld [tilespmem:$0x470];
	v8 =	vmul.f32 v55, v8;
	v4 =	vadd.f32 $1.000000000e+00, v4;
	v12 =	vand.u32 $0x7FFFFFFF, v12  }
0x10d: {  	v22 =	vld [tilespmem:$0x280];
	(erf) = vrcp.f32 v42;
	v6 =	vsub.f32 v50, v13;
	v24 =	vsub.f32 v37, v53  }
0x10e: {  	v43 =	vld [tilespmem:$0x4D0];
	v15 =	vadd.f32 v53, v37;
	v16 =	vand.u32 $0x7FFFFFFF, v47;
	(erf) = vrcp.f32 v46  }
0x10f: {  	v19 =	vld [tilespmem:$0x290];
	v11 =	vmul.f32 v46, v25;
	v8 =	vsub.f32 v8, v10;
	v4 =	vnsel vm3, $0x0, v4  }
0x110: {  	v14 =	vld [tilespmem:$0x230];
	v54 =	vadd.f32 v16, v12;
	v6 =	vand.u32 $0x7FFFFFFF, v6;
	v56 =	vmul.f32 v42, v24  }
0x111: {  	v33 =	vld [tilespmem:$0x350];
	v16 =	vadd.f32 v18, v49;
	v57 =	vmul.f32 v51, v15;
	v49 =	vmul.f32 $5.000000000e-01, v40  }
0x112: {  	v38 =	vld [tilespmem:$0x3B0];
	(erf) = vrcp.f32 v51;
	v1 =	vadd.f32 v4, v1;
	v37 =	vmax.f32 v22, v11  }
0x113: {  	v44 =	vld [tilespmem:$0x410];
	v8 =	vand.u32 $0x7FFFFFFF, v8;
	v51 =	vmul.f32 $5.000000000e-01, v43;
	v5 =	vadd.f32 v6, v54  }
0x114: {  	v12 =	vld [tilespmem:$0x340];
	v18 =	vmul.f32 v52, v16;
	v60 =	vsub.f32 v57, v56;
	v62 =	vmin.f32 v17, v57  }
0x115: {  	v45 =	vld [tilespmem:$0x530];
	v35 =	vmax.f32 v20, v56;
	v6 =	vmin.f32 v20, v56;
	v56 =	vsub.f32 v28, v14  }
0x116: {  	v10 =	vmax.f32 v17, v57;
	v57 =	vsub.f32 v33, v19;
	v32 =	vsub.f32 v62, v35  }
0x117: {  	v46 =	vld [tilespmem:$0x590];
	(erf) = vrcp.f32 v52;
	v6 =	vsub.f32 v10, v6;
	v10 =	vsub.f32 v38, v49  }
0x118: {  	v13 =	vsub.f32 v44, v51;
	v61 =	vsub.f32 v18, v11;
	v11 =	vmin.f32 v22, v11  }
0x119: {  	v5 =	vadd.f32 v8, v5;
	v59 =	vsub.f32 v12, v22;
	v36 =	vmin.f32 v12, v18  }
0x11a: {  	v32 =	vmax.f32 v32, $0.0e+00;
	v52 =	vmul.f32 v45, v10;
	v63 =	vsub.f32 v36, v37  }
0x11b: {  	v48 =	vld [tilespmem:$0x5F0];
	v23 =	vpop (erf);
	v18 =	vmax.f32 v12, v18;
	v42 =	vmul.f32 v61, v60;
	v26 =	vmul.f32 v59, v58  }
0x11c: {  	v50 =	vld [tilespmem:$0x650];
	v53 =	vmul.f32 v46, v13;
	v29 =	vpop (erf);
	v47 =	vsub.f32 v18, v11;
	v35 =	vmax.f32 v63, $0.0e+00  }
0x11d: {  	v18 =	vadd.f32 v49, v38;
	v34 =	vpop (erf);
	v32 =	vmul.f32 v35, v32;
	v26 =	vadd.f32 v42, v26  }
0x11e: {  	v61 =	vmul.f32 v57, v56;
	v38 =	vmin.f32 v14, v52;
	v34 =	vmul.f32 v34, v20  }
0x11f: {  	v41 =	vpop (erf);
	v6 =	vmul.f32 v47, v6;
	v21 =	vsub.f32 v26, v32;
	v26 =	vadd.f32 v51, v44  }
0x120: {  	v8 =	vmin.f32 v19, v53;
	v54 =	vmul.f32 v48, v18;
	v31 =	vmul.f32 v41, v22  }
0x121: {  	v41 =	vmax.f32 v14, v52;
	v42 =	vmax.f32 v19, v53;
	v55 =	vmul.f32 v50, v26  }
0x122: {  	v39 =	vsub.f32 v54, v52;
	v40 =	vmin.f32 v28, v54;
	v24 =	vsub.f32 v34, v24  }
0x123: {  	(erf) = vrcp.f32 v21;
	v58 =	vmin.f32 v33, v55;
	v60 =	vsub.f32 v55, v53  }
0x124: {  	v40 =	vsub.f32 v40, v41;
	(erf) = vrcp.f32 v6;
	v59 =	vsub.f32 v58, v42  }
0x125: {  	v37 =	vmax.f32 v28, v54;
	(erf) = vrcp.f32 v45;
	v62 =	vmul.f32 v60, v39  }
0x126: {  	v63 =	vmax.f32 v40, $0.0e+00;
	(erf) = vrcp.f32 v46;
	v27 =	vmax.f32 v59, $0.0e+00  }
0x127: {  	v39 =	vmax.f32 v33, v55;
	v34 =	vmul.f32 v27, v63;
	v9 =	vadd.f32 v62, v61  }
0x128: {  	v20 =	vsub.f32 v37, v38;
	(erf) = vrcp.f32 v48;
	v8 =	vsub.f32 v39, v8  }
0x129: {  	v2 =	vmul.f32 v23, v2;
	v41 =	vpop (erf);
	(erf) = vrcp.f32 v50;
	v9 =	vsub.f32 v9, v34  }
0x12a: {  	v7 =	vmul.f32 v7, v29;
	v47 =	vnsel vm2, $0x0, v5;
	v8 =	vmul.f32 v8, v20  }
0x12b: {  	v40 =	vsub.f32 v31, v25;
	v17 =	vmul.f32 v41, v17;
	v42 =	vpop (erf);
	(erf) = vrcp.f32 v9  }
0x12c: {  	v3 =	vadd.f32 v47, v3;
	v2 =	vsub.f32 v7, v2;
	v44 =	vpop (erf);
	(erf) = vrcp.f32 v8  }
0x12d: {  	v43 =	vand.u32 $0x7FFFFFFF, v24;
	v23 =	vand.u32 $0x7FFFFFFF, v40;
	v15 =	vsub.f32 v17, v15;
	v45 =	vpop (erf)  }
0x12e: {  	v2 =	vadd.f32 $1.000000000e+00, v2;
	v48 =	vadd.f32 v23, v43;
	v46 =	vpop (erf)  }
0x12f: {  	v6 =	vsub.f32 v6, v21;
	v52 =	vmul.f32 v42, v12;
	v50 =	vand.u32 $0x7FFFFFFF, v15;
	v49 =	vpop (erf)  }
0x130: {  	v4 =	vadd.f32 v50, v48;
	v53 =	vmul.f32 v46, v14;
	v54 =	vmul.f32 v49, v19  }
0x131: {  	v5 =	vsub.f32 v52, v16;
	v55 =	vmul.f32 v44, v32;
	v6 =	vmul.f32 v6, v45;
	v51 =	vpop (erf)  }
0x132: {  	v7 =	vmul.f32 v51, v28;
	v10 =	vsub.f32 v53, v10;
	v56 =	vpop (erf);
	v13 =	vsub.f32 v54, v13  }
0x133: {  	v8 =	vsub.f32 v8, v9;
	v6 =	vsub.f32 v6, v55;
	v12 =	vmul.f32 v56, v33  }
0x134: {  	v7 =	vsub.f32 v7, v18;
	v10 =	vand.u32 $0x7FFFFFFF, v10;
	v13 =	vand.u32 $0x7FFFFFFF, v13;
	v57 =	vpop (erf)  }
0x135: {  	v5 =	vand.u32 $0x7FFFFFFF, v5;
	v12 =	vsub.f32 v12, v26;
	v58 =	vadd.f32 v13, v10;
	v59 =	vpop (erf)  }
0x136: {  	v7 =	vand.u32 $0x7FFFFFFF, v7;
	v11 =	vmul.f32 v57, v34;
	v8 =	vmul.f32 v8, v59  }
0x137: {  	v2 =	vnsel vm2, $0x0, v2;
	v4 =	vadd.f32 v5, v4;
	v60 =	vadd.f32 v7, v58  }
0x138: {  	v6 =	vadd.f32 $1.000000000e+00, v6;
	v61 =	vand.u32 $0x7FFFFFFF, v12;
	v8 =	vsub.f32 v8, v11  }
0x139: {  	v1 =	vadd.f32 v2, v1;
	v2 =	vnsel vm1, $0x0, v4;
	v62 =	vadd.f32 v61, v60  }
0x13a: {  	v2 =	vadd.f32 v2, v3;
	v3 =	vnsel vm1, $0x0, v6;
	v63 =	vadd.f32 $1.000000000e+00, v8  }
0x13b: {  	v1 =	vadd.f32 v3, v1;
	v3 =	vnsel vm0, $0x0, v62  }
0x13c: {  	v2 =	vadd.f32 v3, v2;
	v3 =	vnsel vm0, $0x0, v63  }
0x13d: {  	s4 =	sadd.s32 $0xFFFFFFFF, s4;
	v1 =	vadd.f32 v3, v1  }
0x13e: {  	p1 =	sne.s32 s4, $0x0;
	[tilespmem:$0x660] =	vst v2  }
.Ltmp0:
0x13f: {  	s31 =	rddreg [dreg:$0x16];
	[tilespmem:$0x670] =	vst v1;
	(pc) =	sbr.rel @p1 .LBB2_1-.Ltmp0, $4  }
0x140: {  	[hbm4b:s31+s3] =	stream.linear.scatter [tilespmem:s14], [sflag:$0x2], $0x20, $0x38;
	[tilespmem:$0x680] =	vst v63  }
0x141: {  	_ =	swait.ge [sflag:s15], $0x20  }
0x142: {  	[sflag:s15] =	ssyncset.done $0x0  }
0x143: {  	[sflag:s15] =	ssyncadd.s32 $0xFFFFFFE0  }
0x144: {  	_ =	sfence.sel $0x180000  }
0x145: {  	[bflag:$0x0] =	sbarrier.arrive $0xFFFF  }
0x146: {  	p0 =	sne.s32 s0, $0x0;
	_ =	strace $0x90000047  }
0x147: {  	s0 =	sadd.s32 @!p0 $0x100000, s2;
	[bflag:$0x2] =	sbarrier.arrive $0xFFFF  }
0x148: {  	[sflag:s0] =	ssyncadd.tile.s32 @!p0 $0x1;
	_ =	shalt  }
.Lfunc_end2:
_tile_overlayer_lowered:
.L_overlay_start_2:
0x149: {  	(tag) =	ssettag $0x2  }
0x14a: {  	s0 =	rddreg [dreg:$0x0];
	s2 =	stileid.u32  }
0x14b: {  	s1 =	rddreg [dreg:$0x1];
	p0 =	sne.s32 s2, $0x0  }
0x14c: {  	s3 =	rddreg [dreg:$0x2];
	[bflag:$0x3] =	sbarrier.arrive $0xFFFF;
	s2 =	simm.s32 @!p0 $0x1C02  }
0x14d: {  	[timem:s3], [sflag:s2] =	dma.local @!p0 [hbm:s0], s1  }
0x14e: {  	s0 =	simm.s32 @!p0 $0x2  }
0x14f: {  	_ =	swait.ge @!p0 [sflag:s0], s1  }
0x150: {  	s1 =	ssub.s32 @!p0 $0x0, s1;
	[sflag:s0] =	ssyncset.done @!p0 $0x0  }
0x151: {  	[sflag:s0] =	ssyncadd.s32 @!p0 s1  }
0x152: {  	[bflag:$0x3] =	sbarrier.arrive $0xFFFF  }
0x153: {  	_ =	shalt  }

</sc_bundles>
